<compile_context>
chip_gen: v7x
topology: tpu7x:2x2x1
jax: 0.10.2.dev20260603
libtpu: 0.0.44.dev20260713+nightly
codegen_flags: <defaults>
</compile_context>

<pallas_src>
import functools

import jax
import jax.numpy as jnp
from jax import lax
from jax.experimental import pallas as pl
from jax.experimental.pallas import tpu as pltpu
from jax.experimental.pallas import tpu_sc as plsc

_VOCAB = 100000
_D = 128
_B = 16384
_NEG = 10

_NC = 2
_NS = 16
_NW = _NC * _NS

_CH = 128
_TC_CH = _B // (_NW * _CH)
_NG_ROWS = _B * _NEG
_NG_CH = _NG_ROWS // (_NW * _CH)


def _make_kernel():
    mesh = plsc.VectorSubcoreMesh(core_axis_name="c", subcore_axis_name="s")

    @functools.partial(
        pl.kernel,
        mesh=mesh,
        out_type=(
            jax.ShapeDtypeStruct((_B, _D), jnp.float32),
            jax.ShapeDtypeStruct((_B, _D), jnp.float32),
            jax.ShapeDtypeStruct((_NEG, _B, _D), jnp.float32),
        ),
        scratch_types=[
            pltpu.VMEM((2 * _TC_CH + _NG_CH, _CH), jnp.int32),
            pltpu.VMEM((7, _CH, _D), jnp.float32),
            pltpu.SemaphoreType.DMA,
            pltpu.SemaphoreType.DMA,
            pltpu.SemaphoreType.DMA,
            pltpu.SemaphoreType.DMA,
            pltpu.SemaphoreType.DMA,
            pltpu.SemaphoreType.DMA,
            pltpu.SemaphoreType.DMA,
            pltpu.SemaphoreType.DMA,
            pltpu.SemaphoreType.DMA,
            pltpu.SemaphoreType.DMA,
            pltpu.SemaphoreType.DMA,
            pltpu.SemaphoreType.DMA,
            pltpu.SemaphoreType.DMA,
            pltpu.SemaphoreType.DMA,
        ],
    )
    def nsamp(t_hbm, c_hbm, n_hbm, w_hbm, out_t, out_c, out_n,
              idx_v, bufs, g0, g1, g2, g3, g4, g5, g6, s0, s1, s2, s3, s4, s5, s6):
        wid = lax.axis_index("s") * _NC + lax.axis_index("c")

        ic0 = pltpu.make_async_copy(t_hbm.at[pl.ds(wid * _TC_CH, _TC_CH)],
                                    idx_v.at[pl.ds(0, _TC_CH)], s0)
        ic1 = pltpu.make_async_copy(c_hbm.at[pl.ds(wid * _TC_CH, _TC_CH)],
                                    idx_v.at[pl.ds(_TC_CH, _TC_CH)], s0)
        ic2 = pltpu.make_async_copy(n_hbm.at[pl.ds(wid * _NG_CH, _NG_CH)],
                                    idx_v.at[pl.ds(2 * _TC_CH, _NG_CH)], s0)
        ic0.start()
        ic1.start()
        ic2.start()
        ic0.wait()
        ic1.wait()
        ic2.wait()

        gsems = (g0, g1, g2, g3, g4, g5, g6)
        ssems = (s0, s1, s2, s3, s4, s5, s6)

        def g_copy(ci, b):
            return pltpu.make_async_copy(
                w_hbm.at[idx_v.at[ci]], bufs.at[b], gsems[b])

        def s_copy(dst_slice, b):
            return pltpu.make_async_copy(bufs.at[b], dst_slice, ssems[b])

        def slice2d(out_ref):
            return lambda row: out_ref.at[pl.ds(row, _CH)]

        def slice3d(out_ref):
            return lambda row: out_ref.at[row // _B, pl.ds(row % _B, _CH)]

        NB, LD = 7, 4
        NCH = 2 * _TC_CH + _NG_CH

        dst_t = slice2d(out_t)
        dst_c = slice2d(out_c)
        dst_n = slice3d(out_n)
        row_t = wid * (_TC_CH * _CH)
        row_n = wid * (_NG_CH * _CH)

        def dst_for(k):
            if isinstance(k, int) and k < _TC_CH:
                return dst_t(row_t + k * _CH)
            if isinstance(k, int) and k < 2 * _TC_CH:
                return dst_c(row_t + (k - _TC_CH) * _CH)
            return dst_n(row_n + (k - 2 * _TC_CH) * _CH)

        def step(j, b, refill, br, swait):
            g_copy(j, b).wait()
            s_copy(dst_for(j), b).start()
            if refill:
                if swait:
                    s_copy(dst_n(row_n), br).wait()
                g_copy(j + LD, br).start()

        for j in range(LD):
            g_copy(j, j).start()
        for j in range(2 * _TC_CH):
            step(j, j % NB, True, (j + LD) % NB, j + LD >= NB)
        lo = 2 * _TC_CH
        hi = NCH - LD
        n_mid = ((hi - lo) // NB) * NB

        @pl.loop(lo, lo + n_mid, step=NB)
        def _main(j0):
            for d in range(NB):
                b = (lo + d) % NB
                step(j0 + d, b, True, (b + LD) % NB, True)

        for j in range(lo + n_mid, hi):
            step(j, j % NB, True, (j + LD) % NB, True)
        for j in range(hi, NCH):
            step(j, j % NB, False, 0, False)
        for j in range(NCH - NB, NCH):
            s_copy(dst_n(row_n), j % NB).wait()

    return nsamp


_gather_fused = _make_kernel()


def kernel(target, context, negative_samples, W):
    t2 = target.astype(jnp.int32).reshape(_B // _CH, _CH)
    c2 = context.astype(jnp.int32).reshape(_B // _CH, _CH)
    n2 = negative_samples.astype(jnp.int32).T.reshape(_NG_ROWS // _CH, _CH)
    out_t, out_c, out_n = _gather_fused(t2, c2, n2, W)
    return (out_t, out_c, out_n.transpose(1, 0, 2))

# --- scband reference (transcript-rebuilt; emitter-appended) ---
"""Pipeline reference for scband-negative-sampling-70815420776718 (READ-ONLY COPY).

The authoritative reference and input builder live on the scoring server;
editing this copy changes nothing except your own understanding.
"""

import jax, jax.numpy as jnp
import numpy as np

VOCAB = 100000
EMBED_DIM = 128
BATCH = 16384
NUM_NEG = 10

def setup_inputs(seed: int = 0) -> dict:
    key = jax.random.key(seed)
    k1, k2, k3, k4 = jax.random.split(key, 4)
    target = jax.random.randint(k1, (BATCH,), 0, VOCAB, dtype=jnp.int64) if jax.config.jax_enable_x64 else jax.random.randint(k1, (BATCH,), 0, VOCAB, dtype=jnp.int32)
    context = jax.random.randint(k2, (BATCH,), 0, VOCAB, dtype=target.dtype)
    negative_samples = jax.random.randint(k3, (BATCH, NUM_NEG), 0, VOCAB, dtype=target.dtype)
    # learned parameter: embedding table (matches nn.Embedding(vocab_size, embedding_dim))
    W = jax.random.normal(k4, (VOCAB, EMBED_DIM), dtype=jnp.float32)
    return {"target": target, "context": context, "negative_samples": negative_samples, "W": W}

def reference(target, context, negative_samples, W):
    # Faithful translation of NegativeSampling.forward: three embedding gathers
    target_embeds = jnp.take(W, target, axis=0)
    context_embeds = jnp.take(W, context, axis=0)
    negative_embeds = jnp.take(W, negative_samples, axis=0)
    return (target_embeds, context_embeds, negative_embeds)

if __name__ == "__main__":
    import jax
    _d = setup_inputs()
    print(jax.jit(kernel)(*tuple(_d.values())))

</pallas_src>

<mosaic_0001>
#map = affine_map<(d0, d1) -> (0, 0)>
#map1 = affine_map<(d0, d1) -> (0, 0, 0)>
module attributes {stable_mosaic.version = 14 : i64} {
  func.func @nsamp(%arg0: i32, %arg1: i32, %arg2: memref<128x128xi32, #tpu.memory_space<hbm>>, %arg3: memref<128x128xi32, #tpu.memory_space<hbm>>, %arg4: memref<1280x128xi32, #tpu.memory_space<hbm>>, %arg5: memref<100000x128xf32, #tpu.memory_space<hbm>>, %arg6: memref<16384x128xf32, #tpu.memory_space<hbm>>, %arg7: memref<16384x128xf32, #tpu.memory_space<hbm>>, %arg8: memref<10x16384x128xf32, #tpu.memory_space<hbm>>, %arg9: memref<48x128xi32, #tpu.memory_space<vmem>>, %arg10: memref<7x128x128xf32, #tpu.memory_space<vmem>>, %arg11: memref<!tpu.dma_semaphore, #tpu.memory_space<semaphore_mem>>, %arg12: memref<!tpu.dma_semaphore, #tpu.memory_space<semaphore_mem>>, %arg13: memref<!tpu.dma_semaphore, #tpu.memory_space<semaphore_mem>>, %arg14: memref<!tpu.dma_semaphore, #tpu.memory_space<semaphore_mem>>, %arg15: memref<!tpu.dma_semaphore, #tpu.memory_space<semaphore_mem>>, %arg16: memref<!tpu.dma_semaphore, #tpu.memory_space<semaphore_mem>>, %arg17: memref<!tpu.dma_semaphore, #tpu.memory_space<semaphore_mem>>, %arg18: memref<!tpu.dma_semaphore, #tpu.memory_space<semaphore_mem>>, %arg19: memref<!tpu.dma_semaphore, #tpu.memory_space<semaphore_mem>>, %arg20: memref<!tpu.dma_semaphore, #tpu.memory_space<semaphore_mem>>, %arg21: memref<!tpu.dma_semaphore, #tpu.memory_space<semaphore_mem>>, %arg22: memref<!tpu.dma_semaphore, #tpu.memory_space<semaphore_mem>>, %arg23: memref<!tpu.dma_semaphore, #tpu.memory_space<semaphore_mem>>, %arg24: memref<!tpu.dma_semaphore, #tpu.memory_space<semaphore_mem>>) attributes {dimension_semantics = [#tpu.dimension_semantics<core_parallel>, #tpu.dimension_semantics<subcore_parallel>], iteration_bounds = array<i64: 2, 16>, scalar_prefetch = 0 : i64, scratch_operands = 16 : i64, tpu.core_type = #tpu.core_type<sc_vector_subcore>, window_params = [{transform_indices = #map}, {transform_indices = #map}, {transform_indices = #map}, {transform_indices = #map}, {transform_indices = #map}, {transform_indices = #map}, {transform_indices = #map1}]} {
    %mul3A = arith.constant 2 : i32
    %mul3A_0 = arith.muli %arg1, %mul3A : i32
    %add3A = arith.addi %mul3A_0, %arg0 : i32
    %mul3A_1 = arith.constant 4 : i32
    %mul3A_2 = arith.muli %add3A, %mul3A_1 : i32
    %mul3A_3 = arith.constant 4 : i32
    %mul3A_4 = arith.muli %add3A, %mul3A_3 : i32
    %mul3A_5 = arith.constant 40 : i32
    %mul3A_6 = arith.muli %add3A, %mul3A_5 : i32
    %dma_start3A = arith.constant 0 : i32
    %dma_start3A_7 = arith.constant 0 : i32
    %dma_start3A_8 = tpu.memref_slice %arg9[%dma_start3A, %dma_start3A_7] : memref<48x128xi32, #tpu.memory_space<vmem>> -> memref<4x128xi32, #tpu.memory_space<vmem>>
    %dma_start3A_9 = arith.constant 0 : i32
    %dma_start3A_10 = tpu.memref_slice %arg2[%mul3A_2, %dma_start3A_9] : memref<128x128xi32, #tpu.memory_space<hbm>> -> memref<4x128xi32, #tpu.memory_space<hbm>>
    %dma_start3A_11 = arith.constant 0 : i32
    %dma_start3A_12 = arith.constant 0 : i32
    %dma_start3A_13 = tpu.memref_slice %arg9[%dma_start3A_11, %dma_start3A_12] : memref<48x128xi32, #tpu.memory_space<vmem>> -> memref<4x128xi32, #tpu.memory_space<vmem>>
    %dma_start3A_14 = arith.constant 0 : i32
    %dma_start3A_15 = tpu.memref_slice %arg2[%mul3A_2, %dma_start3A_14] : memref<128x128xi32, #tpu.memory_space<hbm>> -> memref<4x128xi32, #tpu.memory_space<hbm>>
    tpu.enqueue_dma source(%dma_start3A_15 : memref<4x128xi32, #tpu.memory_space<hbm>>) target(%dma_start3A_13 : memref<4x128xi32, #tpu.memory_space<vmem>>) target_semaphore(%arg18 : memref<!tpu.dma_semaphore, #tpu.memory_space<semaphore_mem>>)
    %dma_start3A_16 = arith.constant 4 : i32
    %dma_start3A_17 = arith.constant 0 : i32
    %dma_start3A_18 = tpu.memref_slice %arg9[%dma_start3A_16, %dma_start3A_17] : memref<48x128xi32, #tpu.memory_space<vmem>> -> memref<4x128xi32, #tpu.memory_space<vmem>>
    %dma_start3A_19 = arith.constant 0 : i32
    %dma_start3A_20 = tpu.memref_slice %arg3[%mul3A_4, %dma_start3A_19] : memref<128x128xi32, #tpu.memory_space<hbm>> -> memref<4x128xi32, #tpu.memory_space<hbm>>
    %dma_start3A_21 = arith.constant 4 : i32
    %dma_start3A_22 = arith.constant 0 : i32
    %dma_start3A_23 = tpu.memref_slice %arg9[%dma_start3A_21, %dma_start3A_22] : memref<48x128xi32, #tpu.memory_space<vmem>> -> memref<4x128xi32, #tpu.memory_space<vmem>>
    %dma_start3A_24 = arith.constant 0 : i32
    %dma_start3A_25 = tpu.memref_slice %arg3[%mul3A_4, %dma_start3A_24] : memref<128x128xi32, #tpu.memory_space<hbm>> -> memref<4x128xi32, #tpu.memory_space<hbm>>
    tpu.enqueue_dma source(%dma_start3A_25 : memref<4x128xi32, #tpu.memory_space<hbm>>) target(%dma_start3A_23 : memref<4x128xi32, #tpu.memory_space<vmem>>) target_semaphore(%arg18 : memref<!tpu.dma_semaphore, #tpu.memory_space<semaphore_mem>>)
    %dma_start3A_26 = arith.constant 8 : i32
    %dma_start3A_27 = arith.constant 0 : i32
    %dma_start3A_28 = tpu.memref_slice %arg9[%dma_start3A_26, %dma_start3A_27] : memref<48x128xi32, #tpu.memory_space<vmem>> -> memref<40x128xi32, #tpu.memory_space<vmem>>
    %dma_start3A_29 = arith.constant 0 : i32
    %dma_start3A_30 = tpu.memref_slice %arg4[%mul3A_6, %dma_start3A_29] : memref<1280x128xi32, #tpu.memory_space<hbm>> -> memref<40x128xi32, #tpu.memory_space<hbm>>
    %dma_start3A_31 = arith.constant 8 : i32
    %dma_start3A_32 = arith.constant 0 : i32
    %dma_start3A_33 = tpu.memref_slice %arg9[%dma_start3A_31, %dma_start3A_32] : memref<48x128xi32, #tpu.memory_space<vmem>> -> memref<40x128xi32, #tpu.memory_space<vmem>>
    %dma_start3A_34 = arith.constant 0 : i32
    %dma_start3A_35 = tpu.memref_slice %arg4[%mul3A_6, %dma_start3A_34] : memref<1280x128xi32, #tpu.memory_space<hbm>> -> memref<40x128xi32, #tpu.memory_space<hbm>>
    tpu.enqueue_dma source(%dma_start3A_35 : memref<40x128xi32, #tpu.memory_space<hbm>>) target(%dma_start3A_33 : memref<40x128xi32, #tpu.memory_space<vmem>>) target_semaphore(%arg18 : memref<!tpu.dma_semaphore, #tpu.memory_space<semaphore_mem>>)
    %dma_wait3A = arith.constant 0 : i32
    %dma_wait3A_36 = arith.constant 0 : i32
    %dma_wait3A_37 = tpu.memref_slice %arg9[%dma_wait3A, %dma_wait3A_36] : memref<48x128xi32, #tpu.memory_space<vmem>> -> memref<4x128xi32, #tpu.memory_space<vmem>>
    %dma_wait3A_38 = arith.constant 0 : i32
    %dma_wait3A_39 = tpu.memref_slice %arg2[%mul3A_2, %dma_wait3A_38] : memref<128x128xi32, #tpu.memory_space<hbm>> -> memref<4x128xi32, #tpu.memory_space<hbm>>
    %dma_wait3A_40 = arith.constant 0 : i32
    %dma_wait3A_41 = arith.constant 0 : i32
    %dma_wait3A_42 = tpu.memref_slice %arg9[%dma_wait3A_40, %dma_wait3A_41] : memref<48x128xi32, #tpu.memory_space<vmem>> -> memref<4x128xi32, #tpu.memory_space<vmem>>
    %dma_wait3A_43 = arith.constant 0 : i32
    %dma_wait3A_44 = tpu.memref_slice %arg2[%mul3A_2, %dma_wait3A_43] : memref<128x128xi32, #tpu.memory_space<hbm>> -> memref<4x128xi32, #tpu.memory_space<hbm>>
    tpu.wait_dma2 semaphore(%arg18 : memref<!tpu.dma_semaphore, #tpu.memory_space<semaphore_mem>>) src(%dma_wait3A_44 : memref<4x128xi32, #tpu.memory_space<hbm>>) dst(%dma_wait3A_42 : memref<4x128xi32, #tpu.memory_space<vmem>>)
    %dma_wait3A_45 = arith.constant 4 : i32
    %dma_wait3A_46 = arith.constant 0 : i32
    %dma_wait3A_47 = tpu.memref_slice %arg9[%dma_wait3A_45, %dma_wait3A_46] : memref<48x128xi32, #tpu.memory_space<vmem>> -> memref<4x128xi32, #tpu.memory_space<vmem>>
    %dma_wait3A_48 = arith.constant 0 : i32
    %dma_wait3A_49 = tpu.memref_slice %arg3[%mul3A_4, %dma_wait3A_48] : memref<128x128xi32, #tpu.memory_space<hbm>> -> memref<4x128xi32, #tpu.memory_space<hbm>>
    %dma_wait3A_50 = arith.constant 4 : i32
    %dma_wait3A_51 = arith.constant 0 : i32
    %dma_wait3A_52 = tpu.memref_slice %arg9[%dma_wait3A_50, %dma_wait3A_51] : memref<48x128xi32, #tpu.memory_space<vmem>> -> memref<4x128xi32, #tpu.memory_space<vmem>>
    %dma_wait3A_53 = arith.constant 0 : i32
    %dma_wait3A_54 = tpu.memref_slice %arg3[%mul3A_4, %dma_wait3A_53] : memref<128x128xi32, #tpu.memory_space<hbm>> -> memref<4x128xi32, #tpu.memory_space<hbm>>
    tpu.wait_dma2 semaphore(%arg18 : memref<!tpu.dma_semaphore, #tpu.memory_space<semaphore_mem>>) src(%dma_wait3A_54 : memref<4x128xi32, #tpu.memory_space<hbm>>) dst(%dma_wait3A_52 : memref<4x128xi32, #tpu.memory_space<vmem>>)
    %dma_wait3A_55 = arith.constant 8 : i32
    %dma_wait3A_56 = arith.constant 0 : i32
    %dma_wait3A_57 = tpu.memref_slice %arg9[%dma_wait3A_55, %dma_wait3A_56] : memref<48x128xi32, #tpu.memory_space<vmem>> -> memref<40x128xi32, #tpu.memory_space<vmem>>
    %dma_wait3A_58 = arith.constant 0 : i32
    %dma_wait3A_59 = tpu.memref_slice %arg4[%mul3A_6, %dma_wait3A_58] : memref<1280x128xi32, #tpu.memory_space<hbm>> -> memref<40x128xi32, #tpu.memory_space<hbm>>
    %dma_wait3A_60 = arith.constant 8 : i32
    %dma_wait3A_61 = arith.constant 0 : i32
    %dma_wait3A_62 = tpu.memref_slice %arg9[%dma_wait3A_60, %dma_wait3A_61] : memref<48x128xi32, #tpu.memory_space<vmem>> -> memref<40x128xi32, #tpu.memory_space<vmem>>
    %dma_wait3A_63 = arith.constant 0 : i32
    %dma_wait3A_64 = tpu.memref_slice %arg4[%mul3A_6, %dma_wait3A_63] : memref<1280x128xi32, #tpu.memory_space<hbm>> -> memref<40x128xi32, #tpu.memory_space<hbm>>
    tpu.wait_dma2 semaphore(%arg18 : memref<!tpu.dma_semaphore, #tpu.memory_space<semaphore_mem>>) src(%dma_wait3A_64 : memref<40x128xi32, #tpu.memory_space<hbm>>) dst(%dma_wait3A_62 : memref<40x128xi32, #tpu.memory_space<vmem>>)
    %mul3A_65 = arith.constant 512 : i32
    %mul3A_66 = arith.muli %add3A, %mul3A_65 : i32
    %mul3A_67 = arith.constant 5120 : i32
    %mul3A_68 = arith.muli %add3A, %mul3A_67 : i32
    %dma_start3A_69 = arith.constant 0 : i32
    %dma_start3A_70 = arith.constant 0 : i32
    %dma_start3A_71 = arith.constant 0 : i32
    %dma_start3A_72 = arith.constant 0 : i32
    %dma_start3A_73 = tpu.memref_slice %arg10[%dma_start3A_70, %dma_start3A_71, %dma_start3A_72] : memref<7x128x128xf32, #tpu.memory_space<vmem>> -> memref<1x128x128xf32, #tpu.memory_space<vmem>>
    %dma_start3A_74 = tpu.memref_squeeze %dma_start3A_73 : memref<1x128x128xf32, #tpu.memory_space<vmem>> -> memref<128x128xf32, #tpu.memory_space<vmem>>
    %dma_start3A_75 = arith.constant 0 : i32
    %dma_start3A_76 = tpu.memref_slice %arg9[%dma_start3A_69, %dma_start3A_75] : memref<48x128xi32, #tpu.memory_space<vmem>> -> memref<1x128xi32, #tpu.memory_space<vmem>>
    %dma_start3A_77 = tpu.memref_squeeze %dma_start3A_76 : memref<1x128xi32, #tpu.memory_space<vmem>> -> memref<128xi32, #tpu.memory_space<vmem>>
    %dma_start3A_78 = arith.constant 0 : i32
    %dma_start3A_79 = arith.constant 0 : i32
    %dma_start3A_80 = tpu.memref_slice %arg5[%dma_start3A_78, %dma_start3A_79] : memref<100000x128xf32, #tpu.memory_space<hbm>> -> memref<100000x128xf32, #tpu.memory_space<hbm>>
    tpu.enqueue_indirect_dma source(%dma_start3A_80 : memref<100000x128xf32, #tpu.memory_space<hbm>>) target(%dma_start3A_74 : memref<128x128xf32, #tpu.memory_space<vmem>>) offsets(%dma_start3A_77 : memref<128xi32, #tpu.memory_space<vmem>>) semaphore(%arg11 : memref<!tpu.dma_semaphore, #tpu.memory_space<semaphore_mem>>)
    %dma_start3A_81 = arith.constant 1 : i32
    %dma_start3A_82 = arith.constant 1 : i32
    %dma_start3A_83 = arith.constant 0 : i32
    %dma_start3A_84 = arith.constant 0 : i32
    %dma_start3A_85 = tpu.memref_slice %arg10[%dma_start3A_82, %dma_start3A_83, %dma_start3A_84] : memref<7x128x128xf32, #tpu.memory_space<vmem>> -> memref<1x128x128xf32, #tpu.memory_space<vmem>>
    %dma_start3A_86 = tpu.memref_squeeze %dma_start3A_85 : memref<1x128x128xf32, #tpu.memory_space<vmem>> -> memref<128x128xf32, #tpu.memory_space<vmem>>
    %dma_start3A_87 = arith.constant 0 : i32
    %dma_start3A_88 = tpu.memref_slice %arg9[%dma_start3A_81, %dma_start3A_87] : memref<48x128xi32, #tpu.memory_space<vmem>> -> memref<1x128xi32, #tpu.memory_space<vmem>>
    %dma_start3A_89 = tpu.memref_squeeze %dma_start3A_88 : memref<1x128xi32, #tpu.memory_space<vmem>> -> memref<128xi32, #tpu.memory_space<vmem>>
    %dma_start3A_90 = arith.constant 0 : i32
    %dma_start3A_91 = arith.constant 0 : i32
    %dma_start3A_92 = tpu.memref_slice %arg5[%dma_start3A_90, %dma_start3A_91] : memref<100000x128xf32, #tpu.memory_space<hbm>> -> memref<100000x128xf32, #tpu.memory_space<hbm>>
    tpu.enqueue_indirect_dma source(%dma_start3A_92 : memref<100000x128xf32, #tpu.memory_space<hbm>>) target(%dma_start3A_86 : memref<128x128xf32, #tpu.memory_space<vmem>>) offsets(%dma_start3A_89 : memref<128xi32, #tpu.memory_space<vmem>>) semaphore(%arg12 : memref<!tpu.dma_semaphore, #tpu.memory_space<semaphore_mem>>)
    %dma_start3A_93 = arith.constant 2 : i32
    %dma_start3A_94 = arith.constant 2 : i32
    %dma_start3A_95 = arith.constant 0 : i32
    %dma_start3A_96 = arith.constant 0 : i32
    %dma_start3A_97 = tpu.memref_slice %arg10[%dma_start3A_94, %dma_start3A_95, %dma_start3A_96] : memref<7x128x128xf32, #tpu.memory_space<vmem>> -> memref<1x128x128xf32, #tpu.memory_space<vmem>>
    %dma_start3A_98 = tpu.memref_squeeze %dma_start3A_97 : memref<1x128x128xf32, #tpu.memory_space<vmem>> -> memref<128x128xf32, #tpu.memory_space<vmem>>
    %dma_start3A_99 = arith.constant 0 : i32
    %dma_start3A_100 = tpu.memref_slice %arg9[%dma_start3A_93, %dma_start3A_99] : memref<48x128xi32, #tpu.memory_space<vmem>> -> memref<1x128xi32, #tpu.memory_space<vmem>>
    %dma_start3A_101 = tpu.memref_squeeze %dma_start3A_100 : memref<1x128xi32, #tpu.memory_space<vmem>> -> memref<128xi32, #tpu.memory_space<vmem>>
    %dma_start3A_102 = arith.constant 0 : i32
    %dma_start3A_103 = arith.constant 0 : i32
    %dma_start3A_104 = tpu.memref_slice %arg5[%dma_start3A_102, %dma_start3A_103] : memref<100000x128xf32, #tpu.memory_space<hbm>> -> memref<100000x128xf32, #tpu.memory_space<hbm>>
    tpu.enqueue_indirect_dma source(%dma_start3A_104 : memref<100000x128xf32, #tpu.memory_space<hbm>>) target(%dma_start3A_98 : memref<128x128xf32, #tpu.memory_space<vmem>>) offsets(%dma_start3A_101 : memref<128xi32, #tpu.memory_space<vmem>>) semaphore(%arg13 : memref<!tpu.dma_semaphore, #tpu.memory_space<semaphore_mem>>)
    %dma_start3A_105 = arith.constant 3 : i32
    %dma_start3A_106 = arith.constant 3 : i32
    %dma_start3A_107 = arith.constant 0 : i32
    %dma_start3A_108 = arith.constant 0 : i32
    %dma_start3A_109 = tpu.memref_slice %arg10[%dma_start3A_106, %dma_start3A_107, %dma_start3A_108] : memref<7x128x128xf32, #tpu.memory_space<vmem>> -> memref<1x128x128xf32, #tpu.memory_space<vmem>>
    %dma_start3A_110 = tpu.memref_squeeze %dma_start3A_109 : memref<1x128x128xf32, #tpu.memory_space<vmem>> -> memref<128x128xf32, #tpu.memory_space<vmem>>
    %dma_start3A_111 = arith.constant 0 : i32
    %dma_start3A_112 = tpu.memref_slice %arg9[%dma_start3A_105, %dma_start3A_111] : memref<48x128xi32, #tpu.memory_space<vmem>> -> memref<1x128xi32, #tpu.memory_space<vmem>>
    %dma_start3A_113 = tpu.memref_squeeze %dma_start3A_112 : memref<1x128xi32, #tpu.memory_space<vmem>> -> memref<128xi32, #tpu.memory_space<vmem>>
    %dma_start3A_114 = arith.constant 0 : i32
    %dma_start3A_115 = arith.constant 0 : i32
    %dma_start3A_116 = tpu.memref_slice %arg5[%dma_start3A_114, %dma_start3A_115] : memref<100000x128xf32, #tpu.memory_space<hbm>> -> memref<100000x128xf32, #tpu.memory_space<hbm>>
    tpu.enqueue_indirect_dma source(%dma_start3A_116 : memref<100000x128xf32, #tpu.memory_space<hbm>>) target(%dma_start3A_110 : memref<128x128xf32, #tpu.memory_space<vmem>>) offsets(%dma_start3A_113 : memref<128xi32, #tpu.memory_space<vmem>>) semaphore(%arg14 : memref<!tpu.dma_semaphore, #tpu.memory_space<semaphore_mem>>)
    %dma_wait3A_117 = arith.constant 0 : i32
    %dma_wait3A_118 = arith.constant 0 : i32
    %dma_wait3A_119 = arith.constant 0 : i32
    %dma_wait3A_120 = arith.constant 0 : i32
    %dma_wait3A_121 = tpu.memref_slice %arg10[%dma_wait3A_118, %dma_wait3A_119, %dma_wait3A_120] : memref<7x128x128xf32, #tpu.memory_space<vmem>> -> memref<1x128x128xf32, #tpu.memory_space<vmem>>
    %dma_wait3A_122 = tpu.memref_squeeze %dma_wait3A_121 : memref<1x128x128xf32, #tpu.memory_space<vmem>> -> memref<128x128xf32, #tpu.memory_space<vmem>>
    %dma_wait3A_123 = arith.constant 0 : i32
    %dma_wait3A_124 = tpu.memref_slice %arg9[%dma_wait3A_117, %dma_wait3A_123] : memref<48x128xi32, #tpu.memory_space<vmem>> -> memref<1x128xi32, #tpu.memory_space<vmem>>
    %dma_wait3A_125 = tpu.memref_squeeze %dma_wait3A_124 : memref<1x128xi32, #tpu.memory_space<vmem>> -> memref<128xi32, #tpu.memory_space<vmem>>
    %dma_wait3A_126 = arith.constant 0 : i32
    %dma_wait3A_127 = arith.constant 0 : i32
    %dma_wait3A_128 = tpu.memref_slice %arg5[%dma_wait3A_126, %dma_wait3A_127] : memref<100000x128xf32, #tpu.memory_space<hbm>> -> memref<100000x128xf32, #tpu.memory_space<hbm>>
    tpu.wait_indirect_dma semaphore(%arg11 : memref<!tpu.dma_semaphore, #tpu.memory_space<semaphore_mem>>) src(%dma_wait3A_128 : memref<100000x128xf32, #tpu.memory_space<hbm>>) dst(%dma_wait3A_122 : memref<128x128xf32, #tpu.memory_space<vmem>>)
    %add3A_129 = arith.constant 0 : i32
    %add3A_130 = arith.addi %mul3A_66, %add3A_129 : i32
    %dma_start3A_131 = arith.constant 0 : i32
    %dma_start3A_132 = arith.constant 0 : i32
    %dma_start3A_133 = arith.constant 0 : i32
    %dma_start3A_134 = tpu.memref_slice %arg10[%dma_start3A_131, %dma_start3A_132, %dma_start3A_133] : memref<7x128x128xf32, #tpu.memory_space<vmem>> -> memref<1x128x128xf32, #tpu.memory_space<vmem>>
    %dma_start3A_135 = tpu.memref_squeeze %dma_start3A_134 : memref<1x128x128xf32, #tpu.memory_space<vmem>> -> memref<128x128xf32, #tpu.memory_space<vmem>>
    %dma_start3A_136 = arith.constant 0 : i32
    %dma_start3A_137 = tpu.memref_slice %arg6[%add3A_130, %dma_start3A_136] : memref<16384x128xf32, #tpu.memory_space<hbm>> -> memref<128x128xf32, #tpu.memory_space<hbm>>
    %dma_start3A_138 = arith.constant 0 : i32
    %dma_start3A_139 = tpu.memref_slice %arg6[%add3A_130, %dma_start3A_138] : memref<16384x128xf32, #tpu.memory_space<hbm>> -> memref<128x128xf32, #tpu.memory_space<hbm>>
    %dma_start3A_140 = arith.constant 0 : i32
    %dma_start3A_141 = arith.constant 0 : i32
    %dma_start3A_142 = tpu.memref_slice %arg10[%dma_start3A_131, %dma_start3A_140, %dma_start3A_141] : memref<7x128x128xf32, #tpu.memory_space<vmem>> -> memref<1x128x128xf32, #tpu.memory_space<vmem>>
    %dma_start3A_143 = tpu.memref_squeeze %dma_start3A_142 : memref<1x128x128xf32, #tpu.memory_space<vmem>> -> memref<128x128xf32, #tpu.memory_space<vmem>>
    tpu.enqueue_dma source(%dma_start3A_143 : memref<128x128xf32, #tpu.memory_space<vmem>>) target(%dma_start3A_139 : memref<128x128xf32, #tpu.memory_space<hbm>>) target_semaphore(%arg18 : memref<!tpu.dma_semaphore, #tpu.memory_space<semaphore_mem>>)
    %dma_start3A_144 = arith.constant 4 : i32
    %dma_start3A_145 = arith.constant 4 : i32
    %dma_start3A_146 = arith.constant 0 : i32
    %dma_start3A_147 = arith.constant 0 : i32
    %dma_start3A_148 = tpu.memref_slice %arg10[%dma_start3A_145, %dma_start3A_146, %dma_start3A_147] : memref<7x128x128xf32, #tpu.memory_space<vmem>> -> memref<1x128x128xf32, #tpu.memory_space<vmem>>
    %dma_start3A_149 = tpu.memref_squeeze %dma_start3A_148 : memref<1x128x128xf32, #tpu.memory_space<vmem>> -> memref<128x128xf32, #tpu.memory_space<vmem>>
    %dma_start3A_150 = arith.constant 0 : i32
    %dma_start3A_151 = tpu.memref_slice %arg9[%dma_start3A_144, %dma_start3A_150] : memref<48x128xi32, #tpu.memory_space<vmem>> -> memref<1x128xi32, #tpu.memory_space<vmem>>
    %dma_start3A_152 = tpu.memref_squeeze %dma_start3A_151 : memref<1x128xi32, #tpu.memory_space<vmem>> -> memref<128xi32, #tpu.memory_space<vmem>>
    %dma_start3A_153 = arith.constant 0 : i32
    %dma_start3A_154 = arith.constant 0 : i32
    %dma_start3A_155 = tpu.memref_slice %arg5[%dma_start3A_153, %dma_start3A_154] : memref<100000x128xf32, #tpu.memory_space<hbm>> -> memref<100000x128xf32, #tpu.memory_space<hbm>>
    tpu.enqueue_indirect_dma source(%dma_start3A_155 : memref<100000x128xf32, #tpu.memory_space<hbm>>) target(%dma_start3A_149 : memref<128x128xf32, #tpu.memory_space<vmem>>) offsets(%dma_start3A_152 : memref<128xi32, #tpu.memory_space<vmem>>) semaphore(%arg15 : memref<!tpu.dma_semaphore, #tpu.memory_space<semaphore_mem>>)
    %dma_wait3A_156 = arith.constant 1 : i32
    %dma_wait3A_157 = arith.constant 1 : i32
    %dma_wait3A_158 = arith.constant 0 : i32
    %dma_wait3A_159 = arith.constant 0 : i32
    %dma_wait3A_160 = tpu.memref_slice %arg10[%dma_wait3A_157, %dma_wait3A_158, %dma_wait3A_159] : memref<7x128x128xf32, #tpu.memory_space<vmem>> -> memref<1x128x128xf32, #tpu.memory_space<vmem>>
    %dma_wait3A_161 = tpu.memref_squeeze %dma_wait3A_160 : memref<1x128x128xf32, #tpu.memory_space<vmem>> -> memref<128x128xf32, #tpu.memory_space<vmem>>
    %dma_wait3A_162 = arith.constant 0 : i32
    %dma_wait3A_163 = tpu.memref_slice %arg9[%dma_wait3A_156, %dma_wait3A_162] : memref<48x128xi32, #tpu.memory_space<vmem>> -> memref<1x128xi32, #tpu.memory_space<vmem>>
    %dma_wait3A_164 = tpu.memref_squeeze %dma_wait3A_163 : memref<1x128xi32, #tpu.memory_space<vmem>> -> memref<128xi32, #tpu.memory_space<vmem>>
    %dma_wait3A_165 = arith.constant 0 : i32
    %dma_wait3A_166 = arith.constant 0 : i32
    %dma_wait3A_167 = tpu.memref_slice %arg5[%dma_wait3A_165, %dma_wait3A_166] : memref<100000x128xf32, #tpu.memory_space<hbm>> -> memref<100000x128xf32, #tpu.memory_space<hbm>>
    tpu.wait_indirect_dma semaphore(%arg12 : memref<!tpu.dma_semaphore, #tpu.memory_space<semaphore_mem>>) src(%dma_wait3A_167 : memref<100000x128xf32, #tpu.memory_space<hbm>>) dst(%dma_wait3A_161 : memref<128x128xf32, #tpu.memory_space<vmem>>)
    %add3A_168 = arith.constant 128 : i32
    %add3A_169 = arith.addi %mul3A_66, %add3A_168 : i32
    %dma_start3A_170 = arith.constant 1 : i32
    %dma_start3A_171 = arith.constant 0 : i32
    %dma_start3A_172 = arith.constant 0 : i32
    %dma_start3A_173 = tpu.memref_slice %arg10[%dma_start3A_170, %dma_start3A_171, %dma_start3A_172] : memref<7x128x128xf32, #tpu.memory_space<vmem>> -> memref<1x128x128xf32, #tpu.memory_space<vmem>>
    %dma_start3A_174 = tpu.memref_squeeze %dma_start3A_173 : memref<1x128x128xf32, #tpu.memory_space<vmem>> -> memref<128x128xf32, #tpu.memory_space<vmem>>
    %dma_start3A_175 = arith.constant 0 : i32
    %dma_start3A_176 = tpu.memref_slice %arg6[%add3A_169, %dma_start3A_175] : memref<16384x128xf32, #tpu.memory_space<hbm>> -> memref<128x128xf32, #tpu.memory_space<hbm>>
    %dma_start3A_177 = arith.constant 0 : i32
    %dma_start3A_178 = tpu.memref_slice %arg6[%add3A_169, %dma_start3A_177] : memref<16384x128xf32, #tpu.memory_space<hbm>> -> memref<128x128xf32, #tpu.memory_space<hbm>>
    %dma_start3A_179 = arith.constant 0 : i32
    %dma_start3A_180 = arith.constant 0 : i32
    %dma_start3A_181 = tpu.memref_slice %arg10[%dma_start3A_170, %dma_start3A_179, %dma_start3A_180] : memref<7x128x128xf32, #tpu.memory_space<vmem>> -> memref<1x128x128xf32, #tpu.memory_space<vmem>>
    %dma_start3A_182 = tpu.memref_squeeze %dma_start3A_181 : memref<1x128x128xf32, #tpu.memory_space<vmem>> -> memref<128x128xf32, #tpu.memory_space<vmem>>
    tpu.enqueue_dma source(%dma_start3A_182 : memref<128x128xf32, #tpu.memory_space<vmem>>) target(%dma_start3A_178 : memref<128x128xf32, #tpu.memory_space<hbm>>) target_semaphore(%arg19 : memref<!tpu.dma_semaphore, #tpu.memory_space<semaphore_mem>>)
    %dma_start3A_183 = arith.constant 5 : i32
    %dma_start3A_184 = arith.constant 5 : i32
    %dma_start3A_185 = arith.constant 0 : i32
    %dma_start3A_186 = arith.constant 0 : i32
    %dma_start3A_187 = tpu.memref_slice %arg10[%dma_start3A_184, %dma_start3A_185, %dma_start3A_186] : memref<7x128x128xf32, #tpu.memory_space<vmem>> -> memref<1x128x128xf32, #tpu.memory_space<vmem>>
    %dma_start3A_188 = tpu.memref_squeeze %dma_start3A_187 : memref<1x128x128xf32, #tpu.memory_space<vmem>> -> memref<128x128xf32, #tpu.memory_space<vmem>>
    %dma_start3A_189 = arith.constant 0 : i32
    %dma_start3A_190 = tpu.memref_slice %arg9[%dma_start3A_183, %dma_start3A_189] : memref<48x128xi32, #tpu.memory_space<vmem>> -> memref<1x128xi32, #tpu.memory_space<vmem>>
    %dma_start3A_191 = tpu.memref_squeeze %dma_start3A_190 : memref<1x128xi32, #tpu.memory_space<vmem>> -> memref<128xi32, #tpu.memory_space<vmem>>
    %dma_start3A_192 = arith.constant 0 : i32
    %dma_start3A_193 = arith.constant 0 : i32
    %dma_start3A_194 = tpu.memref_slice %arg5[%dma_start3A_192, %dma_start3A_193] : memref<100000x128xf32, #tpu.memory_space<hbm>> -> memref<100000x128xf32, #tpu.memory_space<hbm>>
    tpu.enqueue_indirect_dma source(%dma_start3A_194 : memref<100000x128xf32, #tpu.memory_space<hbm>>) target(%dma_start3A_188 : memref<128x128xf32, #tpu.memory_space<vmem>>) offsets(%dma_start3A_191 : memref<128xi32, #tpu.memory_space<vmem>>) semaphore(%arg16 : memref<!tpu.dma_semaphore, #tpu.memory_space<semaphore_mem>>)
    %dma_wait3A_195 = arith.constant 2 : i32
    %dma_wait3A_196 = arith.constant 2 : i32
    %dma_wait3A_197 = arith.constant 0 : i32
    %dma_wait3A_198 = arith.constant 0 : i32
    %dma_wait3A_199 = tpu.memref_slice %arg10[%dma_wait3A_196, %dma_wait3A_197, %dma_wait3A_198] : memref<7x128x128xf32, #tpu.memory_space<vmem>> -> memref<1x128x128xf32, #tpu.memory_space<vmem>>
    %dma_wait3A_200 = tpu.memref_squeeze %dma_wait3A_199 : memref<1x128x128xf32, #tpu.memory_space<vmem>> -> memref<128x128xf32, #tpu.memory_space<vmem>>
    %dma_wait3A_201 = arith.constant 0 : i32
    %dma_wait3A_202 = tpu.memref_slice %arg9[%dma_wait3A_195, %dma_wait3A_201] : memref<48x128xi32, #tpu.memory_space<vmem>> -> memref<1x128xi32, #tpu.memory_space<vmem>>
    %dma_wait3A_203 = tpu.memref_squeeze %dma_wait3A_202 : memref<1x128xi32, #tpu.memory_space<vmem>> -> memref<128xi32, #tpu.memory_space<vmem>>
    %dma_wait3A_204 = arith.constant 0 : i32
    %dma_wait3A_205 = arith.constant 0 : i32
    %dma_wait3A_206 = tpu.memref_slice %arg5[%dma_wait3A_204, %dma_wait3A_205] : memref<100000x128xf32, #tpu.memory_space<hbm>> -> memref<100000x128xf32, #tpu.memory_space<hbm>>
    tpu.wait_indirect_dma semaphore(%arg13 : memref<!tpu.dma_semaphore, #tpu.memory_space<semaphore_mem>>) src(%dma_wait3A_206 : memref<100000x128xf32, #tpu.memory_space<hbm>>) dst(%dma_wait3A_200 : memref<128x128xf32, #tpu.memory_space<vmem>>)
    %add3A_207 = arith.constant 256 : i32
    %add3A_208 = arith.addi %mul3A_66, %add3A_207 : i32
    %dma_start3A_209 = arith.constant 2 : i32
    %dma_start3A_210 = arith.constant 0 : i32
    %dma_start3A_211 = arith.constant 0 : i32
    %dma_start3A_212 = tpu.memref_slice %arg10[%dma_start3A_209, %dma_start3A_210, %dma_start3A_211] : memref<7x128x128xf32, #tpu.memory_space<vmem>> -> memref<1x128x128xf32, #tpu.memory_space<vmem>>
    %dma_start3A_213 = tpu.memref_squeeze %dma_start3A_212 : memref<1x128x128xf32, #tpu.memory_space<vmem>> -> memref<128x128xf32, #tpu.memory_space<vmem>>
    %dma_start3A_214 = arith.constant 0 : i32
    %dma_start3A_215 = tpu.memref_slice %arg6[%add3A_208, %dma_start3A_214] : memref<16384x128xf32, #tpu.memory_space<hbm>> -> memref<128x128xf32, #tpu.memory_space<hbm>>
    %dma_start3A_216 = arith.constant 0 : i32
    %dma_start3A_217 = tpu.memref_slice %arg6[%add3A_208, %dma_start3A_216] : memref<16384x128xf32, #tpu.memory_space<hbm>> -> memref<128x128xf32, #tpu.memory_space<hbm>>
    %dma_start3A_218 = arith.constant 0 : i32
    %dma_start3A_219 = arith.constant 0 : i32
    %dma_start3A_220 = tpu.memref_slice %arg10[%dma_start3A_209, %dma_start3A_218, %dma_start3A_219] : memref<7x128x128xf32, #tpu.memory_space<vmem>> -> memref<1x128x128xf32, #tpu.memory_space<vmem>>
    %dma_start3A_221 = tpu.memref_squeeze %dma_start3A_220 : memref<1x128x128xf32, #tpu.memory_space<vmem>> -> memref<128x128xf32, #tpu.memory_space<vmem>>
    tpu.enqueue_dma source(%dma_start3A_221 : memref<128x128xf32, #tpu.memory_space<vmem>>) target(%dma_start3A_217 : memref<128x128xf32, #tpu.memory_space<hbm>>) target_semaphore(%arg20 : memref<!tpu.dma_semaphore, #tpu.memory_space<semaphore_mem>>)
    %dma_start3A_222 = arith.constant 6 : i32
    %dma_start3A_223 = arith.constant 6 : i32
    %dma_start3A_224 = arith.constant 0 : i32
    %dma_start3A_225 = arith.constant 0 : i32
    %dma_start3A_226 = tpu.memref_slice %arg10[%dma_start3A_223, %dma_start3A_224, %dma_start3A_225] : memref<7x128x128xf32, #tpu.memory_space<vmem>> -> memref<1x128x128xf32, #tpu.memory_space<vmem>>
    %dma_start3A_227 = tpu.memref_squeeze %dma_start3A_226 : memref<1x128x128xf32, #tpu.memory_space<vmem>> -> memref<128x128xf32, #tpu.memory_space<vmem>>
    %dma_start3A_228 = arith.constant 0 : i32
    %dma_start3A_229 = tpu.memref_slice %arg9[%dma_start3A_222, %dma_start3A_228] : memref<48x128xi32, #tpu.memory_space<vmem>> -> memref<1x128xi32, #tpu.memory_space<vmem>>
    %dma_start3A_230 = tpu.memref_squeeze %dma_start3A_229 : memref<1x128xi32, #tpu.memory_space<vmem>> -> memref<128xi32, #tpu.memory_space<vmem>>
    %dma_start3A_231 = arith.constant 0 : i32
    %dma_start3A_232 = arith.constant 0 : i32
    %dma_start3A_233 = tpu.memref_slice %arg5[%dma_start3A_231, %dma_start3A_232] : memref<100000x128xf32, #tpu.memory_space<hbm>> -> memref<100000x128xf32, #tpu.memory_space<hbm>>
    tpu.enqueue_indirect_dma source(%dma_start3A_233 : memref<100000x128xf32, #tpu.memory_space<hbm>>) target(%dma_start3A_227 : memref<128x128xf32, #tpu.memory_space<vmem>>) offsets(%dma_start3A_230 : memref<128xi32, #tpu.memory_space<vmem>>) semaphore(%arg17 : memref<!tpu.dma_semaphore, #tpu.memory_space<semaphore_mem>>)
    %dma_wait3A_234 = arith.constant 3 : i32
    %dma_wait3A_235 = arith.constant 3 : i32
    %dma_wait3A_236 = arith.constant 0 : i32
    %dma_wait3A_237 = arith.constant 0 : i32
    %dma_wait3A_238 = tpu.memref_slice %arg10[%dma_wait3A_235, %dma_wait3A_236, %dma_wait3A_237] : memref<7x128x128xf32, #tpu.memory_space<vmem>> -> memref<1x128x128xf32, #tpu.memory_space<vmem>>
    %dma_wait3A_239 = tpu.memref_squeeze %dma_wait3A_238 : memref<1x128x128xf32, #tpu.memory_space<vmem>> -> memref<128x128xf32, #tpu.memory_space<vmem>>
    %dma_wait3A_240 = arith.constant 0 : i32
    %dma_wait3A_241 = tpu.memref_slice %arg9[%dma_wait3A_234, %dma_wait3A_240] : memref<48x128xi32, #tpu.memory_space<vmem>> -> memref<1x128xi32, #tpu.memory_space<vmem>>
    %dma_wait3A_242 = tpu.memref_squeeze %dma_wait3A_241 : memref<1x128xi32, #tpu.memory_space<vmem>> -> memref<128xi32, #tpu.memory_space<vmem>>
    %dma_wait3A_243 = arith.constant 0 : i32
    %dma_wait3A_244 = arith.constant 0 : i32
    %dma_wait3A_245 = tpu.memref_slice %arg5[%dma_wait3A_243, %dma_wait3A_244] : memref<100000x128xf32, #tpu.memory_space<hbm>> -> memref<100000x128xf32, #tpu.memory_space<hbm>>
    tpu.wait_indirect_dma semaphore(%arg14 : memref<!tpu.dma_semaphore, #tpu.memory_space<semaphore_mem>>) src(%dma_wait3A_245 : memref<100000x128xf32, #tpu.memory_space<hbm>>) dst(%dma_wait3A_239 : memref<128x128xf32, #tpu.memory_space<vmem>>)
    %add3A_246 = arith.constant 384 : i32
    %add3A_247 = arith.addi %mul3A_66, %add3A_246 : i32
    %dma_start3A_248 = arith.constant 3 : i32
    %dma_start3A_249 = arith.constant 0 : i32
    %dma_start3A_250 = arith.constant 0 : i32
    %dma_start3A_251 = tpu.memref_slice %arg10[%dma_start3A_248, %dma_start3A_249, %dma_start3A_250] : memref<7x128x128xf32, #tpu.memory_space<vmem>> -> memref<1x128x128xf32, #tpu.memory_space<vmem>>
    %dma_start3A_252 = tpu.memref_squeeze %dma_start3A_251 : memref<1x128x128xf32, #tpu.memory_space<vmem>> -> memref<128x128xf32, #tpu.memory_space<vmem>>
    %dma_start3A_253 = arith.constant 0 : i32
    %dma_start3A_254 = tpu.memref_slice %arg6[%add3A_247, %dma_start3A_253] : memref<16384x128xf32, #tpu.memory_space<hbm>> -> memref<128x128xf32, #tpu.memory_space<hbm>>
    %dma_start3A_255 = arith.constant 0 : i32
    %dma_start3A_256 = tpu.memref_slice %arg6[%add3A_247, %dma_start3A_255] : memref<16384x128xf32, #tpu.memory_space<hbm>> -> memref<128x128xf32, #tpu.memory_space<hbm>>
    %dma_start3A_257 = arith.constant 0 : i32
    %dma_start3A_258 = arith.constant 0 : i32
    %dma_start3A_259 = tpu.memref_slice %arg10[%dma_start3A_248, %dma_start3A_257, %dma_start3A_258] : memref<7x128x128xf32, #tpu.memory_space<vmem>> -> memref<1x128x128xf32, #tpu.memory_space<vmem>>
    %dma_start3A_260 = tpu.memref_squeeze %dma_start3A_259 : memref<1x128x128xf32, #tpu.memory_space<vmem>> -> memref<128x128xf32, #tpu.memory_space<vmem>>
    tpu.enqueue_dma source(%dma_start3A_260 : memref<128x128xf32, #tpu.memory_space<vmem>>) target(%dma_start3A_256 : memref<128x128xf32, #tpu.memory_space<hbm>>) target_semaphore(%arg21 : memref<!tpu.dma_semaphore, #tpu.memory_space<semaphore_mem>>)
    %jit3A = arith.constant 16384 : i32
    %div3A = arith.divsi %mul3A_68, %jit3A : i32
    %sign3A = arith.constant 0 : i32
    %sign3A_261 = arith.cmpi sgt, %mul3A_68, %sign3A : i32
    %sign3A_262 = arith.extui %sign3A_261 : i1 to i32
    %sign3A_263 = arith.constant 0 : i32
    %sign3A_264 = arith.cmpi slt, %mul3A_68, %sign3A_263 : i32
    %sign3A_265 = arith.extui %sign3A_264 : i1 to i32
    %sign3A_266 = arith.subi %sign3A_262, %sign3A_265 : i32
    %sign3A_267 = arith.constant 0 : i32
    %sign3A_268 = arith.cmpi sgt, %jit3A, %sign3A_267 : i32
    %sign3A_269 = arith.extui %sign3A_268 : i1 to i32
    %sign3A_270 = arith.constant 0 : i32
    %sign3A_271 = arith.cmpi slt, %jit3A, %sign3A_270 : i32
    %sign3A_272 = arith.extui %sign3A_271 : i1 to i32
    %sign3A_273 = arith.subi %sign3A_269, %sign3A_272 : i32
    %ne3A = arith.cmpi ne, %sign3A_266, %sign3A_273 : i32
    %rem3A = arith.remsi %mul3A_68, %jit3A : i32
    %ne3A_274 = arith.constant 0 : i32
    %ne3A_275 = arith.cmpi ne, %rem3A, %ne3A_274 : i32
    %and3A = arith.andi %ne3A, %ne3A_275 : i1
    %sub3A = arith.constant 1 : i32
    %sub3A_276 = arith.subi %div3A, %sub3A : i32
    %select_n3A = arith.select %and3A, %sub3A_276, %div3A : i32
    %jit3A_277 = arith.constant 16384 : i32
    %eq3A = arith.constant 0 : i32
    %eq3A_278 = arith.cmpi eq, %jit3A_277, %eq3A : i32
    %jit3A_279 = arith.constant 1 : i32
    %select_n3A_280 = arith.select %eq3A_278, %jit3A_279, %jit3A_277 : i32
    %rem3A_281 = arith.remsi %mul3A_68, %select_n3A_280 : i32
    %ne3A_282 = arith.constant 0 : i32
    %ne3A_283 = arith.cmpi ne, %rem3A_281, %ne3A_282 : i32
    %lt3A = arith.constant 0 : i32
    %lt3A_284 = arith.cmpi slt, %rem3A_281, %lt3A : i32
    %lt3A_285 = arith.constant 0 : i32
    %lt3A_286 = arith.cmpi slt, %select_n3A_280, %lt3A_285 : i32
    %ne3A_287 = arith.xori %lt3A_284, %lt3A_286 : i1
    %and3A_288 = arith.andi %ne3A_287, %ne3A_283 : i1
    %add3A_289 = arith.addi %rem3A_281, %select_n3A_280 : i32
    %select_n3A_290 = arith.select %and3A_288, %add3A_289, %rem3A_281 : i32
    %dma_wait3A_291 = arith.constant 0 : i32
    %dma_wait3A_292 = arith.constant 0 : i32
    %dma_wait3A_293 = arith.constant 0 : i32
    %dma_wait3A_294 = tpu.memref_slice %arg10[%dma_wait3A_291, %dma_wait3A_292, %dma_wait3A_293] : memref<7x128x128xf32, #tpu.memory_space<vmem>> -> memref<1x128x128xf32, #tpu.memory_space<vmem>>
    %dma_wait3A_295 = tpu.memref_squeeze %dma_wait3A_294 : memref<1x128x128xf32, #tpu.memory_space<vmem>> -> memref<128x128xf32, #tpu.memory_space<vmem>>
    %dma_wait3A_296 = arith.constant 0 : i32
    %dma_wait3A_297 = tpu.memref_slice %arg8[%select_n3A, %select_n3A_290, %dma_wait3A_296] : memref<10x16384x128xf32, #tpu.memory_space<hbm>> -> memref<1x128x128xf32, #tpu.memory_space<hbm>>
    %dma_wait3A_298 = tpu.memref_squeeze %dma_wait3A_297 : memref<1x128x128xf32, #tpu.memory_space<hbm>> -> memref<128x128xf32, #tpu.memory_space<hbm>>
    %dma_wait3A_299 = arith.constant 0 : i32
    %dma_wait3A_300 = tpu.memref_slice %arg8[%select_n3A, %select_n3A_290, %dma_wait3A_299] : memref<10x16384x128xf32, #tpu.memory_space<hbm>> -> memref<1x128x128xf32, #tpu.memory_space<hbm>>
    %dma_wait3A_301 = tpu.memref_squeeze %dma_wait3A_300 : memref<1x128x128xf32, #tpu.memory_space<hbm>> -> memref<128x128xf32, #tpu.memory_space<hbm>>
    %dma_wait3A_302 = arith.constant 0 : i32
    %dma_wait3A_303 = arith.constant 0 : i32
    %dma_wait3A_304 = tpu.memref_slice %arg10[%dma_wait3A_291, %dma_wait3A_302, %dma_wait3A_303] : memref<7x128x128xf32, #tpu.memory_space<vmem>> -> memref<1x128x128xf32, #tpu.memory_space<vmem>>
    %dma_wait3A_305 = tpu.memref_squeeze %dma_wait3A_304 : memref<1x128x128xf32, #tpu.memory_space<vmem>> -> memref<128x128xf32, #tpu.memory_space<vmem>>
    tpu.wait_dma2 semaphore(%arg18 : memref<!tpu.dma_semaphore, #tpu.memory_space<semaphore_mem>>) src(%dma_wait3A_305 : memref<128x128xf32, #tpu.memory_space<vmem>>) dst(%dma_wait3A_301 : memref<128x128xf32, #tpu.memory_space<hbm>>)
    %dma_start3A_306 = arith.constant 7 : i32
    %dma_start3A_307 = arith.constant 0 : i32
    %dma_start3A_308 = arith.constant 0 : i32
    %dma_start3A_309 = arith.constant 0 : i32
    %dma_start3A_310 = tpu.memref_slice %arg10[%dma_start3A_307, %dma_start3A_308, %dma_start3A_309] : memref<7x128x128xf32, #tpu.memory_space<vmem>> -> memref<1x128x128xf32, #tpu.memory_space<vmem>>
    %dma_start3A_311 = tpu.memref_squeeze %dma_start3A_310 : memref<1x128x128xf32, #tpu.memory_space<vmem>> -> memref<128x128xf32, #tpu.memory_space<vmem>>
    %dma_start3A_312 = arith.constant 0 : i32
    %dma_start3A_313 = tpu.memref_slice %arg9[%dma_start3A_306, %dma_start3A_312] : memref<48x128xi32, #tpu.memory_space<vmem>> -> memref<1x128xi32, #tpu.memory_space<vmem>>
    %dma_start3A_314 = tpu.memref_squeeze %dma_start3A_313 : memref<1x128xi32, #tpu.memory_space<vmem>> -> memref<128xi32, #tpu.memory_space<vmem>>
    %dma_start3A_315 = arith.constant 0 : i32
    %dma_start3A_316 = arith.constant 0 : i32
    %dma_start3A_317 = tpu.memref_slice %arg5[%dma_start3A_315, %dma_start3A_316] : memref<100000x128xf32, #tpu.memory_space<hbm>> -> memref<100000x128xf32, #tpu.memory_space<hbm>>
    tpu.enqueue_indirect_dma source(%dma_start3A_317 : memref<100000x128xf32, #tpu.memory_space<hbm>>) target(%dma_start3A_311 : memref<128x128xf32, #tpu.memory_space<vmem>>) offsets(%dma_start3A_314 : memref<128xi32, #tpu.memory_space<vmem>>) semaphore(%arg11 : memref<!tpu.dma_semaphore, #tpu.memory_space<semaphore_mem>>)
    %dma_wait3A_318 = arith.constant 4 : i32
    %dma_wait3A_319 = arith.constant 4 : i32
    %dma_wait3A_320 = arith.constant 0 : i32
    %dma_wait3A_321 = arith.constant 0 : i32
    %dma_wait3A_322 = tpu.memref_slice %arg10[%dma_wait3A_319, %dma_wait3A_320, %dma_wait3A_321] : memref<7x128x128xf32, #tpu.memory_space<vmem>> -> memref<1x128x128xf32, #tpu.memory_space<vmem>>
    %dma_wait3A_323 = tpu.memref_squeeze %dma_wait3A_322 : memref<1x128x128xf32, #tpu.memory_space<vmem>> -> memref<128x128xf32, #tpu.memory_space<vmem>>
    %dma_wait3A_324 = arith.constant 0 : i32
    %dma_wait3A_325 = tpu.memref_slice %arg9[%dma_wait3A_318, %dma_wait3A_324] : memref<48x128xi32, #tpu.memory_space<vmem>> -> memref<1x128xi32, #tpu.memory_space<vmem>>
    %dma_wait3A_326 = tpu.memref_squeeze %dma_wait3A_325 : memref<1x128xi32, #tpu.memory_space<vmem>> -> memref<128xi32, #tpu.memory_space<vmem>>
    %dma_wait3A_327 = arith.constant 0 : i32
    %dma_wait3A_328 = arith.constant 0 : i32
    %dma_wait3A_329 = tpu.memref_slice %arg5[%dma_wait3A_327, %dma_wait3A_328] : memref<100000x128xf32, #tpu.memory_space<hbm>> -> memref<100000x128xf32, #tpu.memory_space<hbm>>
    tpu.wait_indirect_dma semaphore(%arg15 : memref<!tpu.dma_semaphore, #tpu.memory_space<semaphore_mem>>) src(%dma_wait3A_329 : memref<100000x128xf32, #tpu.memory_space<hbm>>) dst(%dma_wait3A_323 : memref<128x128xf32, #tpu.memory_space<vmem>>)
    %add3A_330 = arith.constant 0 : i32
    %add3A_331 = arith.addi %mul3A_66, %add3A_330 : i32
    %dma_start3A_332 = arith.constant 4 : i32
    %dma_start3A_333 = arith.constant 0 : i32
    %dma_start3A_334 = arith.constant 0 : i32
    %dma_start3A_335 = tpu.memref_slice %arg10[%dma_start3A_332, %dma_start3A_333, %dma_start3A_334] : memref<7x128x128xf32, #tpu.memory_space<vmem>> -> memref<1x128x128xf32, #tpu.memory_space<vmem>>
    %dma_start3A_336 = tpu.memref_squeeze %dma_start3A_335 : memref<1x128x128xf32, #tpu.memory_space<vmem>> -> memref<128x128xf32, #tpu.memory_space<vmem>>
    %dma_start3A_337 = arith.constant 0 : i32
    %dma_start3A_338 = tpu.memref_slice %arg7[%add3A_331, %dma_start3A_337] : memref<16384x128xf32, #tpu.memory_space<hbm>> -> memref<128x128xf32, #tpu.memory_space<hbm>>
    %dma_start3A_339 = arith.constant 0 : i32
    %dma_start3A_340 = tpu.memref_slice %arg7[%add3A_331, %dma_start3A_339] : memref<16384x128xf32, #tpu.memory_space<hbm>> -> memref<128x128xf32, #tpu.memory_space<hbm>>
    %dma_start3A_341 = arith.constant 0 : i32
    %dma_start3A_342 = arith.constant 0 : i32
    %dma_start3A_343 = tpu.memref_slice %arg10[%dma_start3A_332, %dma_start3A_341, %dma_start3A_342] : memref<7x128x128xf32, #tpu.memory_space<vmem>> -> memref<1x128x128xf32, #tpu.memory_space<vmem>>
    %dma_start3A_344 = tpu.memref_squeeze %dma_start3A_343 : memref<1x128x128xf32, #tpu.memory_space<vmem>> -> memref<128x128xf32, #tpu.memory_space<vmem>>
    tpu.enqueue_dma source(%dma_start3A_344 : memref<128x128xf32, #tpu.memory_space<vmem>>) target(%dma_start3A_340 : memref<128x128xf32, #tpu.memory_space<hbm>>) target_semaphore(%arg22 : memref<!tpu.dma_semaphore, #tpu.memory_space<semaphore_mem>>)
    %jit3A_345 = arith.constant 16384 : i32
    %div3A_346 = arith.divsi %mul3A_68, %jit3A_345 : i32
    %sign3A_347 = arith.constant 0 : i32
    %sign3A_348 = arith.cmpi sgt, %mul3A_68, %sign3A_347 : i32
    %sign3A_349 = arith.extui %sign3A_348 : i1 to i32
    %sign3A_350 = arith.constant 0 : i32
    %sign3A_351 = arith.cmpi slt, %mul3A_68, %sign3A_350 : i32
    %sign3A_352 = arith.extui %sign3A_351 : i1 to i32
    %sign3A_353 = arith.subi %sign3A_349, %sign3A_352 : i32
    %sign3A_354 = arith.constant 0 : i32
    %sign3A_355 = arith.cmpi sgt, %jit3A_345, %sign3A_354 : i32
    %sign3A_356 = arith.extui %sign3A_355 : i1 to i32
    %sign3A_357 = arith.constant 0 : i32
    %sign3A_358 = arith.cmpi slt, %jit3A_345, %sign3A_357 : i32
    %sign3A_359 = arith.extui %sign3A_358 : i1 to i32
    %sign3A_360 = arith.subi %sign3A_356, %sign3A_359 : i32
    %ne3A_361 = arith.cmpi ne, %sign3A_353, %sign3A_360 : i32
    %rem3A_362 = arith.remsi %mul3A_68, %jit3A_345 : i32
    %ne3A_363 = arith.constant 0 : i32
    %ne3A_364 = arith.cmpi ne, %rem3A_362, %ne3A_363 : i32
    %and3A_365 = arith.andi %ne3A_361, %ne3A_364 : i1
    %sub3A_366 = arith.constant 1 : i32
    %sub3A_367 = arith.subi %div3A_346, %sub3A_366 : i32
    %select_n3A_368 = arith.select %and3A_365, %sub3A_367, %div3A_346 : i32
    %jit3A_369 = arith.constant 16384 : i32
    %eq3A_370 = arith.constant 0 : i32
    %eq3A_371 = arith.cmpi eq, %jit3A_369, %eq3A_370 : i32
    %jit3A_372 = arith.constant 1 : i32
    %select_n3A_373 = arith.select %eq3A_371, %jit3A_372, %jit3A_369 : i32
    %rem3A_374 = arith.remsi %mul3A_68, %select_n3A_373 : i32
    %ne3A_375 = arith.constant 0 : i32
    %ne3A_376 = arith.cmpi ne, %rem3A_374, %ne3A_375 : i32
    %lt3A_377 = arith.constant 0 : i32
    %lt3A_378 = arith.cmpi slt, %rem3A_374, %lt3A_377 : i32
    %lt3A_379 = arith.constant 0 : i32
    %lt3A_380 = arith.cmpi slt, %select_n3A_373, %lt3A_379 : i32
    %ne3A_381 = arith.xori %lt3A_378, %lt3A_380 : i1
    %and3A_382 = arith.andi %ne3A_381, %ne3A_376 : i1
    %add3A_383 = arith.addi %rem3A_374, %select_n3A_373 : i32
    %select_n3A_384 = arith.select %and3A_382, %add3A_383, %rem3A_374 : i32
    %dma_wait3A_385 = arith.constant 1 : i32
    %dma_wait3A_386 = arith.constant 0 : i32
    %dma_wait3A_387 = arith.constant 0 : i32
    %dma_wait3A_388 = tpu.memref_slice %arg10[%dma_wait3A_385, %dma_wait3A_386, %dma_wait3A_387] : memref<7x128x128xf32, #tpu.memory_space<vmem>> -> memref<1x128x128xf32, #tpu.memory_space<vmem>>
    %dma_wait3A_389 = tpu.memref_squeeze %dma_wait3A_388 : memref<1x128x128xf32, #tpu.memory_space<vmem>> -> memref<128x128xf32, #tpu.memory_space<vmem>>
    %dma_wait3A_390 = arith.constant 0 : i32
    %dma_wait3A_391 = tpu.memref_slice %arg8[%select_n3A_368, %select_n3A_384, %dma_wait3A_390] : memref<10x16384x128xf32, #tpu.memory_space<hbm>> -> memref<1x128x128xf32, #tpu.memory_space<hbm>>
    %dma_wait3A_392 = tpu.memref_squeeze %dma_wait3A_391 : memref<1x128x128xf32, #tpu.memory_space<hbm>> -> memref<128x128xf32, #tpu.memory_space<hbm>>
    %dma_wait3A_393 = arith.constant 0 : i32
    %dma_wait3A_394 = tpu.memref_slice %arg8[%select_n3A_368, %select_n3A_384, %dma_wait3A_393] : memref<10x16384x128xf32, #tpu.memory_space<hbm>> -> memref<1x128x128xf32, #tpu.memory_space<hbm>>
    %dma_wait3A_395 = tpu.memref_squeeze %dma_wait3A_394 : memref<1x128x128xf32, #tpu.memory_space<hbm>> -> memref<128x128xf32, #tpu.memory_space<hbm>>
    %dma_wait3A_396 = arith.constant 0 : i32
    %dma_wait3A_397 = arith.constant 0 : i32
    %dma_wait3A_398 = tpu.memref_slice %arg10[%dma_wait3A_385, %dma_wait3A_396, %dma_wait3A_397] : memref<7x128x128xf32, #tpu.memory_space<vmem>> -> memref<1x128x128xf32, #tpu.memory_space<vmem>>
    %dma_wait3A_399 = tpu.memref_squeeze %dma_wait3A_398 : memref<1x128x128xf32, #tpu.memory_space<vmem>> -> memref<128x128xf32, #tpu.memory_space<vmem>>
    tpu.wait_dma2 semaphore(%arg19 : memref<!tpu.dma_semaphore, #tpu.memory_space<semaphore_mem>>) src(%dma_wait3A_399 : memref<128x128xf32, #tpu.memory_space<vmem>>) dst(%dma_wait3A_395 : memref<128x128xf32, #tpu.memory_space<hbm>>)
    %dma_start3A_400 = arith.constant 8 : i32
    %dma_start3A_401 = arith.constant 1 : i32
    %dma_start3A_402 = arith.constant 0 : i32
    %dma_start3A_403 = arith.constant 0 : i32
    %dma_start3A_404 = tpu.memref_slice %arg10[%dma_start3A_401, %dma_start3A_402, %dma_start3A_403] : memref<7x128x128xf32, #tpu.memory_space<vmem>> -> memref<1x128x128xf32, #tpu.memory_space<vmem>>
    %dma_start3A_405 = tpu.memref_squeeze %dma_start3A_404 : memref<1x128x128xf32, #tpu.memory_space<vmem>> -> memref<128x128xf32, #tpu.memory_space<vmem>>
    %dma_start3A_406 = arith.constant 0 : i32
    %dma_start3A_407 = tpu.memref_slice %arg9[%dma_start3A_400, %dma_start3A_406] : memref<48x128xi32, #tpu.memory_space<vmem>> -> memref<1x128xi32, #tpu.memory_space<vmem>>
    %dma_start3A_408 = tpu.memref_squeeze %dma_start3A_407 : memref<1x128xi32, #tpu.memory_space<vmem>> -> memref<128xi32, #tpu.memory_space<vmem>>
    %dma_start3A_409 = arith.constant 0 : i32
    %dma_start3A_410 = arith.constant 0 : i32
    %dma_start3A_411 = tpu.memref_slice %arg5[%dma_start3A_409, %dma_start3A_410] : memref<100000x128xf32, #tpu.memory_space<hbm>> -> memref<100000x128xf32, #tpu.memory_space<hbm>>
    tpu.enqueue_indirect_dma source(%dma_start3A_411 : memref<100000x128xf32, #tpu.memory_space<hbm>>) target(%dma_start3A_405 : memref<128x128xf32, #tpu.memory_space<vmem>>) offsets(%dma_start3A_408 : memref<128xi32, #tpu.memory_space<vmem>>) semaphore(%arg12 : memref<!tpu.dma_semaphore, #tpu.memory_space<semaphore_mem>>)
    %dma_wait3A_412 = arith.constant 5 : i32
    %dma_wait3A_413 = arith.constant 5 : i32
    %dma_wait3A_414 = arith.constant 0 : i32
    %dma_wait3A_415 = arith.constant 0 : i32
    %dma_wait3A_416 = tpu.memref_slice %arg10[%dma_wait3A_413, %dma_wait3A_414, %dma_wait3A_415] : memref<7x128x128xf32, #tpu.memory_space<vmem>> -> memref<1x128x128xf32, #tpu.memory_space<vmem>>
    %dma_wait3A_417 = tpu.memref_squeeze %dma_wait3A_416 : memref<1x128x128xf32, #tpu.memory_space<vmem>> -> memref<128x128xf32, #tpu.memory_space<vmem>>
    %dma_wait3A_418 = arith.constant 0 : i32
    %dma_wait3A_419 = tpu.memref_slice %arg9[%dma_wait3A_412, %dma_wait3A_418] : memref<48x128xi32, #tpu.memory_space<vmem>> -> memref<1x128xi32, #tpu.memory_space<vmem>>
    %dma_wait3A_420 = tpu.memref_squeeze %dma_wait3A_419 : memref<1x128xi32, #tpu.memory_space<vmem>> -> memref<128xi32, #tpu.memory_space<vmem>>
    %dma_wait3A_421 = arith.constant 0 : i32
    %dma_wait3A_422 = arith.constant 0 : i32
    %dma_wait3A_423 = tpu.memref_slice %arg5[%dma_wait3A_421, %dma_wait3A_422] : memref<100000x128xf32, #tpu.memory_space<hbm>> -> memref<100000x128xf32, #tpu.memory_space<hbm>>
    tpu.wait_indirect_dma semaphore(%arg16 : memref<!tpu.dma_semaphore, #tpu.memory_space<semaphore_mem>>) src(%dma_wait3A_423 : memref<100000x128xf32, #tpu.memory_space<hbm>>) dst(%dma_wait3A_417 : memref<128x128xf32, #tpu.memory_space<vmem>>)
    %add3A_424 = arith.constant 128 : i32
    %add3A_425 = arith.addi %mul3A_66, %add3A_424 : i32
    %dma_start3A_426 = arith.constant 5 : i32
    %dma_start3A_427 = arith.constant 0 : i32
    %dma_start3A_428 = arith.constant 0 : i32
    %dma_start3A_429 = tpu.memref_slice %arg10[%dma_start3A_426, %dma_start3A_427, %dma_start3A_428] : memref<7x128x128xf32, #tpu.memory_space<vmem>> -> memref<1x128x128xf32, #tpu.memory_space<vmem>>
    %dma_start3A_430 = tpu.memref_squeeze %dma_start3A_429 : memref<1x128x128xf32, #tpu.memory_space<vmem>> -> memref<128x128xf32, #tpu.memory_space<vmem>>
    %dma_start3A_431 = arith.constant 0 : i32
    %dma_start3A_432 = tpu.memref_slice %arg7[%add3A_425, %dma_start3A_431] : memref<16384x128xf32, #tpu.memory_space<hbm>> -> memref<128x128xf32, #tpu.memory_space<hbm>>
    %dma_start3A_433 = arith.constant 0 : i32
    %dma_start3A_434 = tpu.memref_slice %arg7[%add3A_425, %dma_start3A_433] : memref<16384x128xf32, #tpu.memory_space<hbm>> -> memref<128x128xf32, #tpu.memory_space<hbm>>
    %dma_start3A_435 = arith.constant 0 : i32
    %dma_start3A_436 = arith.constant 0 : i32
    %dma_start3A_437 = tpu.memref_slice %arg10[%dma_start3A_426, %dma_start3A_435, %dma_start3A_436] : memref<7x128x128xf32, #tpu.memory_space<vmem>> -> memref<1x128x128xf32, #tpu.memory_space<vmem>>
    %dma_start3A_438 = tpu.memref_squeeze %dma_start3A_437 : memref<1x128x128xf32, #tpu.memory_space<vmem>> -> memref<128x128xf32, #tpu.memory_space<vmem>>
    tpu.enqueue_dma source(%dma_start3A_438 : memref<128x128xf32, #tpu.memory_space<vmem>>) target(%dma_start3A_434 : memref<128x128xf32, #tpu.memory_space<hbm>>) target_semaphore(%arg23 : memref<!tpu.dma_semaphore, #tpu.memory_space<semaphore_mem>>)
    %jit3A_439 = arith.constant 16384 : i32
    %div3A_440 = arith.divsi %mul3A_68, %jit3A_439 : i32
    %sign3A_441 = arith.constant 0 : i32
    %sign3A_442 = arith.cmpi sgt, %mul3A_68, %sign3A_441 : i32
    %sign3A_443 = arith.extui %sign3A_442 : i1 to i32
    %sign3A_444 = arith.constant 0 : i32
    %sign3A_445 = arith.cmpi slt, %mul3A_68, %sign3A_444 : i32
    %sign3A_446 = arith.extui %sign3A_445 : i1 to i32
    %sign3A_447 = arith.subi %sign3A_443, %sign3A_446 : i32
    %sign3A_448 = arith.constant 0 : i32
    %sign3A_449 = arith.cmpi sgt, %jit3A_439, %sign3A_448 : i32
    %sign3A_450 = arith.extui %sign3A_449 : i1 to i32
    %sign3A_451 = arith.constant 0 : i32
    %sign3A_452 = arith.cmpi slt, %jit3A_439, %sign3A_451 : i32
    %sign3A_453 = arith.extui %sign3A_452 : i1 to i32
    %sign3A_454 = arith.subi %sign3A_450, %sign3A_453 : i32
    %ne3A_455 = arith.cmpi ne, %sign3A_447, %sign3A_454 : i32
    %rem3A_456 = arith.remsi %mul3A_68, %jit3A_439 : i32
    %ne3A_457 = arith.constant 0 : i32
    %ne3A_458 = arith.cmpi ne, %rem3A_456, %ne3A_457 : i32
    %and3A_459 = arith.andi %ne3A_455, %ne3A_458 : i1
    %sub3A_460 = arith.constant 1 : i32
    %sub3A_461 = arith.subi %div3A_440, %sub3A_460 : i32
    %select_n3A_462 = arith.select %and3A_459, %sub3A_461, %div3A_440 : i32
    %jit3A_463 = arith.constant 16384 : i32
    %eq3A_464 = arith.constant 0 : i32
    %eq3A_465 = arith.cmpi eq, %jit3A_463, %eq3A_464 : i32
    %jit3A_466 = arith.constant 1 : i32
    %select_n3A_467 = arith.select %eq3A_465, %jit3A_466, %jit3A_463 : i32
    %rem3A_468 = arith.remsi %mul3A_68, %select_n3A_467 : i32
    %ne3A_469 = arith.constant 0 : i32
    %ne3A_470 = arith.cmpi ne, %rem3A_468, %ne3A_469 : i32
    %lt3A_471 = arith.constant 0 : i32
    %lt3A_472 = arith.cmpi slt, %rem3A_468, %lt3A_471 : i32
    %lt3A_473 = arith.constant 0 : i32
    %lt3A_474 = arith.cmpi slt, %select_n3A_467, %lt3A_473 : i32
    %ne3A_475 = arith.xori %lt3A_472, %lt3A_474 : i1
    %and3A_476 = arith.andi %ne3A_475, %ne3A_470 : i1
    %add3A_477 = arith.addi %rem3A_468, %select_n3A_467 : i32
    %select_n3A_478 = arith.select %and3A_476, %add3A_477, %rem3A_468 : i32
    %dma_wait3A_479 = arith.constant 2 : i32
    %dma_wait3A_480 = arith.constant 0 : i32
    %dma_wait3A_481 = arith.constant 0 : i32
    %dma_wait3A_482 = tpu.memref_slice %arg10[%dma_wait3A_479, %dma_wait3A_480, %dma_wait3A_481] : memref<7x128x128xf32, #tpu.memory_space<vmem>> -> memref<1x128x128xf32, #tpu.memory_space<vmem>>
    %dma_wait3A_483 = tpu.memref_squeeze %dma_wait3A_482 : memref<1x128x128xf32, #tpu.memory_space<vmem>> -> memref<128x128xf32, #tpu.memory_space<vmem>>
    %dma_wait3A_484 = arith.constant 0 : i32
    %dma_wait3A_485 = tpu.memref_slice %arg8[%select_n3A_462, %select_n3A_478, %dma_wait3A_484] : memref<10x16384x128xf32, #tpu.memory_space<hbm>> -> memref<1x128x128xf32, #tpu.memory_space<hbm>>
    %dma_wait3A_486 = tpu.memref_squeeze %dma_wait3A_485 : memref<1x128x128xf32, #tpu.memory_space<hbm>> -> memref<128x128xf32, #tpu.memory_space<hbm>>
    %dma_wait3A_487 = arith.constant 0 : i32
    %dma_wait3A_488 = tpu.memref_slice %arg8[%select_n3A_462, %select_n3A_478, %dma_wait3A_487] : memref<10x16384x128xf32, #tpu.memory_space<hbm>> -> memref<1x128x128xf32, #tpu.memory_space<hbm>>
    %dma_wait3A_489 = tpu.memref_squeeze %dma_wait3A_488 : memref<1x128x128xf32, #tpu.memory_space<hbm>> -> memref<128x128xf32, #tpu.memory_space<hbm>>
    %dma_wait3A_490 = arith.constant 0 : i32
    %dma_wait3A_491 = arith.constant 0 : i32
    %dma_wait3A_492 = tpu.memref_slice %arg10[%dma_wait3A_479, %dma_wait3A_490, %dma_wait3A_491] : memref<7x128x128xf32, #tpu.memory_space<vmem>> -> memref<1x128x128xf32, #tpu.memory_space<vmem>>
    %dma_wait3A_493 = tpu.memref_squeeze %dma_wait3A_492 : memref<1x128x128xf32, #tpu.memory_space<vmem>> -> memref<128x128xf32, #tpu.memory_space<vmem>>
    tpu.wait_dma2 semaphore(%arg20 : memref<!tpu.dma_semaphore, #tpu.memory_space<semaphore_mem>>) src(%dma_wait3A_493 : memref<128x128xf32, #tpu.memory_space<vmem>>) dst(%dma_wait3A_489 : memref<128x128xf32, #tpu.memory_space<hbm>>)
    %dma_start3A_494 = arith.constant 9 : i32
    %dma_start3A_495 = arith.constant 2 : i32
    %dma_start3A_496 = arith.constant 0 : i32
    %dma_start3A_497 = arith.constant 0 : i32
    %dma_start3A_498 = tpu.memref_slice %arg10[%dma_start3A_495, %dma_start3A_496, %dma_start3A_497] : memref<7x128x128xf32, #tpu.memory_space<vmem>> -> memref<1x128x128xf32, #tpu.memory_space<vmem>>
    %dma_start3A_499 = tpu.memref_squeeze %dma_start3A_498 : memref<1x128x128xf32, #tpu.memory_space<vmem>> -> memref<128x128xf32, #tpu.memory_space<vmem>>
    %dma_start3A_500 = arith.constant 0 : i32
    %dma_start3A_501 = tpu.memref_slice %arg9[%dma_start3A_494, %dma_start3A_500] : memref<48x128xi32, #tpu.memory_space<vmem>> -> memref<1x128xi32, #tpu.memory_space<vmem>>
    %dma_start3A_502 = tpu.memref_squeeze %dma_start3A_501 : memref<1x128xi32, #tpu.memory_space<vmem>> -> memref<128xi32, #tpu.memory_space<vmem>>
    %dma_start3A_503 = arith.constant 0 : i32
    %dma_start3A_504 = arith.constant 0 : i32
    %dma_start3A_505 = tpu.memref_slice %arg5[%dma_start3A_503, %dma_start3A_504] : memref<100000x128xf32, #tpu.memory_space<hbm>> -> memref<100000x128xf32, #tpu.memory_space<hbm>>
    tpu.enqueue_indirect_dma source(%dma_start3A_505 : memref<100000x128xf32, #tpu.memory_space<hbm>>) target(%dma_start3A_499 : memref<128x128xf32, #tpu.memory_space<vmem>>) offsets(%dma_start3A_502 : memref<128xi32, #tpu.memory_space<vmem>>) semaphore(%arg13 : memref<!tpu.dma_semaphore, #tpu.memory_space<semaphore_mem>>)
    %dma_wait3A_506 = arith.constant 6 : i32
    %dma_wait3A_507 = arith.constant 6 : i32
    %dma_wait3A_508 = arith.constant 0 : i32
    %dma_wait3A_509 = arith.constant 0 : i32
    %dma_wait3A_510 = tpu.memref_slice %arg10[%dma_wait3A_507, %dma_wait3A_508, %dma_wait3A_509] : memref<7x128x128xf32, #tpu.memory_space<vmem>> -> memref<1x128x128xf32, #tpu.memory_space<vmem>>
    %dma_wait3A_511 = tpu.memref_squeeze %dma_wait3A_510 : memref<1x128x128xf32, #tpu.memory_space<vmem>> -> memref<128x128xf32, #tpu.memory_space<vmem>>
    %dma_wait3A_512 = arith.constant 0 : i32
    %dma_wait3A_513 = tpu.memref_slice %arg9[%dma_wait3A_506, %dma_wait3A_512] : memref<48x128xi32, #tpu.memory_space<vmem>> -> memref<1x128xi32, #tpu.memory_space<vmem>>
    %dma_wait3A_514 = tpu.memref_squeeze %dma_wait3A_513 : memref<1x128xi32, #tpu.memory_space<vmem>> -> memref<128xi32, #tpu.memory_space<vmem>>
    %dma_wait3A_515 = arith.constant 0 : i32
    %dma_wait3A_516 = arith.constant 0 : i32
    %dma_wait3A_517 = tpu.memref_slice %arg5[%dma_wait3A_515, %dma_wait3A_516] : memref<100000x128xf32, #tpu.memory_space<hbm>> -> memref<100000x128xf32, #tpu.memory_space<hbm>>
    tpu.wait_indirect_dma semaphore(%arg17 : memref<!tpu.dma_semaphore, #tpu.memory_space<semaphore_mem>>) src(%dma_wait3A_517 : memref<100000x128xf32, #tpu.memory_space<hbm>>) dst(%dma_wait3A_511 : memref<128x128xf32, #tpu.memory_space<vmem>>)
    %add3A_518 = arith.constant 256 : i32
    %add3A_519 = arith.addi %mul3A_66, %add3A_518 : i32
    %dma_start3A_520 = arith.constant 6 : i32
    %dma_start3A_521 = arith.constant 0 : i32
    %dma_start3A_522 = arith.constant 0 : i32
    %dma_start3A_523 = tpu.memref_slice %arg10[%dma_start3A_520, %dma_start3A_521, %dma_start3A_522] : memref<7x128x128xf32, #tpu.memory_space<vmem>> -> memref<1x128x128xf32, #tpu.memory_space<vmem>>
    %dma_start3A_524 = tpu.memref_squeeze %dma_start3A_523 : memref<1x128x128xf32, #tpu.memory_space<vmem>> -> memref<128x128xf32, #tpu.memory_space<vmem>>
    %dma_start3A_525 = arith.constant 0 : i32
    %dma_start3A_526 = tpu.memref_slice %arg7[%add3A_519, %dma_start3A_525] : memref<16384x128xf32, #tpu.memory_space<hbm>> -> memref<128x128xf32, #tpu.memory_space<hbm>>
    %dma_start3A_527 = arith.constant 0 : i32
    %dma_start3A_528 = tpu.memref_slice %arg7[%add3A_519, %dma_start3A_527] : memref<16384x128xf32, #tpu.memory_space<hbm>> -> memref<128x128xf32, #tpu.memory_space<hbm>>
    %dma_start3A_529 = arith.constant 0 : i32
    %dma_start3A_530 = arith.constant 0 : i32
    %dma_start3A_531 = tpu.memref_slice %arg10[%dma_start3A_520, %dma_start3A_529, %dma_start3A_530] : memref<7x128x128xf32, #tpu.memory_space<vmem>> -> memref<1x128x128xf32, #tpu.memory_space<vmem>>
    %dma_start3A_532 = tpu.memref_squeeze %dma_start3A_531 : memref<1x128x128xf32, #tpu.memory_space<vmem>> -> memref<128x128xf32, #tpu.memory_space<vmem>>
    tpu.enqueue_dma source(%dma_start3A_532 : memref<128x128xf32, #tpu.memory_space<vmem>>) target(%dma_start3A_528 : memref<128x128xf32, #tpu.memory_space<hbm>>) target_semaphore(%arg24 : memref<!tpu.dma_semaphore, #tpu.memory_space<semaphore_mem>>)
    %jit3A_533 = arith.constant 16384 : i32
    %div3A_534 = arith.divsi %mul3A_68, %jit3A_533 : i32
    %sign3A_535 = arith.constant 0 : i32
    %sign3A_536 = arith.cmpi sgt, %mul3A_68, %sign3A_535 : i32
    %sign3A_537 = arith.extui %sign3A_536 : i1 to i32
    %sign3A_538 = arith.constant 0 : i32
    %sign3A_539 = arith.cmpi slt, %mul3A_68, %sign3A_538 : i32
    %sign3A_540 = arith.extui %sign3A_539 : i1 to i32
    %sign3A_541 = arith.subi %sign3A_537, %sign3A_540 : i32
    %sign3A_542 = arith.constant 0 : i32
    %sign3A_543 = arith.cmpi sgt, %jit3A_533, %sign3A_542 : i32
    %sign3A_544 = arith.extui %sign3A_543 : i1 to i32
    %sign3A_545 = arith.constant 0 : i32
    %sign3A_546 = arith.cmpi slt, %jit3A_533, %sign3A_545 : i32
    %sign3A_547 = arith.extui %sign3A_546 : i1 to i32
    %sign3A_548 = arith.subi %sign3A_544, %sign3A_547 : i32
    %ne3A_549 = arith.cmpi ne, %sign3A_541, %sign3A_548 : i32
    %rem3A_550 = arith.remsi %mul3A_68, %jit3A_533 : i32
    %ne3A_551 = arith.constant 0 : i32
    %ne3A_552 = arith.cmpi ne, %rem3A_550, %ne3A_551 : i32
    %and3A_553 = arith.andi %ne3A_549, %ne3A_552 : i1
    %sub3A_554 = arith.constant 1 : i32
    %sub3A_555 = arith.subi %div3A_534, %sub3A_554 : i32
    %select_n3A_556 = arith.select %and3A_553, %sub3A_555, %div3A_534 : i32
    %jit3A_557 = arith.constant 16384 : i32
    %eq3A_558 = arith.constant 0 : i32
    %eq3A_559 = arith.cmpi eq, %jit3A_557, %eq3A_558 : i32
    %jit3A_560 = arith.constant 1 : i32
    %select_n3A_561 = arith.select %eq3A_559, %jit3A_560, %jit3A_557 : i32
    %rem3A_562 = arith.remsi %mul3A_68, %select_n3A_561 : i32
    %ne3A_563 = arith.constant 0 : i32
    %ne3A_564 = arith.cmpi ne, %rem3A_562, %ne3A_563 : i32
    %lt3A_565 = arith.constant 0 : i32
    %lt3A_566 = arith.cmpi slt, %rem3A_562, %lt3A_565 : i32
    %lt3A_567 = arith.constant 0 : i32
    %lt3A_568 = arith.cmpi slt, %select_n3A_561, %lt3A_567 : i32
    %ne3A_569 = arith.xori %lt3A_566, %lt3A_568 : i1
    %and3A_570 = arith.andi %ne3A_569, %ne3A_564 : i1
    %add3A_571 = arith.addi %rem3A_562, %select_n3A_561 : i32
    %select_n3A_572 = arith.select %and3A_570, %add3A_571, %rem3A_562 : i32
    %dma_wait3A_573 = arith.constant 3 : i32
    %dma_wait3A_574 = arith.constant 0 : i32
    %dma_wait3A_575 = arith.constant 0 : i32
    %dma_wait3A_576 = tpu.memref_slice %arg10[%dma_wait3A_573, %dma_wait3A_574, %dma_wait3A_575] : memref<7x128x128xf32, #tpu.memory_space<vmem>> -> memref<1x128x128xf32, #tpu.memory_space<vmem>>
    %dma_wait3A_577 = tpu.memref_squeeze %dma_wait3A_576 : memref<1x128x128xf32, #tpu.memory_space<vmem>> -> memref<128x128xf32, #tpu.memory_space<vmem>>
    %dma_wait3A_578 = arith.constant 0 : i32
    %dma_wait3A_579 = tpu.memref_slice %arg8[%select_n3A_556, %select_n3A_572, %dma_wait3A_578] : memref<10x16384x128xf32, #tpu.memory_space<hbm>> -> memref<1x128x128xf32, #tpu.memory_space<hbm>>
    %dma_wait3A_580 = tpu.memref_squeeze %dma_wait3A_579 : memref<1x128x128xf32, #tpu.memory_space<hbm>> -> memref<128x128xf32, #tpu.memory_space<hbm>>
    %dma_wait3A_581 = arith.constant 0 : i32
    %dma_wait3A_582 = tpu.memref_slice %arg8[%select_n3A_556, %select_n3A_572, %dma_wait3A_581] : memref<10x16384x128xf32, #tpu.memory_space<hbm>> -> memref<1x128x128xf32, #tpu.memory_space<hbm>>
    %dma_wait3A_583 = tpu.memref_squeeze %dma_wait3A_582 : memref<1x128x128xf32, #tpu.memory_space<hbm>> -> memref<128x128xf32, #tpu.memory_space<hbm>>
    %dma_wait3A_584 = arith.constant 0 : i32
    %dma_wait3A_585 = arith.constant 0 : i32
    %dma_wait3A_586 = tpu.memref_slice %arg10[%dma_wait3A_573, %dma_wait3A_584, %dma_wait3A_585] : memref<7x128x128xf32, #tpu.memory_space<vmem>> -> memref<1x128x128xf32, #tpu.memory_space<vmem>>
    %dma_wait3A_587 = tpu.memref_squeeze %dma_wait3A_586 : memref<1x128x128xf32, #tpu.memory_space<vmem>> -> memref<128x128xf32, #tpu.memory_space<vmem>>
    tpu.wait_dma2 semaphore(%arg21 : memref<!tpu.dma_semaphore, #tpu.memory_space<semaphore_mem>>) src(%dma_wait3A_587 : memref<128x128xf32, #tpu.memory_space<vmem>>) dst(%dma_wait3A_583 : memref<128x128xf32, #tpu.memory_space<hbm>>)
    %dma_start3A_588 = arith.constant 10 : i32
    %dma_start3A_589 = arith.constant 3 : i32
    %dma_start3A_590 = arith.constant 0 : i32
    %dma_start3A_591 = arith.constant 0 : i32
    %dma_start3A_592 = tpu.memref_slice %arg10[%dma_start3A_589, %dma_start3A_590, %dma_start3A_591] : memref<7x128x128xf32, #tpu.memory_space<vmem>> -> memref<1x128x128xf32, #tpu.memory_space<vmem>>
    %dma_start3A_593 = tpu.memref_squeeze %dma_start3A_592 : memref<1x128x128xf32, #tpu.memory_space<vmem>> -> memref<128x128xf32, #tpu.memory_space<vmem>>
    %dma_start3A_594 = arith.constant 0 : i32
    %dma_start3A_595 = tpu.memref_slice %arg9[%dma_start3A_588, %dma_start3A_594] : memref<48x128xi32, #tpu.memory_space<vmem>> -> memref<1x128xi32, #tpu.memory_space<vmem>>
    %dma_start3A_596 = tpu.memref_squeeze %dma_start3A_595 : memref<1x128xi32, #tpu.memory_space<vmem>> -> memref<128xi32, #tpu.memory_space<vmem>>
    %dma_start3A_597 = arith.constant 0 : i32
    %dma_start3A_598 = arith.constant 0 : i32
    %dma_start3A_599 = tpu.memref_slice %arg5[%dma_start3A_597, %dma_start3A_598] : memref<100000x128xf32, #tpu.memory_space<hbm>> -> memref<100000x128xf32, #tpu.memory_space<hbm>>
    tpu.enqueue_indirect_dma source(%dma_start3A_599 : memref<100000x128xf32, #tpu.memory_space<hbm>>) target(%dma_start3A_593 : memref<128x128xf32, #tpu.memory_space<vmem>>) offsets(%dma_start3A_596 : memref<128xi32, #tpu.memory_space<vmem>>) semaphore(%arg14 : memref<!tpu.dma_semaphore, #tpu.memory_space<semaphore_mem>>)
    %dma_wait3A_600 = arith.constant 7 : i32
    %dma_wait3A_601 = arith.constant 0 : i32
    %dma_wait3A_602 = arith.constant 0 : i32
    %dma_wait3A_603 = arith.constant 0 : i32
    %dma_wait3A_604 = tpu.memref_slice %arg10[%dma_wait3A_601, %dma_wait3A_602, %dma_wait3A_603] : memref<7x128x128xf32, #tpu.memory_space<vmem>> -> memref<1x128x128xf32, #tpu.memory_space<vmem>>
    %dma_wait3A_605 = tpu.memref_squeeze %dma_wait3A_604 : memref<1x128x128xf32, #tpu.memory_space<vmem>> -> memref<128x128xf32, #tpu.memory_space<vmem>>
    %dma_wait3A_606 = arith.constant 0 : i32
    %dma_wait3A_607 = tpu.memref_slice %arg9[%dma_wait3A_600, %dma_wait3A_606] : memref<48x128xi32, #tpu.memory_space<vmem>> -> memref<1x128xi32, #tpu.memory_space<vmem>>
    %dma_wait3A_608 = tpu.memref_squeeze %dma_wait3A_607 : memref<1x128xi32, #tpu.memory_space<vmem>> -> memref<128xi32, #tpu.memory_space<vmem>>
    %dma_wait3A_609 = arith.constant 0 : i32
    %dma_wait3A_610 = arith.constant 0 : i32
    %dma_wait3A_611 = tpu.memref_slice %arg5[%dma_wait3A_609, %dma_wait3A_610] : memref<100000x128xf32, #tpu.memory_space<hbm>> -> memref<100000x128xf32, #tpu.memory_space<hbm>>
    tpu.wait_indirect_dma semaphore(%arg11 : memref<!tpu.dma_semaphore, #tpu.memory_space<semaphore_mem>>) src(%dma_wait3A_611 : memref<100000x128xf32, #tpu.memory_space<hbm>>) dst(%dma_wait3A_605 : memref<128x128xf32, #tpu.memory_space<vmem>>)
    %add3A_612 = arith.constant 384 : i32
    %add3A_613 = arith.addi %mul3A_66, %add3A_612 : i32
    %dma_start3A_614 = arith.constant 0 : i32
    %dma_start3A_615 = arith.constant 0 : i32
    %dma_start3A_616 = arith.constant 0 : i32
    %dma_start3A_617 = tpu.memref_slice %arg10[%dma_start3A_614, %dma_start3A_615, %dma_start3A_616] : memref<7x128x128xf32, #tpu.memory_space<vmem>> -> memref<1x128x128xf32, #tpu.memory_space<vmem>>
    %dma_start3A_618 = tpu.memref_squeeze %dma_start3A_617 : memref<1x128x128xf32, #tpu.memory_space<vmem>> -> memref<128x128xf32, #tpu.memory_space<vmem>>
    %dma_start3A_619 = arith.constant 0 : i32
    %dma_start3A_620 = tpu.memref_slice %arg7[%add3A_613, %dma_start3A_619] : memref<16384x128xf32, #tpu.memory_space<hbm>> -> memref<128x128xf32, #tpu.memory_space<hbm>>
    %dma_start3A_621 = arith.constant 0 : i32
    %dma_start3A_622 = tpu.memref_slice %arg7[%add3A_613, %dma_start3A_621] : memref<16384x128xf32, #tpu.memory_space<hbm>> -> memref<128x128xf32, #tpu.memory_space<hbm>>
    %dma_start3A_623 = arith.constant 0 : i32
    %dma_start3A_624 = arith.constant 0 : i32
    %dma_start3A_625 = tpu.memref_slice %arg10[%dma_start3A_614, %dma_start3A_623, %dma_start3A_624] : memref<7x128x128xf32, #tpu.memory_space<vmem>> -> memref<1x128x128xf32, #tpu.memory_space<vmem>>
    %dma_start3A_626 = tpu.memref_squeeze %dma_start3A_625 : memref<1x128x128xf32, #tpu.memory_space<vmem>> -> memref<128x128xf32, #tpu.memory_space<vmem>>
    tpu.enqueue_dma source(%dma_start3A_626 : memref<128x128xf32, #tpu.memory_space<vmem>>) target(%dma_start3A_622 : memref<128x128xf32, #tpu.memory_space<hbm>>) target_semaphore(%arg18 : memref<!tpu.dma_semaphore, #tpu.memory_space<semaphore_mem>>)
    %jit3A_627 = arith.constant 16384 : i32
    %div3A_628 = arith.divsi %mul3A_68, %jit3A_627 : i32
    %sign3A_629 = arith.constant 0 : i32
    %sign3A_630 = arith.cmpi sgt, %mul3A_68, %sign3A_629 : i32
    %sign3A_631 = arith.extui %sign3A_630 : i1 to i32
    %sign3A_632 = arith.constant 0 : i32
    %sign3A_633 = arith.cmpi slt, %mul3A_68, %sign3A_632 : i32
    %sign3A_634 = arith.extui %sign3A_633 : i1 to i32
    %sign3A_635 = arith.subi %sign3A_631, %sign3A_634 : i32
    %sign3A_636 = arith.constant 0 : i32
    %sign3A_637 = arith.cmpi sgt, %jit3A_627, %sign3A_636 : i32
    %sign3A_638 = arith.extui %sign3A_637 : i1 to i32
    %sign3A_639 = arith.constant 0 : i32
    %sign3A_640 = arith.cmpi slt, %jit3A_627, %sign3A_639 : i32
    %sign3A_641 = arith.extui %sign3A_640 : i1 to i32
    %sign3A_642 = arith.subi %sign3A_638, %sign3A_641 : i32
    %ne3A_643 = arith.cmpi ne, %sign3A_635, %sign3A_642 : i32
    %rem3A_644 = arith.remsi %mul3A_68, %jit3A_627 : i32
    %ne3A_645 = arith.constant 0 : i32
    %ne3A_646 = arith.cmpi ne, %rem3A_644, %ne3A_645 : i32
    %and3A_647 = arith.andi %ne3A_643, %ne3A_646 : i1
    %sub3A_648 = arith.constant 1 : i32
    %sub3A_649 = arith.subi %div3A_628, %sub3A_648 : i32
    %select_n3A_650 = arith.select %and3A_647, %sub3A_649, %div3A_628 : i32
    %jit3A_651 = arith.constant 16384 : i32
    %eq3A_652 = arith.constant 0 : i32
    %eq3A_653 = arith.cmpi eq, %jit3A_651, %eq3A_652 : i32
    %jit3A_654 = arith.constant 1 : i32
    %select_n3A_655 = arith.select %eq3A_653, %jit3A_654, %jit3A_651 : i32
    %rem3A_656 = arith.remsi %mul3A_68, %select_n3A_655 : i32
    %ne3A_657 = arith.constant 0 : i32
    %ne3A_658 = arith.cmpi ne, %rem3A_656, %ne3A_657 : i32
    %lt3A_659 = arith.constant 0 : i32
    %lt3A_660 = arith.cmpi slt, %rem3A_656, %lt3A_659 : i32
    %lt3A_661 = arith.constant 0 : i32
    %lt3A_662 = arith.cmpi slt, %select_n3A_655, %lt3A_661 : i32
    %ne3A_663 = arith.xori %lt3A_660, %lt3A_662 : i1
    %and3A_664 = arith.andi %ne3A_663, %ne3A_658 : i1
    %add3A_665 = arith.addi %rem3A_656, %select_n3A_655 : i32
    %select_n3A_666 = arith.select %and3A_664, %add3A_665, %rem3A_656 : i32
    %dma_wait3A_667 = arith.constant 4 : i32
    %dma_wait3A_668 = arith.constant 0 : i32
    %dma_wait3A_669 = arith.constant 0 : i32
    %dma_wait3A_670 = tpu.memref_slice %arg10[%dma_wait3A_667, %dma_wait3A_668, %dma_wait3A_669] : memref<7x128x128xf32, #tpu.memory_space<vmem>> -> memref<1x128x128xf32, #tpu.memory_space<vmem>>
    %dma_wait3A_671 = tpu.memref_squeeze %dma_wait3A_670 : memref<1x128x128xf32, #tpu.memory_space<vmem>> -> memref<128x128xf32, #tpu.memory_space<vmem>>
    %dma_wait3A_672 = arith.constant 0 : i32
    %dma_wait3A_673 = tpu.memref_slice %arg8[%select_n3A_650, %select_n3A_666, %dma_wait3A_672] : memref<10x16384x128xf32, #tpu.memory_space<hbm>> -> memref<1x128x128xf32, #tpu.memory_space<hbm>>
    %dma_wait3A_674 = tpu.memref_squeeze %dma_wait3A_673 : memref<1x128x128xf32, #tpu.memory_space<hbm>> -> memref<128x128xf32, #tpu.memory_space<hbm>>
    %dma_wait3A_675 = arith.constant 0 : i32
    %dma_wait3A_676 = tpu.memref_slice %arg8[%select_n3A_650, %select_n3A_666, %dma_wait3A_675] : memref<10x16384x128xf32, #tpu.memory_space<hbm>> -> memref<1x128x128xf32, #tpu.memory_space<hbm>>
    %dma_wait3A_677 = tpu.memref_squeeze %dma_wait3A_676 : memref<1x128x128xf32, #tpu.memory_space<hbm>> -> memref<128x128xf32, #tpu.memory_space<hbm>>
    %dma_wait3A_678 = arith.constant 0 : i32
    %dma_wait3A_679 = arith.constant 0 : i32
    %dma_wait3A_680 = tpu.memref_slice %arg10[%dma_wait3A_667, %dma_wait3A_678, %dma_wait3A_679] : memref<7x128x128xf32, #tpu.memory_space<vmem>> -> memref<1x128x128xf32, #tpu.memory_space<vmem>>
    %dma_wait3A_681 = tpu.memref_squeeze %dma_wait3A_680 : memref<1x128x128xf32, #tpu.memory_space<vmem>> -> memref<128x128xf32, #tpu.memory_space<vmem>>
    tpu.wait_dma2 semaphore(%arg22 : memref<!tpu.dma_semaphore, #tpu.memory_space<semaphore_mem>>) src(%dma_wait3A_681 : memref<128x128xf32, #tpu.memory_space<vmem>>) dst(%dma_wait3A_677 : memref<128x128xf32, #tpu.memory_space<hbm>>)
    %dma_start3A_682 = arith.constant 11 : i32
    %dma_start3A_683 = arith.constant 4 : i32
    %dma_start3A_684 = arith.constant 0 : i32
    %dma_start3A_685 = arith.constant 0 : i32
    %dma_start3A_686 = tpu.memref_slice %arg10[%dma_start3A_683, %dma_start3A_684, %dma_start3A_685] : memref<7x128x128xf32, #tpu.memory_space<vmem>> -> memref<1x128x128xf32, #tpu.memory_space<vmem>>
    %dma_start3A_687 = tpu.memref_squeeze %dma_start3A_686 : memref<1x128x128xf32, #tpu.memory_space<vmem>> -> memref<128x128xf32, #tpu.memory_space<vmem>>
    %dma_start3A_688 = arith.constant 0 : i32
    %dma_start3A_689 = tpu.memref_slice %arg9[%dma_start3A_682, %dma_start3A_688] : memref<48x128xi32, #tpu.memory_space<vmem>> -> memref<1x128xi32, #tpu.memory_space<vmem>>
    %dma_start3A_690 = tpu.memref_squeeze %dma_start3A_689 : memref<1x128xi32, #tpu.memory_space<vmem>> -> memref<128xi32, #tpu.memory_space<vmem>>
    %dma_start3A_691 = arith.constant 0 : i32
    %dma_start3A_692 = arith.constant 0 : i32
    %dma_start3A_693 = tpu.memref_slice %arg5[%dma_start3A_691, %dma_start3A_692] : memref<100000x128xf32, #tpu.memory_space<hbm>> -> memref<100000x128xf32, #tpu.memory_space<hbm>>
    tpu.enqueue_indirect_dma source(%dma_start3A_693 : memref<100000x128xf32, #tpu.memory_space<hbm>>) target(%dma_start3A_687 : memref<128x128xf32, #tpu.memory_space<vmem>>) offsets(%dma_start3A_690 : memref<128xi32, #tpu.memory_space<vmem>>) semaphore(%arg15 : memref<!tpu.dma_semaphore, #tpu.memory_space<semaphore_mem>>)
    %scan3A = arith.constant 0 : i32
    %scan3A_694 = arith.constant 5 : i32
    %scan3A_695 = arith.addi %scan3A, %scan3A_694 : i32
    %scan3A_696 = arith.constant 1 : i32
    scf.for %scan3A_1495 = %scan3A to %scan3A_695 step %scan3A_696  : i32 {
      %mul3A_1496 = arith.constant 7 : i32
      %mul3A_1497 = arith.muli %scan3A_1495, %mul3A_1496 : i32
      %add3A_1498 = arith.constant 8 : i32
      %add3A_1499 = arith.addi %add3A_1498, %mul3A_1497 : i32
      %add3A_1500 = arith.constant 0 : i32
      %add3A_1501 = arith.addi %add3A_1499, %add3A_1500 : i32
      %dma_wait3A_1502 = arith.constant 1 : i32
      %dma_wait3A_1503 = arith.constant 0 : i32
      %dma_wait3A_1504 = arith.constant 0 : i32
      %dma_wait3A_1505 = tpu.memref_slice %arg10[%dma_wait3A_1502, %dma_wait3A_1503, %dma_wait3A_1504] : memref<7x128x128xf32, #tpu.memory_space<vmem>> -> memref<1x128x128xf32, #tpu.memory_space<vmem>>
      %dma_wait3A_1506 = tpu.memref_squeeze %dma_wait3A_1505 : memref<1x128x128xf32, #tpu.memory_space<vmem>> -> memref<128x128xf32, #tpu.memory_space<vmem>>
      %dma_wait3A_1507 = arith.constant 0 : i32
      %dma_wait3A_1508 = tpu.memref_slice %arg9[%add3A_1501, %dma_wait3A_1507] : memref<48x128xi32, #tpu.memory_space<vmem>> -> memref<1x128xi32, #tpu.memory_space<vmem>>
      %dma_wait3A_1509 = tpu.memref_squeeze %dma_wait3A_1508 : memref<1x128xi32, #tpu.memory_space<vmem>> -> memref<128xi32, #tpu.memory_space<vmem>>
      %dma_wait3A_1510 = arith.constant 0 : i32
      %dma_wait3A_1511 = arith.constant 0 : i32
      %dma_wait3A_1512 = tpu.memref_slice %arg5[%dma_wait3A_1510, %dma_wait3A_1511] : memref<100000x128xf32, #tpu.memory_space<hbm>> -> memref<100000x128xf32, #tpu.memory_space<hbm>>
      tpu.wait_indirect_dma semaphore(%arg12 : memref<!tpu.dma_semaphore, #tpu.memory_space<semaphore_mem>>) src(%dma_wait3A_1512 : memref<100000x128xf32, #tpu.memory_space<hbm>>) dst(%dma_wait3A_1506 : memref<128x128xf32, #tpu.memory_space<vmem>>)
      %sub3A_1513 = arith.constant 8 : i32
      %sub3A_1514 = arith.subi %add3A_1501, %sub3A_1513 : i32
      %mul3A_1515 = arith.constant 128 : i32
      %mul3A_1516 = arith.muli %sub3A_1514, %mul3A_1515 : i32
      %add3A_1517 = arith.addi %mul3A_68, %mul3A_1516 : i32
      %jit3A_1518 = arith.constant 16384 : i32
      %div3A_1519 = arith.divsi %add3A_1517, %jit3A_1518 : i32
      %sign3A_1520 = arith.constant 0 : i32
      %sign3A_1521 = arith.cmpi sgt, %add3A_1517, %sign3A_1520 : i32
      %sign3A_1522 = arith.extui %sign3A_1521 : i1 to i32
      %sign3A_1523 = arith.constant 0 : i32
      %sign3A_1524 = arith.cmpi slt, %add3A_1517, %sign3A_1523 : i32
      %sign3A_1525 = arith.extui %sign3A_1524 : i1 to i32
      %sign3A_1526 = arith.subi %sign3A_1522, %sign3A_1525 : i32
      %sign3A_1527 = arith.constant 0 : i32
      %sign3A_1528 = arith.cmpi sgt, %jit3A_1518, %sign3A_1527 : i32
      %sign3A_1529 = arith.extui %sign3A_1528 : i1 to i32
      %sign3A_1530 = arith.constant 0 : i32
      %sign3A_1531 = arith.cmpi slt, %jit3A_1518, %sign3A_1530 : i32
      %sign3A_1532 = arith.extui %sign3A_1531 : i1 to i32
      %sign3A_1533 = arith.subi %sign3A_1529, %sign3A_1532 : i32
      %ne3A_1534 = arith.cmpi ne, %sign3A_1526, %sign3A_1533 : i32
      %rem3A_1535 = arith.remsi %add3A_1517, %jit3A_1518 : i32
      %ne3A_1536 = arith.constant 0 : i32
      %ne3A_1537 = arith.cmpi ne, %rem3A_1535, %ne3A_1536 : i32
      %and3A_1538 = arith.andi %ne3A_1534, %ne3A_1537 : i1
      %sub3A_1539 = arith.constant 1 : i32
      %sub3A_1540 = arith.subi %div3A_1519, %sub3A_1539 : i32
      %select_n3A_1541 = arith.select %and3A_1538, %sub3A_1540, %div3A_1519 : i32
      %jit3A_1542 = arith.constant 16384 : i32
      %eq3A_1543 = arith.constant 0 : i32
      %eq3A_1544 = arith.cmpi eq, %jit3A_1542, %eq3A_1543 : i32
      %jit3A_1545 = arith.constant 1 : i32
      %select_n3A_1546 = arith.select %eq3A_1544, %jit3A_1545, %jit3A_1542 : i32
      %rem3A_1547 = arith.remsi %add3A_1517, %select_n3A_1546 : i32
      %ne3A_1548 = arith.constant 0 : i32
      %ne3A_1549 = arith.cmpi ne, %rem3A_1547, %ne3A_1548 : i32
      %lt3A_1550 = arith.constant 0 : i32
      %lt3A_1551 = arith.cmpi slt, %rem3A_1547, %lt3A_1550 : i32
      %lt3A_1552 = arith.constant 0 : i32
      %lt3A_1553 = arith.cmpi slt, %select_n3A_1546, %lt3A_1552 : i32
      %ne3A_1554 = arith.xori %lt3A_1551, %lt3A_1553 : i1
      %and3A_1555 = arith.andi %ne3A_1554, %ne3A_1549 : i1
      %add3A_1556 = arith.addi %rem3A_1547, %select_n3A_1546 : i32
      %select_n3A_1557 = arith.select %and3A_1555, %add3A_1556, %rem3A_1547 : i32
      %dma_start3A_1558 = arith.constant 1 : i32
      %dma_start3A_1559 = arith.constant 0 : i32
      %dma_start3A_1560 = arith.constant 0 : i32
      %dma_start3A_1561 = tpu.memref_slice %arg10[%dma_start3A_1558, %dma_start3A_1559, %dma_start3A_1560] : memref<7x128x128xf32, #tpu.memory_space<vmem>> -> memref<1x128x128xf32, #tpu.memory_space<vmem>>
      %dma_start3A_1562 = tpu.memref_squeeze %dma_start3A_1561 : memref<1x128x128xf32, #tpu.memory_space<vmem>> -> memref<128x128xf32, #tpu.memory_space<vmem>>
      %dma_start3A_1563 = arith.constant 0 : i32
      %dma_start3A_1564 = tpu.memref_slice %arg8[%select_n3A_1541, %select_n3A_1557, %dma_start3A_1563] : memref<10x16384x128xf32, #tpu.memory_space<hbm>> -> memref<1x128x128xf32, #tpu.memory_space<hbm>>
      %dma_start3A_1565 = tpu.memref_squeeze %dma_start3A_1564 : memref<1x128x128xf32, #tpu.memory_space<hbm>> -> memref<128x128xf32, #tpu.memory_space<hbm>>
      %dma_start3A_1566 = arith.constant 0 : i32
      %dma_start3A_1567 = tpu.memref_slice %arg8[%select_n3A_1541, %select_n3A_1557, %dma_start3A_1566] : memref<10x16384x128xf32, #tpu.memory_space<hbm>> -> memref<1x128x128xf32, #tpu.memory_space<hbm>>
      %dma_start3A_1568 = tpu.memref_squeeze %dma_start3A_1567 : memref<1x128x128xf32, #tpu.memory_space<hbm>> -> memref<128x128xf32, #tpu.memory_space<hbm>>
      %dma_start3A_1569 = arith.constant 0 : i32
      %dma_start3A_1570 = arith.constant 0 : i32
      %dma_start3A_1571 = tpu.memref_slice %arg10[%dma_start3A_1558, %dma_start3A_1569, %dma_start3A_1570] : memref<7x128x128xf32, #tpu.memory_space<vmem>> -> memref<1x128x128xf32, #tpu.memory_space<vmem>>
      %dma_start3A_1572 = tpu.memref_squeeze %dma_start3A_1571 : memref<1x128x128xf32, #tpu.memory_space<vmem>> -> memref<128x128xf32, #tpu.memory_space<vmem>>
      tpu.enqueue_dma source(%dma_start3A_1572 : memref<128x128xf32, #tpu.memory_space<vmem>>) target(%dma_start3A_1568 : memref<128x128xf32, #tpu.memory_space<hbm>>) target_semaphore(%arg19 : memref<!tpu.dma_semaphore, #tpu.memory_space<semaphore_mem>>)
      %jit3A_1573 = arith.constant 16384 : i32
      %div3A_1574 = arith.divsi %mul3A_68, %jit3A_1573 : i32
      %sign3A_1575 = arith.constant 0 : i32
      %sign3A_1576 = arith.cmpi sgt, %mul3A_68, %sign3A_1575 : i32
      %sign3A_1577 = arith.extui %sign3A_1576 : i1 to i32
      %sign3A_1578 = arith.constant 0 : i32
      %sign3A_1579 = arith.cmpi slt, %mul3A_68, %sign3A_1578 : i32
      %sign3A_1580 = arith.extui %sign3A_1579 : i1 to i32
      %sign3A_1581 = arith.subi %sign3A_1577, %sign3A_1580 : i32
      %sign3A_1582 = arith.constant 0 : i32
      %sign3A_1583 = arith.cmpi sgt, %jit3A_1573, %sign3A_1582 : i32
      %sign3A_1584 = arith.extui %sign3A_1583 : i1 to i32
      %sign3A_1585 = arith.constant 0 : i32
      %sign3A_1586 = arith.cmpi slt, %jit3A_1573, %sign3A_1585 : i32
      %sign3A_1587 = arith.extui %sign3A_1586 : i1 to i32
      %sign3A_1588 = arith.subi %sign3A_1584, %sign3A_1587 : i32
      %ne3A_1589 = arith.cmpi ne, %sign3A_1581, %sign3A_1588 : i32
      %rem3A_1590 = arith.remsi %mul3A_68, %jit3A_1573 : i32
      %ne3A_1591 = arith.constant 0 : i32
      %ne3A_1592 = arith.cmpi ne, %rem3A_1590, %ne3A_1591 : i32
      %and3A_1593 = arith.andi %ne3A_1589, %ne3A_1592 : i1
      %sub3A_1594 = arith.constant 1 : i32
      %sub3A_1595 = arith.subi %div3A_1574, %sub3A_1594 : i32
      %select_n3A_1596 = arith.select %and3A_1593, %sub3A_1595, %div3A_1574 : i32
      %jit3A_1597 = arith.constant 16384 : i32
      %eq3A_1598 = arith.constant 0 : i32
      %eq3A_1599 = arith.cmpi eq, %jit3A_1597, %eq3A_1598 : i32
      %jit3A_1600 = arith.constant 1 : i32
      %select_n3A_1601 = arith.select %eq3A_1599, %jit3A_1600, %jit3A_1597 : i32
      %rem3A_1602 = arith.remsi %mul3A_68, %select_n3A_1601 : i32
      %ne3A_1603 = arith.constant 0 : i32
      %ne3A_1604 = arith.cmpi ne, %rem3A_1602, %ne3A_1603 : i32
      %lt3A_1605 = arith.constant 0 : i32
      %lt3A_1606 = arith.cmpi slt, %rem3A_1602, %lt3A_1605 : i32
      %lt3A_1607 = arith.constant 0 : i32
      %lt3A_1608 = arith.cmpi slt, %select_n3A_1601, %lt3A_1607 : i32
      %ne3A_1609 = arith.xori %lt3A_1606, %lt3A_1608 : i1
      %and3A_1610 = arith.andi %ne3A_1609, %ne3A_1604 : i1
      %add3A_1611 = arith.addi %rem3A_1602, %select_n3A_1601 : i32
      %select_n3A_1612 = arith.select %and3A_1610, %add3A_1611, %rem3A_1602 : i32
      %dma_wait3A_1613 = arith.constant 5 : i32
      %dma_wait3A_1614 = arith.constant 0 : i32
      %dma_wait3A_1615 = arith.constant 0 : i32
      %dma_wait3A_1616 = tpu.memref_slice %arg10[%dma_wait3A_1613, %dma_wait3A_1614, %dma_wait3A_1615] : memref<7x128x128xf32, #tpu.memory_space<vmem>> -> memref<1x128x128xf32, #tpu.memory_space<vmem>>
      %dma_wait3A_1617 = tpu.memref_squeeze %dma_wait3A_1616 : memref<1x128x128xf32, #tpu.memory_space<vmem>> -> memref<128x128xf32, #tpu.memory_space<vmem>>
      %dma_wait3A_1618 = arith.constant 0 : i32
      %dma_wait3A_1619 = tpu.memref_slice %arg8[%select_n3A_1596, %select_n3A_1612, %dma_wait3A_1618] : memref<10x16384x128xf32, #tpu.memory_space<hbm>> -> memref<1x128x128xf32, #tpu.memory_space<hbm>>
      %dma_wait3A_1620 = tpu.memref_squeeze %dma_wait3A_1619 : memref<1x128x128xf32, #tpu.memory_space<hbm>> -> memref<128x128xf32, #tpu.memory_space<hbm>>
      %dma_wait3A_1621 = arith.constant 0 : i32
      %dma_wait3A_1622 = tpu.memref_slice %arg8[%select_n3A_1596, %select_n3A_1612, %dma_wait3A_1621] : memref<10x16384x128xf32, #tpu.memory_space<hbm>> -> memref<1x128x128xf32, #tpu.memory_space<hbm>>
      %dma_wait3A_1623 = tpu.memref_squeeze %dma_wait3A_1622 : memref<1x128x128xf32, #tpu.memory_space<hbm>> -> memref<128x128xf32, #tpu.memory_space<hbm>>
      %dma_wait3A_1624 = arith.constant 0 : i32
      %dma_wait3A_1625 = arith.constant 0 : i32
      %dma_wait3A_1626 = tpu.memref_slice %arg10[%dma_wait3A_1613, %dma_wait3A_1624, %dma_wait3A_1625] : memref<7x128x128xf32, #tpu.memory_space<vmem>> -> memref<1x128x128xf32, #tpu.memory_space<vmem>>
      %dma_wait3A_1627 = tpu.memref_squeeze %dma_wait3A_1626 : memref<1x128x128xf32, #tpu.memory_space<vmem>> -> memref<128x128xf32, #tpu.memory_space<vmem>>
      tpu.wait_dma2 semaphore(%arg23 : memref<!tpu.dma_semaphore, #tpu.memory_space<semaphore_mem>>) src(%dma_wait3A_1627 : memref<128x128xf32, #tpu.memory_space<vmem>>) dst(%dma_wait3A_1623 : memref<128x128xf32, #tpu.memory_space<hbm>>)
      %add3A_1628 = arith.constant 4 : i32
      %add3A_1629 = arith.addi %add3A_1501, %add3A_1628 : i32
      %dma_start3A_1630 = arith.constant 5 : i32
      %dma_start3A_1631 = arith.constant 0 : i32
      %dma_start3A_1632 = arith.constant 0 : i32
      %dma_start3A_1633 = tpu.memref_slice %arg10[%dma_start3A_1630, %dma_start3A_1631, %dma_start3A_1632] : memref<7x128x128xf32, #tpu.memory_space<vmem>> -> memref<1x128x128xf32, #tpu.memory_space<vmem>>
      %dma_start3A_1634 = tpu.memref_squeeze %dma_start3A_1633 : memref<1x128x128xf32, #tpu.memory_space<vmem>> -> memref<128x128xf32, #tpu.memory_space<vmem>>
      %dma_start3A_1635 = arith.constant 0 : i32
      %dma_start3A_1636 = tpu.memref_slice %arg9[%add3A_1629, %dma_start3A_1635] : memref<48x128xi32, #tpu.memory_space<vmem>> -> memref<1x128xi32, #tpu.memory_space<vmem>>
      %dma_start3A_1637 = tpu.memref_squeeze %dma_start3A_1636 : memref<1x128xi32, #tpu.memory_space<vmem>> -> memref<128xi32, #tpu.memory_space<vmem>>
      %dma_start3A_1638 = arith.constant 0 : i32
      %dma_start3A_1639 = arith.constant 0 : i32
      %dma_start3A_1640 = tpu.memref_slice %arg5[%dma_start3A_1638, %dma_start3A_1639] : memref<100000x128xf32, #tpu.memory_space<hbm>> -> memref<100000x128xf32, #tpu.memory_space<hbm>>
      tpu.enqueue_indirect_dma source(%dma_start3A_1640 : memref<100000x128xf32, #tpu.memory_space<hbm>>) target(%dma_start3A_1634 : memref<128x128xf32, #tpu.memory_space<vmem>>) offsets(%dma_start3A_1637 : memref<128xi32, #tpu.memory_space<vmem>>) semaphore(%arg16 : memref<!tpu.dma_semaphore, #tpu.memory_space<semaphore_mem>>)
      %add3A_1641 = arith.constant 1 : i32
      %add3A_1642 = arith.addi %add3A_1499, %add3A_1641 : i32
      %dma_wait3A_1643 = arith.constant 2 : i32
      %dma_wait3A_1644 = arith.constant 0 : i32
      %dma_wait3A_1645 = arith.constant 0 : i32
      %dma_wait3A_1646 = tpu.memref_slice %arg10[%dma_wait3A_1643, %dma_wait3A_1644, %dma_wait3A_1645] : memref<7x128x128xf32, #tpu.memory_space<vmem>> -> memref<1x128x128xf32, #tpu.memory_space<vmem>>
      %dma_wait3A_1647 = tpu.memref_squeeze %dma_wait3A_1646 : memref<1x128x128xf32, #tpu.memory_space<vmem>> -> memref<128x128xf32, #tpu.memory_space<vmem>>
      %dma_wait3A_1648 = arith.constant 0 : i32
      %dma_wait3A_1649 = tpu.memref_slice %arg9[%add3A_1642, %dma_wait3A_1648] : memref<48x128xi32, #tpu.memory_space<vmem>> -> memref<1x128xi32, #tpu.memory_space<vmem>>
      %dma_wait3A_1650 = tpu.memref_squeeze %dma_wait3A_1649 : memref<1x128xi32, #tpu.memory_space<vmem>> -> memref<128xi32, #tpu.memory_space<vmem>>
      %dma_wait3A_1651 = arith.constant 0 : i32
      %dma_wait3A_1652 = arith.constant 0 : i32
      %dma_wait3A_1653 = tpu.memref_slice %arg5[%dma_wait3A_1651, %dma_wait3A_1652] : memref<100000x128xf32, #tpu.memory_space<hbm>> -> memref<100000x128xf32, #tpu.memory_space<hbm>>
      tpu.wait_indirect_dma semaphore(%arg13 : memref<!tpu.dma_semaphore, #tpu.memory_space<semaphore_mem>>) src(%dma_wait3A_1653 : memref<100000x128xf32, #tpu.memory_space<hbm>>) dst(%dma_wait3A_1647 : memref<128x128xf32, #tpu.memory_space<vmem>>)
      %sub3A_1654 = arith.constant 8 : i32
      %sub3A_1655 = arith.subi %add3A_1642, %sub3A_1654 : i32
      %mul3A_1656 = arith.constant 128 : i32
      %mul3A_1657 = arith.muli %sub3A_1655, %mul3A_1656 : i32
      %add3A_1658 = arith.addi %mul3A_68, %mul3A_1657 : i32
      %jit3A_1659 = arith.constant 16384 : i32
      %div3A_1660 = arith.divsi %add3A_1658, %jit3A_1659 : i32
      %sign3A_1661 = arith.constant 0 : i32
      %sign3A_1662 = arith.cmpi sgt, %add3A_1658, %sign3A_1661 : i32
      %sign3A_1663 = arith.extui %sign3A_1662 : i1 to i32
      %sign3A_1664 = arith.constant 0 : i32
      %sign3A_1665 = arith.cmpi slt, %add3A_1658, %sign3A_1664 : i32
      %sign3A_1666 = arith.extui %sign3A_1665 : i1 to i32
      %sign3A_1667 = arith.subi %sign3A_1663, %sign3A_1666 : i32
      %sign3A_1668 = arith.constant 0 : i32
      %sign3A_1669 = arith.cmpi sgt, %jit3A_1659, %sign3A_1668 : i32
      %sign3A_1670 = arith.extui %sign3A_1669 : i1 to i32
      %sign3A_1671 = arith.constant 0 : i32
      %sign3A_1672 = arith.cmpi slt, %jit3A_1659, %sign3A_1671 : i32
      %sign3A_1673 = arith.extui %sign3A_1672 : i1 to i32
      %sign3A_1674 = arith.subi %sign3A_1670, %sign3A_1673 : i32
      %ne3A_1675 = arith.cmpi ne, %sign3A_1667, %sign3A_1674 : i32
      %rem3A_1676 = arith.remsi %add3A_1658, %jit3A_1659 : i32
      %ne3A_1677 = arith.constant 0 : i32
      %ne3A_1678 = arith.cmpi ne, %rem3A_1676, %ne3A_1677 : i32
      %and3A_1679 = arith.andi %ne3A_1675, %ne3A_1678 : i1
      %sub3A_1680 = arith.constant 1 : i32
      %sub3A_1681 = arith.subi %div3A_1660, %sub3A_1680 : i32
      %select_n3A_1682 = arith.select %and3A_1679, %sub3A_1681, %div3A_1660 : i32
      %jit3A_1683 = arith.constant 16384 : i32
      %eq3A_1684 = arith.constant 0 : i32
      %eq3A_1685 = arith.cmpi eq, %jit3A_1683, %eq3A_1684 : i32
      %jit3A_1686 = arith.constant 1 : i32
      %select_n3A_1687 = arith.select %eq3A_1685, %jit3A_1686, %jit3A_1683 : i32
      %rem3A_1688 = arith.remsi %add3A_1658, %select_n3A_1687 : i32
      %ne3A_1689 = arith.constant 0 : i32
      %ne3A_1690 = arith.cmpi ne, %rem3A_1688, %ne3A_1689 : i32
      %lt3A_1691 = arith.constant 0 : i32
      %lt3A_1692 = arith.cmpi slt, %rem3A_1688, %lt3A_1691 : i32
      %lt3A_1693 = arith.constant 0 : i32
      %lt3A_1694 = arith.cmpi slt, %select_n3A_1687, %lt3A_1693 : i32
      %ne3A_1695 = arith.xori %lt3A_1692, %lt3A_1694 : i1
      %and3A_1696 = arith.andi %ne3A_1695, %ne3A_1690 : i1
      %add3A_1697 = arith.addi %rem3A_1688, %select_n3A_1687 : i32
      %select_n3A_1698 = arith.select %and3A_1696, %add3A_1697, %rem3A_1688 : i32
      %dma_start3A_1699 = arith.constant 2 : i32
      %dma_start3A_1700 = arith.constant 0 : i32
      %dma_start3A_1701 = arith.constant 0 : i32
      %dma_start3A_1702 = tpu.memref_slice %arg10[%dma_start3A_1699, %dma_start3A_1700, %dma_start3A_1701] : memref<7x128x128xf32, #tpu.memory_space<vmem>> -> memref<1x128x128xf32, #tpu.memory_space<vmem>>
      %dma_start3A_1703 = tpu.memref_squeeze %dma_start3A_1702 : memref<1x128x128xf32, #tpu.memory_space<vmem>> -> memref<128x128xf32, #tpu.memory_space<vmem>>
      %dma_start3A_1704 = arith.constant 0 : i32
      %dma_start3A_1705 = tpu.memref_slice %arg8[%select_n3A_1682, %select_n3A_1698, %dma_start3A_1704] : memref<10x16384x128xf32, #tpu.memory_space<hbm>> -> memref<1x128x128xf32, #tpu.memory_space<hbm>>
      %dma_start3A_1706 = tpu.memref_squeeze %dma_start3A_1705 : memref<1x128x128xf32, #tpu.memory_space<hbm>> -> memref<128x128xf32, #tpu.memory_space<hbm>>
      %dma_start3A_1707 = arith.constant 0 : i32
      %dma_start3A_1708 = tpu.memref_slice %arg8[%select_n3A_1682, %select_n3A_1698, %dma_start3A_1707] : memref<10x16384x128xf32, #tpu.memory_space<hbm>> -> memref<1x128x128xf32, #tpu.memory_space<hbm>>
      %dma_start3A_1709 = tpu.memref_squeeze %dma_start3A_1708 : memref<1x128x128xf32, #tpu.memory_space<hbm>> -> memref<128x128xf32, #tpu.memory_space<hbm>>
      %dma_start3A_1710 = arith.constant 0 : i32
      %dma_start3A_1711 = arith.constant 0 : i32
      %dma_start3A_1712 = tpu.memref_slice %arg10[%dma_start3A_1699, %dma_start3A_1710, %dma_start3A_1711] : memref<7x128x128xf32, #tpu.memory_space<vmem>> -> memref<1x128x128xf32, #tpu.memory_space<vmem>>
      %dma_start3A_1713 = tpu.memref_squeeze %dma_start3A_1712 : memref<1x128x128xf32, #tpu.memory_space<vmem>> -> memref<128x128xf32, #tpu.memory_space<vmem>>
      tpu.enqueue_dma source(%dma_start3A_1713 : memref<128x128xf32, #tpu.memory_space<vmem>>) target(%dma_start3A_1709 : memref<128x128xf32, #tpu.memory_space<hbm>>) target_semaphore(%arg20 : memref<!tpu.dma_semaphore, #tpu.memory_space<semaphore_mem>>)
      %jit3A_1714 = arith.constant 16384 : i32
      %div3A_1715 = arith.divsi %mul3A_68, %jit3A_1714 : i32
      %sign3A_1716 = arith.constant 0 : i32
      %sign3A_1717 = arith.cmpi sgt, %mul3A_68, %sign3A_1716 : i32
      %sign3A_1718 = arith.extui %sign3A_1717 : i1 to i32
      %sign3A_1719 = arith.constant 0 : i32
      %sign3A_1720 = arith.cmpi slt, %mul3A_68, %sign3A_1719 : i32
      %sign3A_1721 = arith.extui %sign3A_1720 : i1 to i32
      %sign3A_1722 = arith.subi %sign3A_1718, %sign3A_1721 : i32
      %sign3A_1723 = arith.constant 0 : i32
      %sign3A_1724 = arith.cmpi sgt, %jit3A_1714, %sign3A_1723 : i32
      %sign3A_1725 = arith.extui %sign3A_1724 : i1 to i32
      %sign3A_1726 = arith.constant 0 : i32
      %sign3A_1727 = arith.cmpi slt, %jit3A_1714, %sign3A_1726 : i32
      %sign3A_1728 = arith.extui %sign3A_1727 : i1 to i32
      %sign3A_1729 = arith.subi %sign3A_1725, %sign3A_1728 : i32
      %ne3A_1730 = arith.cmpi ne, %sign3A_1722, %sign3A_1729 : i32
      %rem3A_1731 = arith.remsi %mul3A_68, %jit3A_1714 : i32
      %ne3A_1732 = arith.constant 0 : i32
      %ne3A_1733 = arith.cmpi ne, %rem3A_1731, %ne3A_1732 : i32
      %and3A_1734 = arith.andi %ne3A_1730, %ne3A_1733 : i1
      %sub3A_1735 = arith.constant 1 : i32
      %sub3A_1736 = arith.subi %div3A_1715, %sub3A_1735 : i32
      %select_n3A_1737 = arith.select %and3A_1734, %sub3A_1736, %div3A_1715 : i32
      %jit3A_1738 = arith.constant 16384 : i32
      %eq3A_1739 = arith.constant 0 : i32
      %eq3A_1740 = arith.cmpi eq, %jit3A_1738, %eq3A_1739 : i32
      %jit3A_1741 = arith.constant 1 : i32
      %select_n3A_1742 = arith.select %eq3A_1740, %jit3A_1741, %jit3A_1738 : i32
      %rem3A_1743 = arith.remsi %mul3A_68, %select_n3A_1742 : i32
      %ne3A_1744 = arith.constant 0 : i32
      %ne3A_1745 = arith.cmpi ne, %rem3A_1743, %ne3A_1744 : i32
      %lt3A_1746 = arith.constant 0 : i32
      %lt3A_1747 = arith.cmpi slt, %rem3A_1743, %lt3A_1746 : i32
      %lt3A_1748 = arith.constant 0 : i32
      %lt3A_1749 = arith.cmpi slt, %select_n3A_1742, %lt3A_1748 : i32
      %ne3A_1750 = arith.xori %lt3A_1747, %lt3A_1749 : i1
      %and3A_1751 = arith.andi %ne3A_1750, %ne3A_1745 : i1
      %add3A_1752 = arith.addi %rem3A_1743, %select_n3A_1742 : i32
      %select_n3A_1753 = arith.select %and3A_1751, %add3A_1752, %rem3A_1743 : i32
      %dma_wait3A_1754 = arith.constant 6 : i32
      %dma_wait3A_1755 = arith.constant 0 : i32
      %dma_wait3A_1756 = arith.constant 0 : i32
      %dma_wait3A_1757 = tpu.memref_slice %arg10[%dma_wait3A_1754, %dma_wait3A_1755, %dma_wait3A_1756] : memref<7x128x128xf32, #tpu.memory_space<vmem>> -> memref<1x128x128xf32, #tpu.memory_space<vmem>>
      %dma_wait3A_1758 = tpu.memref_squeeze %dma_wait3A_1757 : memref<1x128x128xf32, #tpu.memory_space<vmem>> -> memref<128x128xf32, #tpu.memory_space<vmem>>
      %dma_wait3A_1759 = arith.constant 0 : i32
      %dma_wait3A_1760 = tpu.memref_slice %arg8[%select_n3A_1737, %select_n3A_1753, %dma_wait3A_1759] : memref<10x16384x128xf32, #tpu.memory_space<hbm>> -> memref<1x128x128xf32, #tpu.memory_space<hbm>>
      %dma_wait3A_1761 = tpu.memref_squeeze %dma_wait3A_1760 : memref<1x128x128xf32, #tpu.memory_space<hbm>> -> memref<128x128xf32, #tpu.memory_space<hbm>>
      %dma_wait3A_1762 = arith.constant 0 : i32
      %dma_wait3A_1763 = tpu.memref_slice %arg8[%select_n3A_1737, %select_n3A_1753, %dma_wait3A_1762] : memref<10x16384x128xf32, #tpu.memory_space<hbm>> -> memref<1x128x128xf32, #tpu.memory_space<hbm>>
      %dma_wait3A_1764 = tpu.memref_squeeze %dma_wait3A_1763 : memref<1x128x128xf32, #tpu.memory_space<hbm>> -> memref<128x128xf32, #tpu.memory_space<hbm>>
      %dma_wait3A_1765 = arith.constant 0 : i32
      %dma_wait3A_1766 = arith.constant 0 : i32
      %dma_wait3A_1767 = tpu.memref_slice %arg10[%dma_wait3A_1754, %dma_wait3A_1765, %dma_wait3A_1766] : memref<7x128x128xf32, #tpu.memory_space<vmem>> -> memref<1x128x128xf32, #tpu.memory_space<vmem>>
      %dma_wait3A_1768 = tpu.memref_squeeze %dma_wait3A_1767 : memref<1x128x128xf32, #tpu.memory_space<vmem>> -> memref<128x128xf32, #tpu.memory_space<vmem>>
      tpu.wait_dma2 semaphore(%arg24 : memref<!tpu.dma_semaphore, #tpu.memory_space<semaphore_mem>>) src(%dma_wait3A_1768 : memref<128x128xf32, #tpu.memory_space<vmem>>) dst(%dma_wait3A_1764 : memref<128x128xf32, #tpu.memory_space<hbm>>)
      %add3A_1769 = arith.constant 4 : i32
      %add3A_1770 = arith.addi %add3A_1642, %add3A_1769 : i32
      %dma_start3A_1771 = arith.constant 6 : i32
      %dma_start3A_1772 = arith.constant 0 : i32
      %dma_start3A_1773 = arith.constant 0 : i32
      %dma_start3A_1774 = tpu.memref_slice %arg10[%dma_start3A_1771, %dma_start3A_1772, %dma_start3A_1773] : memref<7x128x128xf32, #tpu.memory_space<vmem>> -> memref<1x128x128xf32, #tpu.memory_space<vmem>>
      %dma_start3A_1775 = tpu.memref_squeeze %dma_start3A_1774 : memref<1x128x128xf32, #tpu.memory_space<vmem>> -> memref<128x128xf32, #tpu.memory_space<vmem>>
      %dma_start3A_1776 = arith.constant 0 : i32
      %dma_start3A_1777 = tpu.memref_slice %arg9[%add3A_1770, %dma_start3A_1776] : memref<48x128xi32, #tpu.memory_space<vmem>> -> memref<1x128xi32, #tpu.memory_space<vmem>>
      %dma_start3A_1778 = tpu.memref_squeeze %dma_start3A_1777 : memref<1x128xi32, #tpu.memory_space<vmem>> -> memref<128xi32, #tpu.memory_space<vmem>>
      %dma_start3A_1779 = arith.constant 0 : i32
      %dma_start3A_1780 = arith.constant 0 : i32
      %dma_start3A_1781 = tpu.memref_slice %arg5[%dma_start3A_1779, %dma_start3A_1780] : memref<100000x128xf32, #tpu.memory_space<hbm>> -> memref<100000x128xf32, #tpu.memory_space<hbm>>
      tpu.enqueue_indirect_dma source(%dma_start3A_1781 : memref<100000x128xf32, #tpu.memory_space<hbm>>) target(%dma_start3A_1775 : memref<128x128xf32, #tpu.memory_space<vmem>>) offsets(%dma_start3A_1778 : memref<128xi32, #tpu.memory_space<vmem>>) semaphore(%arg17 : memref<!tpu.dma_semaphore, #tpu.memory_space<semaphore_mem>>)
      %add3A_1782 = arith.constant 2 : i32
      %add3A_1783 = arith.addi %add3A_1499, %add3A_1782 : i32
      %dma_wait3A_1784 = arith.constant 3 : i32
      %dma_wait3A_1785 = arith.constant 0 : i32
      %dma_wait3A_1786 = arith.constant 0 : i32
      %dma_wait3A_1787 = tpu.memref_slice %arg10[%dma_wait3A_1784, %dma_wait3A_1785, %dma_wait3A_1786] : memref<7x128x128xf32, #tpu.memory_space<vmem>> -> memref<1x128x128xf32, #tpu.memory_space<vmem>>
      %dma_wait3A_1788 = tpu.memref_squeeze %dma_wait3A_1787 : memref<1x128x128xf32, #tpu.memory_space<vmem>> -> memref<128x128xf32, #tpu.memory_space<vmem>>
      %dma_wait3A_1789 = arith.constant 0 : i32
      %dma_wait3A_1790 = tpu.memref_slice %arg9[%add3A_1783, %dma_wait3A_1789] : memref<48x128xi32, #tpu.memory_space<vmem>> -> memref<1x128xi32, #tpu.memory_space<vmem>>
      %dma_wait3A_1791 = tpu.memref_squeeze %dma_wait3A_1790 : memref<1x128xi32, #tpu.memory_space<vmem>> -> memref<128xi32, #tpu.memory_space<vmem>>
      %dma_wait3A_1792 = arith.constant 0 : i32
      %dma_wait3A_1793 = arith.constant 0 : i32
      %dma_wait3A_1794 = tpu.memref_slice %arg5[%dma_wait3A_1792, %dma_wait3A_1793] : memref<100000x128xf32, #tpu.memory_space<hbm>> -> memref<100000x128xf32, #tpu.memory_space<hbm>>
      tpu.wait_indirect_dma semaphore(%arg14 : memref<!tpu.dma_semaphore, #tpu.memory_space<semaphore_mem>>) src(%dma_wait3A_1794 : memref<100000x128xf32, #tpu.memory_space<hbm>>) dst(%dma_wait3A_1788 : memref<128x128xf32, #tpu.memory_space<vmem>>)
      %sub3A_1795 = arith.constant 8 : i32
      %sub3A_1796 = arith.subi %add3A_1783, %sub3A_1795 : i32
      %mul3A_1797 = arith.constant 128 : i32
      %mul3A_1798 = arith.muli %sub3A_1796, %mul3A_1797 : i32
      %add3A_1799 = arith.addi %mul3A_68, %mul3A_1798 : i32
      %jit3A_1800 = arith.constant 16384 : i32
      %div3A_1801 = arith.divsi %add3A_1799, %jit3A_1800 : i32
      %sign3A_1802 = arith.constant 0 : i32
      %sign3A_1803 = arith.cmpi sgt, %add3A_1799, %sign3A_1802 : i32
      %sign3A_1804 = arith.extui %sign3A_1803 : i1 to i32
      %sign3A_1805 = arith.constant 0 : i32
      %sign3A_1806 = arith.cmpi slt, %add3A_1799, %sign3A_1805 : i32
      %sign3A_1807 = arith.extui %sign3A_1806 : i1 to i32
      %sign3A_1808 = arith.subi %sign3A_1804, %sign3A_1807 : i32
      %sign3A_1809 = arith.constant 0 : i32
      %sign3A_1810 = arith.cmpi sgt, %jit3A_1800, %sign3A_1809 : i32
      %sign3A_1811 = arith.extui %sign3A_1810 : i1 to i32
      %sign3A_1812 = arith.constant 0 : i32
      %sign3A_1813 = arith.cmpi slt, %jit3A_1800, %sign3A_1812 : i32
      %sign3A_1814 = arith.extui %sign3A_1813 : i1 to i32
      %sign3A_1815 = arith.subi %sign3A_1811, %sign3A_1814 : i32
      %ne3A_1816 = arith.cmpi ne, %sign3A_1808, %sign3A_1815 : i32
      %rem3A_1817 = arith.remsi %add3A_1799, %jit3A_1800 : i32
      %ne3A_1818 = arith.constant 0 : i32
      %ne3A_1819 = arith.cmpi ne, %rem3A_1817, %ne3A_1818 : i32
      %and3A_1820 = arith.andi %ne3A_1816, %ne3A_1819 : i1
      %sub3A_1821 = arith.constant 1 : i32
      %sub3A_1822 = arith.subi %div3A_1801, %sub3A_1821 : i32
      %select_n3A_1823 = arith.select %and3A_1820, %sub3A_1822, %div3A_1801 : i32
      %jit3A_1824 = arith.constant 16384 : i32
      %eq3A_1825 = arith.constant 0 : i32
      %eq3A_1826 = arith.cmpi eq, %jit3A_1824, %eq3A_1825 : i32
      %jit3A_1827 = arith.constant 1 : i32
      %select_n3A_1828 = arith.select %eq3A_1826, %jit3A_1827, %jit3A_1824 : i32
      %rem3A_1829 = arith.remsi %add3A_1799, %select_n3A_1828 : i32
      %ne3A_1830 = arith.constant 0 : i32
      %ne3A_1831 = arith.cmpi ne, %rem3A_1829, %ne3A_1830 : i32
      %lt3A_1832 = arith.constant 0 : i32
      %lt3A_1833 = arith.cmpi slt, %rem3A_1829, %lt3A_1832 : i32
      %lt3A_1834 = arith.constant 0 : i32
      %lt3A_1835 = arith.cmpi slt, %select_n3A_1828, %lt3A_1834 : i32
      %ne3A_1836 = arith.xori %lt3A_1833, %lt3A_1835 : i1
      %and3A_1837 = arith.andi %ne3A_1836, %ne3A_1831 : i1
      %add3A_1838 = arith.addi %rem3A_1829, %select_n3A_1828 : i32
      %select_n3A_1839 = arith.select %and3A_1837, %add3A_1838, %rem3A_1829 : i32
      %dma_start3A_1840 = arith.constant 3 : i32
      %dma_start3A_1841 = arith.constant 0 : i32
      %dma_start3A_1842 = arith.constant 0 : i32
      %dma_start3A_1843 = tpu.memref_slice %arg10[%dma_start3A_1840, %dma_start3A_1841, %dma_start3A_1842] : memref<7x128x128xf32, #tpu.memory_space<vmem>> -> memref<1x128x128xf32, #tpu.memory_space<vmem>>
      %dma_start3A_1844 = tpu.memref_squeeze %dma_start3A_1843 : memref<1x128x128xf32, #tpu.memory_space<vmem>> -> memref<128x128xf32, #tpu.memory_space<vmem>>
      %dma_start3A_1845 = arith.constant 0 : i32
      %dma_start3A_1846 = tpu.memref_slice %arg8[%select_n3A_1823, %select_n3A_1839, %dma_start3A_1845] : memref<10x16384x128xf32, #tpu.memory_space<hbm>> -> memref<1x128x128xf32, #tpu.memory_space<hbm>>
      %dma_start3A_1847 = tpu.memref_squeeze %dma_start3A_1846 : memref<1x128x128xf32, #tpu.memory_space<hbm>> -> memref<128x128xf32, #tpu.memory_space<hbm>>
      %dma_start3A_1848 = arith.constant 0 : i32
      %dma_start3A_1849 = tpu.memref_slice %arg8[%select_n3A_1823, %select_n3A_1839, %dma_start3A_1848] : memref<10x16384x128xf32, #tpu.memory_space<hbm>> -> memref<1x128x128xf32, #tpu.memory_space<hbm>>
      %dma_start3A_1850 = tpu.memref_squeeze %dma_start3A_1849 : memref<1x128x128xf32, #tpu.memory_space<hbm>> -> memref<128x128xf32, #tpu.memory_space<hbm>>
      %dma_start3A_1851 = arith.constant 0 : i32
      %dma_start3A_1852 = arith.constant 0 : i32
      %dma_start3A_1853 = tpu.memref_slice %arg10[%dma_start3A_1840, %dma_start3A_1851, %dma_start3A_1852] : memref<7x128x128xf32, #tpu.memory_space<vmem>> -> memref<1x128x128xf32, #tpu.memory_space<vmem>>
      %dma_start3A_1854 = tpu.memref_squeeze %dma_start3A_1853 : memref<1x128x128xf32, #tpu.memory_space<vmem>> -> memref<128x128xf32, #tpu.memory_space<vmem>>
      tpu.enqueue_dma source(%dma_start3A_1854 : memref<128x128xf32, #tpu.memory_space<vmem>>) target(%dma_start3A_1850 : memref<128x128xf32, #tpu.memory_space<hbm>>) target_semaphore(%arg21 : memref<!tpu.dma_semaphore, #tpu.memory_space<semaphore_mem>>)
      %jit3A_1855 = arith.constant 16384 : i32
      %div3A_1856 = arith.divsi %mul3A_68, %jit3A_1855 : i32
      %sign3A_1857 = arith.constant 0 : i32
      %sign3A_1858 = arith.cmpi sgt, %mul3A_68, %sign3A_1857 : i32
      %sign3A_1859 = arith.extui %sign3A_1858 : i1 to i32
      %sign3A_1860 = arith.constant 0 : i32
      %sign3A_1861 = arith.cmpi slt, %mul3A_68, %sign3A_1860 : i32
      %sign3A_1862 = arith.extui %sign3A_1861 : i1 to i32
      %sign3A_1863 = arith.subi %sign3A_1859, %sign3A_1862 : i32
      %sign3A_1864 = arith.constant 0 : i32
      %sign3A_1865 = arith.cmpi sgt, %jit3A_1855, %sign3A_1864 : i32
      %sign3A_1866 = arith.extui %sign3A_1865 : i1 to i32
      %sign3A_1867 = arith.constant 0 : i32
      %sign3A_1868 = arith.cmpi slt, %jit3A_1855, %sign3A_1867 : i32
      %sign3A_1869 = arith.extui %sign3A_1868 : i1 to i32
      %sign3A_1870 = arith.subi %sign3A_1866, %sign3A_1869 : i32
      %ne3A_1871 = arith.cmpi ne, %sign3A_1863, %sign3A_1870 : i32
      %rem3A_1872 = arith.remsi %mul3A_68, %jit3A_1855 : i32
      %ne3A_1873 = arith.constant 0 : i32
      %ne3A_1874 = arith.cmpi ne, %rem3A_1872, %ne3A_1873 : i32
      %and3A_1875 = arith.andi %ne3A_1871, %ne3A_1874 : i1
      %sub3A_1876 = arith.constant 1 : i32
      %sub3A_1877 = arith.subi %div3A_1856, %sub3A_1876 : i32
      %select_n3A_1878 = arith.select %and3A_1875, %sub3A_1877, %div3A_1856 : i32
      %jit3A_1879 = arith.constant 16384 : i32
      %eq3A_1880 = arith.constant 0 : i32
      %eq3A_1881 = arith.cmpi eq, %jit3A_1879, %eq3A_1880 : i32
      %jit3A_1882 = arith.constant 1 : i32
      %select_n3A_1883 = arith.select %eq3A_1881, %jit3A_1882, %jit3A_1879 : i32
      %rem3A_1884 = arith.remsi %mul3A_68, %select_n3A_1883 : i32
      %ne3A_1885 = arith.constant 0 : i32
      %ne3A_1886 = arith.cmpi ne, %rem3A_1884, %ne3A_1885 : i32
      %lt3A_1887 = arith.constant 0 : i32
      %lt3A_1888 = arith.cmpi slt, %rem3A_1884, %lt3A_1887 : i32
      %lt3A_1889 = arith.constant 0 : i32
      %lt3A_1890 = arith.cmpi slt, %select_n3A_1883, %lt3A_1889 : i32
      %ne3A_1891 = arith.xori %lt3A_1888, %lt3A_1890 : i1
      %and3A_1892 = arith.andi %ne3A_1891, %ne3A_1886 : i1
      %add3A_1893 = arith.addi %rem3A_1884, %select_n3A_1883 : i32
      %select_n3A_1894 = arith.select %and3A_1892, %add3A_1893, %rem3A_1884 : i32
      %dma_wait3A_1895 = arith.constant 0 : i32
      %dma_wait3A_1896 = arith.constant 0 : i32
      %dma_wait3A_1897 = arith.constant 0 : i32
      %dma_wait3A_1898 = tpu.memref_slice %arg10[%dma_wait3A_1895, %dma_wait3A_1896, %dma_wait3A_1897] : memref<7x128x128xf32, #tpu.memory_space<vmem>> -> memref<1x128x128xf32, #tpu.memory_space<vmem>>
      %dma_wait3A_1899 = tpu.memref_squeeze %dma_wait3A_1898 : memref<1x128x128xf32, #tpu.memory_space<vmem>> -> memref<128x128xf32, #tpu.memory_space<vmem>>
      %dma_wait3A_1900 = arith.constant 0 : i32
      %dma_wait3A_1901 = tpu.memref_slice %arg8[%select_n3A_1878, %select_n3A_1894, %dma_wait3A_1900] : memref<10x16384x128xf32, #tpu.memory_space<hbm>> -> memref<1x128x128xf32, #tpu.memory_space<hbm>>
      %dma_wait3A_1902 = tpu.memref_squeeze %dma_wait3A_1901 : memref<1x128x128xf32, #tpu.memory_space<hbm>> -> memref<128x128xf32, #tpu.memory_space<hbm>>
      %dma_wait3A_1903 = arith.constant 0 : i32
      %dma_wait3A_1904 = tpu.memref_slice %arg8[%select_n3A_1878, %select_n3A_1894, %dma_wait3A_1903] : memref<10x16384x128xf32, #tpu.memory_space<hbm>> -> memref<1x128x128xf32, #tpu.memory_space<hbm>>
      %dma_wait3A_1905 = tpu.memref_squeeze %dma_wait3A_1904 : memref<1x128x128xf32, #tpu.memory_space<hbm>> -> memref<128x128xf32, #tpu.memory_space<hbm>>
      %dma_wait3A_1906 = arith.constant 0 : i32
      %dma_wait3A_1907 = arith.constant 0 : i32
      %dma_wait3A_1908 = tpu.memref_slice %arg10[%dma_wait3A_1895, %dma_wait3A_1906, %dma_wait3A_1907] : memref<7x128x128xf32, #tpu.memory_space<vmem>> -> memref<1x128x128xf32, #tpu.memory_space<vmem>>
      %dma_wait3A_1909 = tpu.memref_squeeze %dma_wait3A_1908 : memref<1x128x128xf32, #tpu.memory_space<vmem>> -> memref<128x128xf32, #tpu.memory_space<vmem>>
      tpu.wait_dma2 semaphore(%arg18 : memref<!tpu.dma_semaphore, #tpu.memory_space<semaphore_mem>>) src(%dma_wait3A_1909 : memref<128x128xf32, #tpu.memory_space<vmem>>) dst(%dma_wait3A_1905 : memref<128x128xf32, #tpu.memory_space<hbm>>)
      %add3A_1910 = arith.constant 4 : i32
      %add3A_1911 = arith.addi %add3A_1783, %add3A_1910 : i32
      %dma_start3A_1912 = arith.constant 0 : i32
      %dma_start3A_1913 = arith.constant 0 : i32
      %dma_start3A_1914 = arith.constant 0 : i32
      %dma_start3A_1915 = tpu.memref_slice %arg10[%dma_start3A_1912, %dma_start3A_1913, %dma_start3A_1914] : memref<7x128x128xf32, #tpu.memory_space<vmem>> -> memref<1x128x128xf32, #tpu.memory_space<vmem>>
      %dma_start3A_1916 = tpu.memref_squeeze %dma_start3A_1915 : memref<1x128x128xf32, #tpu.memory_space<vmem>> -> memref<128x128xf32, #tpu.memory_space<vmem>>
      %dma_start3A_1917 = arith.constant 0 : i32
      %dma_start3A_1918 = tpu.memref_slice %arg9[%add3A_1911, %dma_start3A_1917] : memref<48x128xi32, #tpu.memory_space<vmem>> -> memref<1x128xi32, #tpu.memory_space<vmem>>
      %dma_start3A_1919 = tpu.memref_squeeze %dma_start3A_1918 : memref<1x128xi32, #tpu.memory_space<vmem>> -> memref<128xi32, #tpu.memory_space<vmem>>
      %dma_start3A_1920 = arith.constant 0 : i32
      %dma_start3A_1921 = arith.constant 0 : i32
      %dma_start3A_1922 = tpu.memref_slice %arg5[%dma_start3A_1920, %dma_start3A_1921] : memref<100000x128xf32, #tpu.memory_space<hbm>> -> memref<100000x128xf32, #tpu.memory_space<hbm>>
      tpu.enqueue_indirect_dma source(%dma_start3A_1922 : memref<100000x128xf32, #tpu.memory_space<hbm>>) target(%dma_start3A_1916 : memref<128x128xf32, #tpu.memory_space<vmem>>) offsets(%dma_start3A_1919 : memref<128xi32, #tpu.memory_space<vmem>>) semaphore(%arg11 : memref<!tpu.dma_semaphore, #tpu.memory_space<semaphore_mem>>)
      %add3A_1923 = arith.constant 3 : i32
      %add3A_1924 = arith.addi %add3A_1499, %add3A_1923 : i32
      %dma_wait3A_1925 = arith.constant 4 : i32
      %dma_wait3A_1926 = arith.constant 0 : i32
      %dma_wait3A_1927 = arith.constant 0 : i32
      %dma_wait3A_1928 = tpu.memref_slice %arg10[%dma_wait3A_1925, %dma_wait3A_1926, %dma_wait3A_1927] : memref<7x128x128xf32, #tpu.memory_space<vmem>> -> memref<1x128x128xf32, #tpu.memory_space<vmem>>
      %dma_wait3A_1929 = tpu.memref_squeeze %dma_wait3A_1928 : memref<1x128x128xf32, #tpu.memory_space<vmem>> -> memref<128x128xf32, #tpu.memory_space<vmem>>
      %dma_wait3A_1930 = arith.constant 0 : i32
      %dma_wait3A_1931 = tpu.memref_slice %arg9[%add3A_1924, %dma_wait3A_1930] : memref<48x128xi32, #tpu.memory_space<vmem>> -> memref<1x128xi32, #tpu.memory_space<vmem>>
      %dma_wait3A_1932 = tpu.memref_squeeze %dma_wait3A_1931 : memref<1x128xi32, #tpu.memory_space<vmem>> -> memref<128xi32, #tpu.memory_space<vmem>>
      %dma_wait3A_1933 = arith.constant 0 : i32
      %dma_wait3A_1934 = arith.constant 0 : i32
      %dma_wait3A_1935 = tpu.memref_slice %arg5[%dma_wait3A_1933, %dma_wait3A_1934] : memref<100000x128xf32, #tpu.memory_space<hbm>> -> memref<100000x128xf32, #tpu.memory_space<hbm>>
      tpu.wait_indirect_dma semaphore(%arg15 : memref<!tpu.dma_semaphore, #tpu.memory_space<semaphore_mem>>) src(%dma_wait3A_1935 : memref<100000x128xf32, #tpu.memory_space<hbm>>) dst(%dma_wait3A_1929 : memref<128x128xf32, #tpu.memory_space<vmem>>)
      %sub3A_1936 = arith.constant 8 : i32
      %sub3A_1937 = arith.subi %add3A_1924, %sub3A_1936 : i32
      %mul3A_1938 = arith.constant 128 : i32
      %mul3A_1939 = arith.muli %sub3A_1937, %mul3A_1938 : i32
      %add3A_1940 = arith.addi %mul3A_68, %mul3A_1939 : i32
      %jit3A_1941 = arith.constant 16384 : i32
      %div3A_1942 = arith.divsi %add3A_1940, %jit3A_1941 : i32
      %sign3A_1943 = arith.constant 0 : i32
      %sign3A_1944 = arith.cmpi sgt, %add3A_1940, %sign3A_1943 : i32
      %sign3A_1945 = arith.extui %sign3A_1944 : i1 to i32
      %sign3A_1946 = arith.constant 0 : i32
      %sign3A_1947 = arith.cmpi slt, %add3A_1940, %sign3A_1946 : i32
      %sign3A_1948 = arith.extui %sign3A_1947 : i1 to i32
      %sign3A_1949 = arith.subi %sign3A_1945, %sign3A_1948 : i32
      %sign3A_1950 = arith.constant 0 : i32
      %sign3A_1951 = arith.cmpi sgt, %jit3A_1941, %sign3A_1950 : i32
      %sign3A_1952 = arith.extui %sign3A_1951 : i1 to i32
      %sign3A_1953 = arith.constant 0 : i32
      %sign3A_1954 = arith.cmpi slt, %jit3A_1941, %sign3A_1953 : i32
      %sign3A_1955 = arith.extui %sign3A_1954 : i1 to i32
      %sign3A_1956 = arith.subi %sign3A_1952, %sign3A_1955 : i32
      %ne3A_1957 = arith.cmpi ne, %sign3A_1949, %sign3A_1956 : i32
      %rem3A_1958 = arith.remsi %add3A_1940, %jit3A_1941 : i32
      %ne3A_1959 = arith.constant 0 : i32
      %ne3A_1960 = arith.cmpi ne, %rem3A_1958, %ne3A_1959 : i32
      %and3A_1961 = arith.andi %ne3A_1957, %ne3A_1960 : i1
      %sub3A_1962 = arith.constant 1 : i32
      %sub3A_1963 = arith.subi %div3A_1942, %sub3A_1962 : i32
      %select_n3A_1964 = arith.select %and3A_1961, %sub3A_1963, %div3A_1942 : i32
      %jit3A_1965 = arith.constant 16384 : i32
      %eq3A_1966 = arith.constant 0 : i32
      %eq3A_1967 = arith.cmpi eq, %jit3A_1965, %eq3A_1966 : i32
      %jit3A_1968 = arith.constant 1 : i32
      %select_n3A_1969 = arith.select %eq3A_1967, %jit3A_1968, %jit3A_1965 : i32
      %rem3A_1970 = arith.remsi %add3A_1940, %select_n3A_1969 : i32
      %ne3A_1971 = arith.constant 0 : i32
      %ne3A_1972 = arith.cmpi ne, %rem3A_1970, %ne3A_1971 : i32
      %lt3A_1973 = arith.constant 0 : i32
      %lt3A_1974 = arith.cmpi slt, %rem3A_1970, %lt3A_1973 : i32
      %lt3A_1975 = arith.constant 0 : i32
      %lt3A_1976 = arith.cmpi slt, %select_n3A_1969, %lt3A_1975 : i32
      %ne3A_1977 = arith.xori %lt3A_1974, %lt3A_1976 : i1
      %and3A_1978 = arith.andi %ne3A_1977, %ne3A_1972 : i1
      %add3A_1979 = arith.addi %rem3A_1970, %select_n3A_1969 : i32
      %select_n3A_1980 = arith.select %and3A_1978, %add3A_1979, %rem3A_1970 : i32
      %dma_start3A_1981 = arith.constant 4 : i32
      %dma_start3A_1982 = arith.constant 0 : i32
      %dma_start3A_1983 = arith.constant 0 : i32
      %dma_start3A_1984 = tpu.memref_slice %arg10[%dma_start3A_1981, %dma_start3A_1982, %dma_start3A_1983] : memref<7x128x128xf32, #tpu.memory_space<vmem>> -> memref<1x128x128xf32, #tpu.memory_space<vmem>>
      %dma_start3A_1985 = tpu.memref_squeeze %dma_start3A_1984 : memref<1x128x128xf32, #tpu.memory_space<vmem>> -> memref<128x128xf32, #tpu.memory_space<vmem>>
      %dma_start3A_1986 = arith.constant 0 : i32
      %dma_start3A_1987 = tpu.memref_slice %arg8[%select_n3A_1964, %select_n3A_1980, %dma_start3A_1986] : memref<10x16384x128xf32, #tpu.memory_space<hbm>> -> memref<1x128x128xf32, #tpu.memory_space<hbm>>
      %dma_start3A_1988 = tpu.memref_squeeze %dma_start3A_1987 : memref<1x128x128xf32, #tpu.memory_space<hbm>> -> memref<128x128xf32, #tpu.memory_space<hbm>>
      %dma_start3A_1989 = arith.constant 0 : i32
      %dma_start3A_1990 = tpu.memref_slice %arg8[%select_n3A_1964, %select_n3A_1980, %dma_start3A_1989] : memref<10x16384x128xf32, #tpu.memory_space<hbm>> -> memref<1x128x128xf32, #tpu.memory_space<hbm>>
      %dma_start3A_1991 = tpu.memref_squeeze %dma_start3A_1990 : memref<1x128x128xf32, #tpu.memory_space<hbm>> -> memref<128x128xf32, #tpu.memory_space<hbm>>
      %dma_start3A_1992 = arith.constant 0 : i32
      %dma_start3A_1993 = arith.constant 0 : i32
      %dma_start3A_1994 = tpu.memref_slice %arg10[%dma_start3A_1981, %dma_start3A_1992, %dma_start3A_1993] : memref<7x128x128xf32, #tpu.memory_space<vmem>> -> memref<1x128x128xf32, #tpu.memory_space<vmem>>
      %dma_start3A_1995 = tpu.memref_squeeze %dma_start3A_1994 : memref<1x128x128xf32, #tpu.memory_space<vmem>> -> memref<128x128xf32, #tpu.memory_space<vmem>>
      tpu.enqueue_dma source(%dma_start3A_1995 : memref<128x128xf32, #tpu.memory_space<vmem>>) target(%dma_start3A_1991 : memref<128x128xf32, #tpu.memory_space<hbm>>) target_semaphore(%arg22 : memref<!tpu.dma_semaphore, #tpu.memory_space<semaphore_mem>>)
      %jit3A_1996 = arith.constant 16384 : i32
      %div3A_1997 = arith.divsi %mul3A_68, %jit3A_1996 : i32
      %sign3A_1998 = arith.constant 0 : i32
      %sign3A_1999 = arith.cmpi sgt, %mul3A_68, %sign3A_1998 : i32
      %sign3A_2000 = arith.extui %sign3A_1999 : i1 to i32
      %sign3A_2001 = arith.constant 0 : i32
      %sign3A_2002 = arith.cmpi slt, %mul3A_68, %sign3A_2001 : i32
      %sign3A_2003 = arith.extui %sign3A_2002 : i1 to i32
      %sign3A_2004 = arith.subi %sign3A_2000, %sign3A_2003 : i32
      %sign3A_2005 = arith.constant 0 : i32
      %sign3A_2006 = arith.cmpi sgt, %jit3A_1996, %sign3A_2005 : i32
      %sign3A_2007 = arith.extui %sign3A_2006 : i1 to i32
      %sign3A_2008 = arith.constant 0 : i32
      %sign3A_2009 = arith.cmpi slt, %jit3A_1996, %sign3A_2008 : i32
      %sign3A_2010 = arith.extui %sign3A_2009 : i1 to i32
      %sign3A_2011 = arith.subi %sign3A_2007, %sign3A_2010 : i32
      %ne3A_2012 = arith.cmpi ne, %sign3A_2004, %sign3A_2011 : i32
      %rem3A_2013 = arith.remsi %mul3A_68, %jit3A_1996 : i32
      %ne3A_2014 = arith.constant 0 : i32
      %ne3A_2015 = arith.cmpi ne, %rem3A_2013, %ne3A_2014 : i32
      %and3A_2016 = arith.andi %ne3A_2012, %ne3A_2015 : i1
      %sub3A_2017 = arith.constant 1 : i32
      %sub3A_2018 = arith.subi %div3A_1997, %sub3A_2017 : i32
      %select_n3A_2019 = arith.select %and3A_2016, %sub3A_2018, %div3A_1997 : i32
      %jit3A_2020 = arith.constant 16384 : i32
      %eq3A_2021 = arith.constant 0 : i32
      %eq3A_2022 = arith.cmpi eq, %jit3A_2020, %eq3A_2021 : i32
      %jit3A_2023 = arith.constant 1 : i32
      %select_n3A_2024 = arith.select %eq3A_2022, %jit3A_2023, %jit3A_2020 : i32
      %rem3A_2025 = arith.remsi %mul3A_68, %select_n3A_2024 : i32
      %ne3A_2026 = arith.constant 0 : i32
      %ne3A_2027 = arith.cmpi ne, %rem3A_2025, %ne3A_2026 : i32
      %lt3A_2028 = arith.constant 0 : i32
      %lt3A_2029 = arith.cmpi slt, %rem3A_2025, %lt3A_2028 : i32
      %lt3A_2030 = arith.constant 0 : i32
      %lt3A_2031 = arith.cmpi slt, %select_n3A_2024, %lt3A_2030 : i32
      %ne3A_2032 = arith.xori %lt3A_2029, %lt3A_2031 : i1
      %and3A_2033 = arith.andi %ne3A_2032, %ne3A_2027 : i1
      %add3A_2034 = arith.addi %rem3A_2025, %select_n3A_2024 : i32
      %select_n3A_2035 = arith.select %and3A_2033, %add3A_2034, %rem3A_2025 : i32
      %dma_wait3A_2036 = arith.constant 1 : i32
      %dma_wait3A_2037 = arith.constant 0 : i32
      %dma_wait3A_2038 = arith.constant 0 : i32
      %dma_wait3A_2039 = tpu.memref_slice %arg10[%dma_wait3A_2036, %dma_wait3A_2037, %dma_wait3A_2038] : memref<7x128x128xf32, #tpu.memory_space<vmem>> -> memref<1x128x128xf32, #tpu.memory_space<vmem>>
      %dma_wait3A_2040 = tpu.memref_squeeze %dma_wait3A_2039 : memref<1x128x128xf32, #tpu.memory_space<vmem>> -> memref<128x128xf32, #tpu.memory_space<vmem>>
      %dma_wait3A_2041 = arith.constant 0 : i32
      %dma_wait3A_2042 = tpu.memref_slice %arg8[%select_n3A_2019, %select_n3A_2035, %dma_wait3A_2041] : memref<10x16384x128xf32, #tpu.memory_space<hbm>> -> memref<1x128x128xf32, #tpu.memory_space<hbm>>
      %dma_wait3A_2043 = tpu.memref_squeeze %dma_wait3A_2042 : memref<1x128x128xf32, #tpu.memory_space<hbm>> -> memref<128x128xf32, #tpu.memory_space<hbm>>
      %dma_wait3A_2044 = arith.constant 0 : i32
      %dma_wait3A_2045 = tpu.memref_slice %arg8[%select_n3A_2019, %select_n3A_2035, %dma_wait3A_2044] : memref<10x16384x128xf32, #tpu.memory_space<hbm>> -> memref<1x128x128xf32, #tpu.memory_space<hbm>>
      %dma_wait3A_2046 = tpu.memref_squeeze %dma_wait3A_2045 : memref<1x128x128xf32, #tpu.memory_space<hbm>> -> memref<128x128xf32, #tpu.memory_space<hbm>>
      %dma_wait3A_2047 = arith.constant 0 : i32
      %dma_wait3A_2048 = arith.constant 0 : i32
      %dma_wait3A_2049 = tpu.memref_slice %arg10[%dma_wait3A_2036, %dma_wait3A_2047, %dma_wait3A_2048] : memref<7x128x128xf32, #tpu.memory_space<vmem>> -> memref<1x128x128xf32, #tpu.memory_space<vmem>>
      %dma_wait3A_2050 = tpu.memref_squeeze %dma_wait3A_2049 : memref<1x128x128xf32, #tpu.memory_space<vmem>> -> memref<128x128xf32, #tpu.memory_space<vmem>>
      tpu.wait_dma2 semaphore(%arg19 : memref<!tpu.dma_semaphore, #tpu.memory_space<semaphore_mem>>) src(%dma_wait3A_2050 : memref<128x128xf32, #tpu.memory_space<vmem>>) dst(%dma_wait3A_2046 : memref<128x128xf32, #tpu.memory_space<hbm>>)
      %add3A_2051 = arith.constant 4 : i32
      %add3A_2052 = arith.addi %add3A_1924, %add3A_2051 : i32
      %dma_start3A_2053 = arith.constant 1 : i32
      %dma_start3A_2054 = arith.constant 0 : i32
      %dma_start3A_2055 = arith.constant 0 : i32
      %dma_start3A_2056 = tpu.memref_slice %arg10[%dma_start3A_2053, %dma_start3A_2054, %dma_start3A_2055] : memref<7x128x128xf32, #tpu.memory_space<vmem>> -> memref<1x128x128xf32, #tpu.memory_space<vmem>>
      %dma_start3A_2057 = tpu.memref_squeeze %dma_start3A_2056 : memref<1x128x128xf32, #tpu.memory_space<vmem>> -> memref<128x128xf32, #tpu.memory_space<vmem>>
      %dma_start3A_2058 = arith.constant 0 : i32
      %dma_start3A_2059 = tpu.memref_slice %arg9[%add3A_2052, %dma_start3A_2058] : memref<48x128xi32, #tpu.memory_space<vmem>> -> memref<1x128xi32, #tpu.memory_space<vmem>>
      %dma_start3A_2060 = tpu.memref_squeeze %dma_start3A_2059 : memref<1x128xi32, #tpu.memory_space<vmem>> -> memref<128xi32, #tpu.memory_space<vmem>>
      %dma_start3A_2061 = arith.constant 0 : i32
      %dma_start3A_2062 = arith.constant 0 : i32
      %dma_start3A_2063 = tpu.memref_slice %arg5[%dma_start3A_2061, %dma_start3A_2062] : memref<100000x128xf32, #tpu.memory_space<hbm>> -> memref<100000x128xf32, #tpu.memory_space<hbm>>
      tpu.enqueue_indirect_dma source(%dma_start3A_2063 : memref<100000x128xf32, #tpu.memory_space<hbm>>) target(%dma_start3A_2057 : memref<128x128xf32, #tpu.memory_space<vmem>>) offsets(%dma_start3A_2060 : memref<128xi32, #tpu.memory_space<vmem>>) semaphore(%arg12 : memref<!tpu.dma_semaphore, #tpu.memory_space<semaphore_mem>>)
      %add3A_2064 = arith.constant 4 : i32
      %add3A_2065 = arith.addi %add3A_1499, %add3A_2064 : i32
      %dma_wait3A_2066 = arith.constant 5 : i32
      %dma_wait3A_2067 = arith.constant 0 : i32
      %dma_wait3A_2068 = arith.constant 0 : i32
      %dma_wait3A_2069 = tpu.memref_slice %arg10[%dma_wait3A_2066, %dma_wait3A_2067, %dma_wait3A_2068] : memref<7x128x128xf32, #tpu.memory_space<vmem>> -> memref<1x128x128xf32, #tpu.memory_space<vmem>>
      %dma_wait3A_2070 = tpu.memref_squeeze %dma_wait3A_2069 : memref<1x128x128xf32, #tpu.memory_space<vmem>> -> memref<128x128xf32, #tpu.memory_space<vmem>>
      %dma_wait3A_2071 = arith.constant 0 : i32
      %dma_wait3A_2072 = tpu.memref_slice %arg9[%add3A_2065, %dma_wait3A_2071] : memref<48x128xi32, #tpu.memory_space<vmem>> -> memref<1x128xi32, #tpu.memory_space<vmem>>
      %dma_wait3A_2073 = tpu.memref_squeeze %dma_wait3A_2072 : memref<1x128xi32, #tpu.memory_space<vmem>> -> memref<128xi32, #tpu.memory_space<vmem>>
      %dma_wait3A_2074 = arith.constant 0 : i32
      %dma_wait3A_2075 = arith.constant 0 : i32
      %dma_wait3A_2076 = tpu.memref_slice %arg5[%dma_wait3A_2074, %dma_wait3A_2075] : memref<100000x128xf32, #tpu.memory_space<hbm>> -> memref<100000x128xf32, #tpu.memory_space<hbm>>
      tpu.wait_indirect_dma semaphore(%arg16 : memref<!tpu.dma_semaphore, #tpu.memory_space<semaphore_mem>>) src(%dma_wait3A_2076 : memref<100000x128xf32, #tpu.memory_space<hbm>>) dst(%dma_wait3A_2070 : memref<128x128xf32, #tpu.memory_space<vmem>>)
      %sub3A_2077 = arith.constant 8 : i32
      %sub3A_2078 = arith.subi %add3A_2065, %sub3A_2077 : i32
      %mul3A_2079 = arith.constant 128 : i32
      %mul3A_2080 = arith.muli %sub3A_2078, %mul3A_2079 : i32
      %add3A_2081 = arith.addi %mul3A_68, %mul3A_2080 : i32
      %jit3A_2082 = arith.constant 16384 : i32
      %div3A_2083 = arith.divsi %add3A_2081, %jit3A_2082 : i32
      %sign3A_2084 = arith.constant 0 : i32
      %sign3A_2085 = arith.cmpi sgt, %add3A_2081, %sign3A_2084 : i32
      %sign3A_2086 = arith.extui %sign3A_2085 : i1 to i32
      %sign3A_2087 = arith.constant 0 : i32
      %sign3A_2088 = arith.cmpi slt, %add3A_2081, %sign3A_2087 : i32
      %sign3A_2089 = arith.extui %sign3A_2088 : i1 to i32
      %sign3A_2090 = arith.subi %sign3A_2086, %sign3A_2089 : i32
      %sign3A_2091 = arith.constant 0 : i32
      %sign3A_2092 = arith.cmpi sgt, %jit3A_2082, %sign3A_2091 : i32
      %sign3A_2093 = arith.extui %sign3A_2092 : i1 to i32
      %sign3A_2094 = arith.constant 0 : i32
      %sign3A_2095 = arith.cmpi slt, %jit3A_2082, %sign3A_2094 : i32
      %sign3A_2096 = arith.extui %sign3A_2095 : i1 to i32
      %sign3A_2097 = arith.subi %sign3A_2093, %sign3A_2096 : i32
      %ne3A_2098 = arith.cmpi ne, %sign3A_2090, %sign3A_2097 : i32
      %rem3A_2099 = arith.remsi %add3A_2081, %jit3A_2082 : i32
      %ne3A_2100 = arith.constant 0 : i32
      %ne3A_2101 = arith.cmpi ne, %rem3A_2099, %ne3A_2100 : i32
      %and3A_2102 = arith.andi %ne3A_2098, %ne3A_2101 : i1
      %sub3A_2103 = arith.constant 1 : i32
      %sub3A_2104 = arith.subi %div3A_2083, %sub3A_2103 : i32
      %select_n3A_2105 = arith.select %and3A_2102, %sub3A_2104, %div3A_2083 : i32
      %jit3A_2106 = arith.constant 16384 : i32
      %eq3A_2107 = arith.constant 0 : i32
      %eq3A_2108 = arith.cmpi eq, %jit3A_2106, %eq3A_2107 : i32
      %jit3A_2109 = arith.constant 1 : i32
      %select_n3A_2110 = arith.select %eq3A_2108, %jit3A_2109, %jit3A_2106 : i32
      %rem3A_2111 = arith.remsi %add3A_2081, %select_n3A_2110 : i32
      %ne3A_2112 = arith.constant 0 : i32
      %ne3A_2113 = arith.cmpi ne, %rem3A_2111, %ne3A_2112 : i32
      %lt3A_2114 = arith.constant 0 : i32
      %lt3A_2115 = arith.cmpi slt, %rem3A_2111, %lt3A_2114 : i32
      %lt3A_2116 = arith.constant 0 : i32
      %lt3A_2117 = arith.cmpi slt, %select_n3A_2110, %lt3A_2116 : i32
      %ne3A_2118 = arith.xori %lt3A_2115, %lt3A_2117 : i1
      %and3A_2119 = arith.andi %ne3A_2118, %ne3A_2113 : i1
      %add3A_2120 = arith.addi %rem3A_2111, %select_n3A_2110 : i32
      %select_n3A_2121 = arith.select %and3A_2119, %add3A_2120, %rem3A_2111 : i32
      %dma_start3A_2122 = arith.constant 5 : i32
      %dma_start3A_2123 = arith.constant 0 : i32
      %dma_start3A_2124 = arith.constant 0 : i32
      %dma_start3A_2125 = tpu.memref_slice %arg10[%dma_start3A_2122, %dma_start3A_2123, %dma_start3A_2124] : memref<7x128x128xf32, #tpu.memory_space<vmem>> -> memref<1x128x128xf32, #tpu.memory_space<vmem>>
      %dma_start3A_2126 = tpu.memref_squeeze %dma_start3A_2125 : memref<1x128x128xf32, #tpu.memory_space<vmem>> -> memref<128x128xf32, #tpu.memory_space<vmem>>
      %dma_start3A_2127 = arith.constant 0 : i32
      %dma_start3A_2128 = tpu.memref_slice %arg8[%select_n3A_2105, %select_n3A_2121, %dma_start3A_2127] : memref<10x16384x128xf32, #tpu.memory_space<hbm>> -> memref<1x128x128xf32, #tpu.memory_space<hbm>>
      %dma_start3A_2129 = tpu.memref_squeeze %dma_start3A_2128 : memref<1x128x128xf32, #tpu.memory_space<hbm>> -> memref<128x128xf32, #tpu.memory_space<hbm>>
      %dma_start3A_2130 = arith.constant 0 : i32
      %dma_start3A_2131 = tpu.memref_slice %arg8[%select_n3A_2105, %select_n3A_2121, %dma_start3A_2130] : memref<10x16384x128xf32, #tpu.memory_space<hbm>> -> memref<1x128x128xf32, #tpu.memory_space<hbm>>
      %dma_start3A_2132 = tpu.memref_squeeze %dma_start3A_2131 : memref<1x128x128xf32, #tpu.memory_space<hbm>> -> memref<128x128xf32, #tpu.memory_space<hbm>>
      %dma_start3A_2133 = arith.constant 0 : i32
      %dma_start3A_2134 = arith.constant 0 : i32
      %dma_start3A_2135 = tpu.memref_slice %arg10[%dma_start3A_2122, %dma_start3A_2133, %dma_start3A_2134] : memref<7x128x128xf32, #tpu.memory_space<vmem>> -> memref<1x128x128xf32, #tpu.memory_space<vmem>>
      %dma_start3A_2136 = tpu.memref_squeeze %dma_start3A_2135 : memref<1x128x128xf32, #tpu.memory_space<vmem>> -> memref<128x128xf32, #tpu.memory_space<vmem>>
      tpu.enqueue_dma source(%dma_start3A_2136 : memref<128x128xf32, #tpu.memory_space<vmem>>) target(%dma_start3A_2132 : memref<128x128xf32, #tpu.memory_space<hbm>>) target_semaphore(%arg23 : memref<!tpu.dma_semaphore, #tpu.memory_space<semaphore_mem>>)
      %jit3A_2137 = arith.constant 16384 : i32
      %div3A_2138 = arith.divsi %mul3A_68, %jit3A_2137 : i32
      %sign3A_2139 = arith.constant 0 : i32
      %sign3A_2140 = arith.cmpi sgt, %mul3A_68, %sign3A_2139 : i32
      %sign3A_2141 = arith.extui %sign3A_2140 : i1 to i32
      %sign3A_2142 = arith.constant 0 : i32
      %sign3A_2143 = arith.cmpi slt, %mul3A_68, %sign3A_2142 : i32
      %sign3A_2144 = arith.extui %sign3A_2143 : i1 to i32
      %sign3A_2145 = arith.subi %sign3A_2141, %sign3A_2144 : i32
      %sign3A_2146 = arith.constant 0 : i32
      %sign3A_2147 = arith.cmpi sgt, %jit3A_2137, %sign3A_2146 : i32
      %sign3A_2148 = arith.extui %sign3A_2147 : i1 to i32
      %sign3A_2149 = arith.constant 0 : i32
      %sign3A_2150 = arith.cmpi slt, %jit3A_2137, %sign3A_2149 : i32
      %sign3A_2151 = arith.extui %sign3A_2150 : i1 to i32
      %sign3A_2152 = arith.subi %sign3A_2148, %sign3A_2151 : i32
      %ne3A_2153 = arith.cmpi ne, %sign3A_2145, %sign3A_2152 : i32
      %rem3A_2154 = arith.remsi %mul3A_68, %jit3A_2137 : i32
      %ne3A_2155 = arith.constant 0 : i32
      %ne3A_2156 = arith.cmpi ne, %rem3A_2154, %ne3A_2155 : i32
      %and3A_2157 = arith.andi %ne3A_2153, %ne3A_2156 : i1
      %sub3A_2158 = arith.constant 1 : i32
      %sub3A_2159 = arith.subi %div3A_2138, %sub3A_2158 : i32
      %select_n3A_2160 = arith.select %and3A_2157, %sub3A_2159, %div3A_2138 : i32
      %jit3A_2161 = arith.constant 16384 : i32
      %eq3A_2162 = arith.constant 0 : i32
      %eq3A_2163 = arith.cmpi eq, %jit3A_2161, %eq3A_2162 : i32
      %jit3A_2164 = arith.constant 1 : i32
      %select_n3A_2165 = arith.select %eq3A_2163, %jit3A_2164, %jit3A_2161 : i32
      %rem3A_2166 = arith.remsi %mul3A_68, %select_n3A_2165 : i32
      %ne3A_2167 = arith.constant 0 : i32
      %ne3A_2168 = arith.cmpi ne, %rem3A_2166, %ne3A_2167 : i32
      %lt3A_2169 = arith.constant 0 : i32
      %lt3A_2170 = arith.cmpi slt, %rem3A_2166, %lt3A_2169 : i32
      %lt3A_2171 = arith.constant 0 : i32
      %lt3A_2172 = arith.cmpi slt, %select_n3A_2165, %lt3A_2171 : i32
      %ne3A_2173 = arith.xori %lt3A_2170, %lt3A_2172 : i1
      %and3A_2174 = arith.andi %ne3A_2173, %ne3A_2168 : i1
      %add3A_2175 = arith.addi %rem3A_2166, %select_n3A_2165 : i32
      %select_n3A_2176 = arith.select %and3A_2174, %add3A_2175, %rem3A_2166 : i32
      %dma_wait3A_2177 = arith.constant 2 : i32
      %dma_wait3A_2178 = arith.constant 0 : i32
      %dma_wait3A_2179 = arith.constant 0 : i32
      %dma_wait3A_2180 = tpu.memref_slice %arg10[%dma_wait3A_2177, %dma_wait3A_2178, %dma_wait3A_2179] : memref<7x128x128xf32, #tpu.memory_space<vmem>> -> memref<1x128x128xf32, #tpu.memory_space<vmem>>
      %dma_wait3A_2181 = tpu.memref_squeeze %dma_wait3A_2180 : memref<1x128x128xf32, #tpu.memory_space<vmem>> -> memref<128x128xf32, #tpu.memory_space<vmem>>
      %dma_wait3A_2182 = arith.constant 0 : i32
      %dma_wait3A_2183 = tpu.memref_slice %arg8[%select_n3A_2160, %select_n3A_2176, %dma_wait3A_2182] : memref<10x16384x128xf32, #tpu.memory_space<hbm>> -> memref<1x128x128xf32, #tpu.memory_space<hbm>>
      %dma_wait3A_2184 = tpu.memref_squeeze %dma_wait3A_2183 : memref<1x128x128xf32, #tpu.memory_space<hbm>> -> memref<128x128xf32, #tpu.memory_space<hbm>>
      %dma_wait3A_2185 = arith.constant 0 : i32
      %dma_wait3A_2186 = tpu.memref_slice %arg8[%select_n3A_2160, %select_n3A_2176, %dma_wait3A_2185] : memref<10x16384x128xf32, #tpu.memory_space<hbm>> -> memref<1x128x128xf32, #tpu.memory_space<hbm>>
      %dma_wait3A_2187 = tpu.memref_squeeze %dma_wait3A_2186 : memref<1x128x128xf32, #tpu.memory_space<hbm>> -> memref<128x128xf32, #tpu.memory_space<hbm>>
      %dma_wait3A_2188 = arith.constant 0 : i32
      %dma_wait3A_2189 = arith.constant 0 : i32
      %dma_wait3A_2190 = tpu.memref_slice %arg10[%dma_wait3A_2177, %dma_wait3A_2188, %dma_wait3A_2189] : memref<7x128x128xf32, #tpu.memory_space<vmem>> -> memref<1x128x128xf32, #tpu.memory_space<vmem>>
      %dma_wait3A_2191 = tpu.memref_squeeze %dma_wait3A_2190 : memref<1x128x128xf32, #tpu.memory_space<vmem>> -> memref<128x128xf32, #tpu.memory_space<vmem>>
      tpu.wait_dma2 semaphore(%arg20 : memref<!tpu.dma_semaphore, #tpu.memory_space<semaphore_mem>>) src(%dma_wait3A_2191 : memref<128x128xf32, #tpu.memory_space<vmem>>) dst(%dma_wait3A_2187 : memref<128x128xf32, #tpu.memory_space<hbm>>)
      %add3A_2192 = arith.constant 4 : i32
      %add3A_2193 = arith.addi %add3A_2065, %add3A_2192 : i32
      %dma_start3A_2194 = arith.constant 2 : i32
      %dma_start3A_2195 = arith.constant 0 : i32
      %dma_start3A_2196 = arith.constant 0 : i32
      %dma_start3A_2197 = tpu.memref_slice %arg10[%dma_start3A_2194, %dma_start3A_2195, %dma_start3A_2196] : memref<7x128x128xf32, #tpu.memory_space<vmem>> -> memref<1x128x128xf32, #tpu.memory_space<vmem>>
      %dma_start3A_2198 = tpu.memref_squeeze %dma_start3A_2197 : memref<1x128x128xf32, #tpu.memory_space<vmem>> -> memref<128x128xf32, #tpu.memory_space<vmem>>
      %dma_start3A_2199 = arith.constant 0 : i32
      %dma_start3A_2200 = tpu.memref_slice %arg9[%add3A_2193, %dma_start3A_2199] : memref<48x128xi32, #tpu.memory_space<vmem>> -> memref<1x128xi32, #tpu.memory_space<vmem>>
      %dma_start3A_2201 = tpu.memref_squeeze %dma_start3A_2200 : memref<1x128xi32, #tpu.memory_space<vmem>> -> memref<128xi32, #tpu.memory_space<vmem>>
      %dma_start3A_2202 = arith.constant 0 : i32
      %dma_start3A_2203 = arith.constant 0 : i32
      %dma_start3A_2204 = tpu.memref_slice %arg5[%dma_start3A_2202, %dma_start3A_2203] : memref<100000x128xf32, #tpu.memory_space<hbm>> -> memref<100000x128xf32, #tpu.memory_space<hbm>>
      tpu.enqueue_indirect_dma source(%dma_start3A_2204 : memref<100000x128xf32, #tpu.memory_space<hbm>>) target(%dma_start3A_2198 : memref<128x128xf32, #tpu.memory_space<vmem>>) offsets(%dma_start3A_2201 : memref<128xi32, #tpu.memory_space<vmem>>) semaphore(%arg13 : memref<!tpu.dma_semaphore, #tpu.memory_space<semaphore_mem>>)
      %add3A_2205 = arith.constant 5 : i32
      %add3A_2206 = arith.addi %add3A_1499, %add3A_2205 : i32
      %dma_wait3A_2207 = arith.constant 6 : i32
      %dma_wait3A_2208 = arith.constant 0 : i32
      %dma_wait3A_2209 = arith.constant 0 : i32
      %dma_wait3A_2210 = tpu.memref_slice %arg10[%dma_wait3A_2207, %dma_wait3A_2208, %dma_wait3A_2209] : memref<7x128x128xf32, #tpu.memory_space<vmem>> -> memref<1x128x128xf32, #tpu.memory_space<vmem>>
      %dma_wait3A_2211 = tpu.memref_squeeze %dma_wait3A_2210 : memref<1x128x128xf32, #tpu.memory_space<vmem>> -> memref<128x128xf32, #tpu.memory_space<vmem>>
      %dma_wait3A_2212 = arith.constant 0 : i32
      %dma_wait3A_2213 = tpu.memref_slice %arg9[%add3A_2206, %dma_wait3A_2212] : memref<48x128xi32, #tpu.memory_space<vmem>> -> memref<1x128xi32, #tpu.memory_space<vmem>>
      %dma_wait3A_2214 = tpu.memref_squeeze %dma_wait3A_2213 : memref<1x128xi32, #tpu.memory_space<vmem>> -> memref<128xi32, #tpu.memory_space<vmem>>
      %dma_wait3A_2215 = arith.constant 0 : i32
      %dma_wait3A_2216 = arith.constant 0 : i32
      %dma_wait3A_2217 = tpu.memref_slice %arg5[%dma_wait3A_2215, %dma_wait3A_2216] : memref<100000x128xf32, #tpu.memory_space<hbm>> -> memref<100000x128xf32, #tpu.memory_space<hbm>>
      tpu.wait_indirect_dma semaphore(%arg17 : memref<!tpu.dma_semaphore, #tpu.memory_space<semaphore_mem>>) src(%dma_wait3A_2217 : memref<100000x128xf32, #tpu.memory_space<hbm>>) dst(%dma_wait3A_2211 : memref<128x128xf32, #tpu.memory_space<vmem>>)
      %sub3A_2218 = arith.constant 8 : i32
      %sub3A_2219 = arith.subi %add3A_2206, %sub3A_2218 : i32
      %mul3A_2220 = arith.constant 128 : i32
      %mul3A_2221 = arith.muli %sub3A_2219, %mul3A_2220 : i32
      %add3A_2222 = arith.addi %mul3A_68, %mul3A_2221 : i32
      %jit3A_2223 = arith.constant 16384 : i32
      %div3A_2224 = arith.divsi %add3A_2222, %jit3A_2223 : i32
      %sign3A_2225 = arith.constant 0 : i32
      %sign3A_2226 = arith.cmpi sgt, %add3A_2222, %sign3A_2225 : i32
      %sign3A_2227 = arith.extui %sign3A_2226 : i1 to i32
      %sign3A_2228 = arith.constant 0 : i32
      %sign3A_2229 = arith.cmpi slt, %add3A_2222, %sign3A_2228 : i32
      %sign3A_2230 = arith.extui %sign3A_2229 : i1 to i32
      %sign3A_2231 = arith.subi %sign3A_2227, %sign3A_2230 : i32
      %sign3A_2232 = arith.constant 0 : i32
      %sign3A_2233 = arith.cmpi sgt, %jit3A_2223, %sign3A_2232 : i32
      %sign3A_2234 = arith.extui %sign3A_2233 : i1 to i32
      %sign3A_2235 = arith.constant 0 : i32
      %sign3A_2236 = arith.cmpi slt, %jit3A_2223, %sign3A_2235 : i32
      %sign3A_2237 = arith.extui %sign3A_2236 : i1 to i32
      %sign3A_2238 = arith.subi %sign3A_2234, %sign3A_2237 : i32
      %ne3A_2239 = arith.cmpi ne, %sign3A_2231, %sign3A_2238 : i32
      %rem3A_2240 = arith.remsi %add3A_2222, %jit3A_2223 : i32
      %ne3A_2241 = arith.constant 0 : i32
      %ne3A_2242 = arith.cmpi ne, %rem3A_2240, %ne3A_2241 : i32
      %and3A_2243 = arith.andi %ne3A_2239, %ne3A_2242 : i1
      %sub3A_2244 = arith.constant 1 : i32
      %sub3A_2245 = arith.subi %div3A_2224, %sub3A_2244 : i32
      %select_n3A_2246 = arith.select %and3A_2243, %sub3A_2245, %div3A_2224 : i32
      %jit3A_2247 = arith.constant 16384 : i32
      %eq3A_2248 = arith.constant 0 : i32
      %eq3A_2249 = arith.cmpi eq, %jit3A_2247, %eq3A_2248 : i32
      %jit3A_2250 = arith.constant 1 : i32
      %select_n3A_2251 = arith.select %eq3A_2249, %jit3A_2250, %jit3A_2247 : i32
      %rem3A_2252 = arith.remsi %add3A_2222, %select_n3A_2251 : i32
      %ne3A_2253 = arith.constant 0 : i32
      %ne3A_2254 = arith.cmpi ne, %rem3A_2252, %ne3A_2253 : i32
      %lt3A_2255 = arith.constant 0 : i32
      %lt3A_2256 = arith.cmpi slt, %rem3A_2252, %lt3A_2255 : i32
      %lt3A_2257 = arith.constant 0 : i32
      %lt3A_2258 = arith.cmpi slt, %select_n3A_2251, %lt3A_2257 : i32
      %ne3A_2259 = arith.xori %lt3A_2256, %lt3A_2258 : i1
      %and3A_2260 = arith.andi %ne3A_2259, %ne3A_2254 : i1
      %add3A_2261 = arith.addi %rem3A_2252, %select_n3A_2251 : i32
      %select_n3A_2262 = arith.select %and3A_2260, %add3A_2261, %rem3A_2252 : i32
      %dma_start3A_2263 = arith.constant 6 : i32
      %dma_start3A_2264 = arith.constant 0 : i32
      %dma_start3A_2265 = arith.constant 0 : i32
      %dma_start3A_2266 = tpu.memref_slice %arg10[%dma_start3A_2263, %dma_start3A_2264, %dma_start3A_2265] : memref<7x128x128xf32, #tpu.memory_space<vmem>> -> memref<1x128x128xf32, #tpu.memory_space<vmem>>
      %dma_start3A_2267 = tpu.memref_squeeze %dma_start3A_2266 : memref<1x128x128xf32, #tpu.memory_space<vmem>> -> memref<128x128xf32, #tpu.memory_space<vmem>>
      %dma_start3A_2268 = arith.constant 0 : i32
      %dma_start3A_2269 = tpu.memref_slice %arg8[%select_n3A_2246, %select_n3A_2262, %dma_start3A_2268] : memref<10x16384x128xf32, #tpu.memory_space<hbm>> -> memref<1x128x128xf32, #tpu.memory_space<hbm>>
      %dma_start3A_2270 = tpu.memref_squeeze %dma_start3A_2269 : memref<1x128x128xf32, #tpu.memory_space<hbm>> -> memref<128x128xf32, #tpu.memory_space<hbm>>
      %dma_start3A_2271 = arith.constant 0 : i32
      %dma_start3A_2272 = tpu.memref_slice %arg8[%select_n3A_2246, %select_n3A_2262, %dma_start3A_2271] : memref<10x16384x128xf32, #tpu.memory_space<hbm>> -> memref<1x128x128xf32, #tpu.memory_space<hbm>>
      %dma_start3A_2273 = tpu.memref_squeeze %dma_start3A_2272 : memref<1x128x128xf32, #tpu.memory_space<hbm>> -> memref<128x128xf32, #tpu.memory_space<hbm>>
      %dma_start3A_2274 = arith.constant 0 : i32
      %dma_start3A_2275 = arith.constant 0 : i32
      %dma_start3A_2276 = tpu.memref_slice %arg10[%dma_start3A_2263, %dma_start3A_2274, %dma_start3A_2275] : memref<7x128x128xf32, #tpu.memory_space<vmem>> -> memref<1x128x128xf32, #tpu.memory_space<vmem>>
      %dma_start3A_2277 = tpu.memref_squeeze %dma_start3A_2276 : memref<1x128x128xf32, #tpu.memory_space<vmem>> -> memref<128x128xf32, #tpu.memory_space<vmem>>
      tpu.enqueue_dma source(%dma_start3A_2277 : memref<128x128xf32, #tpu.memory_space<vmem>>) target(%dma_start3A_2273 : memref<128x128xf32, #tpu.memory_space<hbm>>) target_semaphore(%arg24 : memref<!tpu.dma_semaphore, #tpu.memory_space<semaphore_mem>>)
      %jit3A_2278 = arith.constant 16384 : i32
      %div3A_2279 = arith.divsi %mul3A_68, %jit3A_2278 : i32
      %sign3A_2280 = arith.constant 0 : i32
      %sign3A_2281 = arith.cmpi sgt, %mul3A_68, %sign3A_2280 : i32
      %sign3A_2282 = arith.extui %sign3A_2281 : i1 to i32
      %sign3A_2283 = arith.constant 0 : i32
      %sign3A_2284 = arith.cmpi slt, %mul3A_68, %sign3A_2283 : i32
      %sign3A_2285 = arith.extui %sign3A_2284 : i1 to i32
      %sign3A_2286 = arith.subi %sign3A_2282, %sign3A_2285 : i32
      %sign3A_2287 = arith.constant 0 : i32
      %sign3A_2288 = arith.cmpi sgt, %jit3A_2278, %sign3A_2287 : i32
      %sign3A_2289 = arith.extui %sign3A_2288 : i1 to i32
      %sign3A_2290 = arith.constant 0 : i32
      %sign3A_2291 = arith.cmpi slt, %jit3A_2278, %sign3A_2290 : i32
      %sign3A_2292 = arith.extui %sign3A_2291 : i1 to i32
      %sign3A_2293 = arith.subi %sign3A_2289, %sign3A_2292 : i32
      %ne3A_2294 = arith.cmpi ne, %sign3A_2286, %sign3A_2293 : i32
      %rem3A_2295 = arith.remsi %mul3A_68, %jit3A_2278 : i32
      %ne3A_2296 = arith.constant 0 : i32
      %ne3A_2297 = arith.cmpi ne, %rem3A_2295, %ne3A_2296 : i32
      %and3A_2298 = arith.andi %ne3A_2294, %ne3A_2297 : i1
      %sub3A_2299 = arith.constant 1 : i32
      %sub3A_2300 = arith.subi %div3A_2279, %sub3A_2299 : i32
      %select_n3A_2301 = arith.select %and3A_2298, %sub3A_2300, %div3A_2279 : i32
      %jit3A_2302 = arith.constant 16384 : i32
      %eq3A_2303 = arith.constant 0 : i32
      %eq3A_2304 = arith.cmpi eq, %jit3A_2302, %eq3A_2303 : i32
      %jit3A_2305 = arith.constant 1 : i32
      %select_n3A_2306 = arith.select %eq3A_2304, %jit3A_2305, %jit3A_2302 : i32
      %rem3A_2307 = arith.remsi %mul3A_68, %select_n3A_2306 : i32
      %ne3A_2308 = arith.constant 0 : i32
      %ne3A_2309 = arith.cmpi ne, %rem3A_2307, %ne3A_2308 : i32
      %lt3A_2310 = arith.constant 0 : i32
      %lt3A_2311 = arith.cmpi slt, %rem3A_2307, %lt3A_2310 : i32
      %lt3A_2312 = arith.constant 0 : i32
      %lt3A_2313 = arith.cmpi slt, %select_n3A_2306, %lt3A_2312 : i32
      %ne3A_2314 = arith.xori %lt3A_2311, %lt3A_2313 : i1
      %and3A_2315 = arith.andi %ne3A_2314, %ne3A_2309 : i1
      %add3A_2316 = arith.addi %rem3A_2307, %select_n3A_2306 : i32
      %select_n3A_2317 = arith.select %and3A_2315, %add3A_2316, %rem3A_2307 : i32
      %dma_wait3A_2318 = arith.constant 3 : i32
      %dma_wait3A_2319 = arith.constant 0 : i32
      %dma_wait3A_2320 = arith.constant 0 : i32
      %dma_wait3A_2321 = tpu.memref_slice %arg10[%dma_wait3A_2318, %dma_wait3A_2319, %dma_wait3A_2320] : memref<7x128x128xf32, #tpu.memory_space<vmem>> -> memref<1x128x128xf32, #tpu.memory_space<vmem>>
      %dma_wait3A_2322 = tpu.memref_squeeze %dma_wait3A_2321 : memref<1x128x128xf32, #tpu.memory_space<vmem>> -> memref<128x128xf32, #tpu.memory_space<vmem>>
      %dma_wait3A_2323 = arith.constant 0 : i32
      %dma_wait3A_2324 = tpu.memref_slice %arg8[%select_n3A_2301, %select_n3A_2317, %dma_wait3A_2323] : memref<10x16384x128xf32, #tpu.memory_space<hbm>> -> memref<1x128x128xf32, #tpu.memory_space<hbm>>
      %dma_wait3A_2325 = tpu.memref_squeeze %dma_wait3A_2324 : memref<1x128x128xf32, #tpu.memory_space<hbm>> -> memref<128x128xf32, #tpu.memory_space<hbm>>
      %dma_wait3A_2326 = arith.constant 0 : i32
      %dma_wait3A_2327 = tpu.memref_slice %arg8[%select_n3A_2301, %select_n3A_2317, %dma_wait3A_2326] : memref<10x16384x128xf32, #tpu.memory_space<hbm>> -> memref<1x128x128xf32, #tpu.memory_space<hbm>>
      %dma_wait3A_2328 = tpu.memref_squeeze %dma_wait3A_2327 : memref<1x128x128xf32, #tpu.memory_space<hbm>> -> memref<128x128xf32, #tpu.memory_space<hbm>>
      %dma_wait3A_2329 = arith.constant 0 : i32
      %dma_wait3A_2330 = arith.constant 0 : i32
      %dma_wait3A_2331 = tpu.memref_slice %arg10[%dma_wait3A_2318, %dma_wait3A_2329, %dma_wait3A_2330] : memref<7x128x128xf32, #tpu.memory_space<vmem>> -> memref<1x128x128xf32, #tpu.memory_space<vmem>>
      %dma_wait3A_2332 = tpu.memref_squeeze %dma_wait3A_2331 : memref<1x128x128xf32, #tpu.memory_space<vmem>> -> memref<128x128xf32, #tpu.memory_space<vmem>>
      tpu.wait_dma2 semaphore(%arg21 : memref<!tpu.dma_semaphore, #tpu.memory_space<semaphore_mem>>) src(%dma_wait3A_2332 : memref<128x128xf32, #tpu.memory_space<vmem>>) dst(%dma_wait3A_2328 : memref<128x128xf32, #tpu.memory_space<hbm>>)
      %add3A_2333 = arith.constant 4 : i32
      %add3A_2334 = arith.addi %add3A_2206, %add3A_2333 : i32
      %dma_start3A_2335 = arith.constant 3 : i32
      %dma_start3A_2336 = arith.constant 0 : i32
      %dma_start3A_2337 = arith.constant 0 : i32
      %dma_start3A_2338 = tpu.memref_slice %arg10[%dma_start3A_2335, %dma_start3A_2336, %dma_start3A_2337] : memref<7x128x128xf32, #tpu.memory_space<vmem>> -> memref<1x128x128xf32, #tpu.memory_space<vmem>>
      %dma_start3A_2339 = tpu.memref_squeeze %dma_start3A_2338 : memref<1x128x128xf32, #tpu.memory_space<vmem>> -> memref<128x128xf32, #tpu.memory_space<vmem>>
      %dma_start3A_2340 = arith.constant 0 : i32
      %dma_start3A_2341 = tpu.memref_slice %arg9[%add3A_2334, %dma_start3A_2340] : memref<48x128xi32, #tpu.memory_space<vmem>> -> memref<1x128xi32, #tpu.memory_space<vmem>>
      %dma_start3A_2342 = tpu.memref_squeeze %dma_start3A_2341 : memref<1x128xi32, #tpu.memory_space<vmem>> -> memref<128xi32, #tpu.memory_space<vmem>>
      %dma_start3A_2343 = arith.constant 0 : i32
      %dma_start3A_2344 = arith.constant 0 : i32
      %dma_start3A_2345 = tpu.memref_slice %arg5[%dma_start3A_2343, %dma_start3A_2344] : memref<100000x128xf32, #tpu.memory_space<hbm>> -> memref<100000x128xf32, #tpu.memory_space<hbm>>
      tpu.enqueue_indirect_dma source(%dma_start3A_2345 : memref<100000x128xf32, #tpu.memory_space<hbm>>) target(%dma_start3A_2339 : memref<128x128xf32, #tpu.memory_space<vmem>>) offsets(%dma_start3A_2342 : memref<128xi32, #tpu.memory_space<vmem>>) semaphore(%arg14 : memref<!tpu.dma_semaphore, #tpu.memory_space<semaphore_mem>>)
      %add3A_2346 = arith.constant 6 : i32
      %add3A_2347 = arith.addi %add3A_1499, %add3A_2346 : i32
      %dma_wait3A_2348 = arith.constant 0 : i32
      %dma_wait3A_2349 = arith.constant 0 : i32
      %dma_wait3A_2350 = arith.constant 0 : i32
      %dma_wait3A_2351 = tpu.memref_slice %arg10[%dma_wait3A_2348, %dma_wait3A_2349, %dma_wait3A_2350] : memref<7x128x128xf32, #tpu.memory_space<vmem>> -> memref<1x128x128xf32, #tpu.memory_space<vmem>>
      %dma_wait3A_2352 = tpu.memref_squeeze %dma_wait3A_2351 : memref<1x128x128xf32, #tpu.memory_space<vmem>> -> memref<128x128xf32, #tpu.memory_space<vmem>>
      %dma_wait3A_2353 = arith.constant 0 : i32
      %dma_wait3A_2354 = tpu.memref_slice %arg9[%add3A_2347, %dma_wait3A_2353] : memref<48x128xi32, #tpu.memory_space<vmem>> -> memref<1x128xi32, #tpu.memory_space<vmem>>
      %dma_wait3A_2355 = tpu.memref_squeeze %dma_wait3A_2354 : memref<1x128xi32, #tpu.memory_space<vmem>> -> memref<128xi32, #tpu.memory_space<vmem>>
      %dma_wait3A_2356 = arith.constant 0 : i32
      %dma_wait3A_2357 = arith.constant 0 : i32
      %dma_wait3A_2358 = tpu.memref_slice %arg5[%dma_wait3A_2356, %dma_wait3A_2357] : memref<100000x128xf32, #tpu.memory_space<hbm>> -> memref<100000x128xf32, #tpu.memory_space<hbm>>
      tpu.wait_indirect_dma semaphore(%arg11 : memref<!tpu.dma_semaphore, #tpu.memory_space<semaphore_mem>>) src(%dma_wait3A_2358 : memref<100000x128xf32, #tpu.memory_space<hbm>>) dst(%dma_wait3A_2352 : memref<128x128xf32, #tpu.memory_space<vmem>>)
      %sub3A_2359 = arith.constant 8 : i32
      %sub3A_2360 = arith.subi %add3A_2347, %sub3A_2359 : i32
      %mul3A_2361 = arith.constant 128 : i32
      %mul3A_2362 = arith.muli %sub3A_2360, %mul3A_2361 : i32
      %add3A_2363 = arith.addi %mul3A_68, %mul3A_2362 : i32
      %jit3A_2364 = arith.constant 16384 : i32
      %div3A_2365 = arith.divsi %add3A_2363, %jit3A_2364 : i32
      %sign3A_2366 = arith.constant 0 : i32
      %sign3A_2367 = arith.cmpi sgt, %add3A_2363, %sign3A_2366 : i32
      %sign3A_2368 = arith.extui %sign3A_2367 : i1 to i32
      %sign3A_2369 = arith.constant 0 : i32
      %sign3A_2370 = arith.cmpi slt, %add3A_2363, %sign3A_2369 : i32
      %sign3A_2371 = arith.extui %sign3A_2370 : i1 to i32
      %sign3A_2372 = arith.subi %sign3A_2368, %sign3A_2371 : i32
      %sign3A_2373 = arith.constant 0 : i32
      %sign3A_2374 = arith.cmpi sgt, %jit3A_2364, %sign3A_2373 : i32
      %sign3A_2375 = arith.extui %sign3A_2374 : i1 to i32
      %sign3A_2376 = arith.constant 0 : i32
      %sign3A_2377 = arith.cmpi slt, %jit3A_2364, %sign3A_2376 : i32
      %sign3A_2378 = arith.extui %sign3A_2377 : i1 to i32
      %sign3A_2379 = arith.subi %sign3A_2375, %sign3A_2378 : i32
      %ne3A_2380 = arith.cmpi ne, %sign3A_2372, %sign3A_2379 : i32
      %rem3A_2381 = arith.remsi %add3A_2363, %jit3A_2364 : i32
      %ne3A_2382 = arith.constant 0 : i32
      %ne3A_2383 = arith.cmpi ne, %rem3A_2381, %ne3A_2382 : i32
      %and3A_2384 = arith.andi %ne3A_2380, %ne3A_2383 : i1
      %sub3A_2385 = arith.constant 1 : i32
      %sub3A_2386 = arith.subi %div3A_2365, %sub3A_2385 : i32
      %select_n3A_2387 = arith.select %and3A_2384, %sub3A_2386, %div3A_2365 : i32
      %jit3A_2388 = arith.constant 16384 : i32
      %eq3A_2389 = arith.constant 0 : i32
      %eq3A_2390 = arith.cmpi eq, %jit3A_2388, %eq3A_2389 : i32
      %jit3A_2391 = arith.constant 1 : i32
      %select_n3A_2392 = arith.select %eq3A_2390, %jit3A_2391, %jit3A_2388 : i32
      %rem3A_2393 = arith.remsi %add3A_2363, %select_n3A_2392 : i32
      %ne3A_2394 = arith.constant 0 : i32
      %ne3A_2395 = arith.cmpi ne, %rem3A_2393, %ne3A_2394 : i32
      %lt3A_2396 = arith.constant 0 : i32
      %lt3A_2397 = arith.cmpi slt, %rem3A_2393, %lt3A_2396 : i32
      %lt3A_2398 = arith.constant 0 : i32
      %lt3A_2399 = arith.cmpi slt, %select_n3A_2392, %lt3A_2398 : i32
      %ne3A_2400 = arith.xori %lt3A_2397, %lt3A_2399 : i1
      %and3A_2401 = arith.andi %ne3A_2400, %ne3A_2395 : i1
      %add3A_2402 = arith.addi %rem3A_2393, %select_n3A_2392 : i32
      %select_n3A_2403 = arith.select %and3A_2401, %add3A_2402, %rem3A_2393 : i32
      %dma_start3A_2404 = arith.constant 0 : i32
      %dma_start3A_2405 = arith.constant 0 : i32
      %dma_start3A_2406 = arith.constant 0 : i32
      %dma_start3A_2407 = tpu.memref_slice %arg10[%dma_start3A_2404, %dma_start3A_2405, %dma_start3A_2406] : memref<7x128x128xf32, #tpu.memory_space<vmem>> -> memref<1x128x128xf32, #tpu.memory_space<vmem>>
      %dma_start3A_2408 = tpu.memref_squeeze %dma_start3A_2407 : memref<1x128x128xf32, #tpu.memory_space<vmem>> -> memref<128x128xf32, #tpu.memory_space<vmem>>
      %dma_start3A_2409 = arith.constant 0 : i32
      %dma_start3A_2410 = tpu.memref_slice %arg8[%select_n3A_2387, %select_n3A_2403, %dma_start3A_2409] : memref<10x16384x128xf32, #tpu.memory_space<hbm>> -> memref<1x128x128xf32, #tpu.memory_space<hbm>>
      %dma_start3A_2411 = tpu.memref_squeeze %dma_start3A_2410 : memref<1x128x128xf32, #tpu.memory_space<hbm>> -> memref<128x128xf32, #tpu.memory_space<hbm>>
      %dma_start3A_2412 = arith.constant 0 : i32
      %dma_start3A_2413 = tpu.memref_slice %arg8[%select_n3A_2387, %select_n3A_2403, %dma_start3A_2412] : memref<10x16384x128xf32, #tpu.memory_space<hbm>> -> memref<1x128x128xf32, #tpu.memory_space<hbm>>
      %dma_start3A_2414 = tpu.memref_squeeze %dma_start3A_2413 : memref<1x128x128xf32, #tpu.memory_space<hbm>> -> memref<128x128xf32, #tpu.memory_space<hbm>>
      %dma_start3A_2415 = arith.constant 0 : i32
      %dma_start3A_2416 = arith.constant 0 : i32
      %dma_start3A_2417 = tpu.memref_slice %arg10[%dma_start3A_2404, %dma_start3A_2415, %dma_start3A_2416] : memref<7x128x128xf32, #tpu.memory_space<vmem>> -> memref<1x128x128xf32, #tpu.memory_space<vmem>>
      %dma_start3A_2418 = tpu.memref_squeeze %dma_start3A_2417 : memref<1x128x128xf32, #tpu.memory_space<vmem>> -> memref<128x128xf32, #tpu.memory_space<vmem>>
      tpu.enqueue_dma source(%dma_start3A_2418 : memref<128x128xf32, #tpu.memory_space<vmem>>) target(%dma_start3A_2414 : memref<128x128xf32, #tpu.memory_space<hbm>>) target_semaphore(%arg18 : memref<!tpu.dma_semaphore, #tpu.memory_space<semaphore_mem>>)
      %jit3A_2419 = arith.constant 16384 : i32
      %div3A_2420 = arith.divsi %mul3A_68, %jit3A_2419 : i32
      %sign3A_2421 = arith.constant 0 : i32
      %sign3A_2422 = arith.cmpi sgt, %mul3A_68, %sign3A_2421 : i32
      %sign3A_2423 = arith.extui %sign3A_2422 : i1 to i32
      %sign3A_2424 = arith.constant 0 : i32
      %sign3A_2425 = arith.cmpi slt, %mul3A_68, %sign3A_2424 : i32
      %sign3A_2426 = arith.extui %sign3A_2425 : i1 to i32
      %sign3A_2427 = arith.subi %sign3A_2423, %sign3A_2426 : i32
      %sign3A_2428 = arith.constant 0 : i32
      %sign3A_2429 = arith.cmpi sgt, %jit3A_2419, %sign3A_2428 : i32
      %sign3A_2430 = arith.extui %sign3A_2429 : i1 to i32
      %sign3A_2431 = arith.constant 0 : i32
      %sign3A_2432 = arith.cmpi slt, %jit3A_2419, %sign3A_2431 : i32
      %sign3A_2433 = arith.extui %sign3A_2432 : i1 to i32
      %sign3A_2434 = arith.subi %sign3A_2430, %sign3A_2433 : i32
      %ne3A_2435 = arith.cmpi ne, %sign3A_2427, %sign3A_2434 : i32
      %rem3A_2436 = arith.remsi %mul3A_68, %jit3A_2419 : i32
      %ne3A_2437 = arith.constant 0 : i32
      %ne3A_2438 = arith.cmpi ne, %rem3A_2436, %ne3A_2437 : i32
      %and3A_2439 = arith.andi %ne3A_2435, %ne3A_2438 : i1
      %sub3A_2440 = arith.constant 1 : i32
      %sub3A_2441 = arith.subi %div3A_2420, %sub3A_2440 : i32
      %select_n3A_2442 = arith.select %and3A_2439, %sub3A_2441, %div3A_2420 : i32
      %jit3A_2443 = arith.constant 16384 : i32
      %eq3A_2444 = arith.constant 0 : i32
      %eq3A_2445 = arith.cmpi eq, %jit3A_2443, %eq3A_2444 : i32
      %jit3A_2446 = arith.constant 1 : i32
      %select_n3A_2447 = arith.select %eq3A_2445, %jit3A_2446, %jit3A_2443 : i32
      %rem3A_2448 = arith.remsi %mul3A_68, %select_n3A_2447 : i32
      %ne3A_2449 = arith.constant 0 : i32
      %ne3A_2450 = arith.cmpi ne, %rem3A_2448, %ne3A_2449 : i32
      %lt3A_2451 = arith.constant 0 : i32
      %lt3A_2452 = arith.cmpi slt, %rem3A_2448, %lt3A_2451 : i32
      %lt3A_2453 = arith.constant 0 : i32
      %lt3A_2454 = arith.cmpi slt, %select_n3A_2447, %lt3A_2453 : i32
      %ne3A_2455 = arith.xori %lt3A_2452, %lt3A_2454 : i1
      %and3A_2456 = arith.andi %ne3A_2455, %ne3A_2450 : i1
      %add3A_2457 = arith.addi %rem3A_2448, %select_n3A_2447 : i32
      %select_n3A_2458 = arith.select %and3A_2456, %add3A_2457, %rem3A_2448 : i32
      %dma_wait3A_2459 = arith.constant 4 : i32
      %dma_wait3A_2460 = arith.constant 0 : i32
      %dma_wait3A_2461 = arith.constant 0 : i32
      %dma_wait3A_2462 = tpu.memref_slice %arg10[%dma_wait3A_2459, %dma_wait3A_2460, %dma_wait3A_2461] : memref<7x128x128xf32, #tpu.memory_space<vmem>> -> memref<1x128x128xf32, #tpu.memory_space<vmem>>
      %dma_wait3A_2463 = tpu.memref_squeeze %dma_wait3A_2462 : memref<1x128x128xf32, #tpu.memory_space<vmem>> -> memref<128x128xf32, #tpu.memory_space<vmem>>
      %dma_wait3A_2464 = arith.constant 0 : i32
      %dma_wait3A_2465 = tpu.memref_slice %arg8[%select_n3A_2442, %select_n3A_2458, %dma_wait3A_2464] : memref<10x16384x128xf32, #tpu.memory_space<hbm>> -> memref<1x128x128xf32, #tpu.memory_space<hbm>>
      %dma_wait3A_2466 = tpu.memref_squeeze %dma_wait3A_2465 : memref<1x128x128xf32, #tpu.memory_space<hbm>> -> memref<128x128xf32, #tpu.memory_space<hbm>>
      %dma_wait3A_2467 = arith.constant 0 : i32
      %dma_wait3A_2468 = tpu.memref_slice %arg8[%select_n3A_2442, %select_n3A_2458, %dma_wait3A_2467] : memref<10x16384x128xf32, #tpu.memory_space<hbm>> -> memref<1x128x128xf32, #tpu.memory_space<hbm>>
      %dma_wait3A_2469 = tpu.memref_squeeze %dma_wait3A_2468 : memref<1x128x128xf32, #tpu.memory_space<hbm>> -> memref<128x128xf32, #tpu.memory_space<hbm>>
      %dma_wait3A_2470 = arith.constant 0 : i32
      %dma_wait3A_2471 = arith.constant 0 : i32
      %dma_wait3A_2472 = tpu.memref_slice %arg10[%dma_wait3A_2459, %dma_wait3A_2470, %dma_wait3A_2471] : memref<7x128x128xf32, #tpu.memory_space<vmem>> -> memref<1x128x128xf32, #tpu.memory_space<vmem>>
      %dma_wait3A_2473 = tpu.memref_squeeze %dma_wait3A_2472 : memref<1x128x128xf32, #tpu.memory_space<vmem>> -> memref<128x128xf32, #tpu.memory_space<vmem>>
      tpu.wait_dma2 semaphore(%arg22 : memref<!tpu.dma_semaphore, #tpu.memory_space<semaphore_mem>>) src(%dma_wait3A_2473 : memref<128x128xf32, #tpu.memory_space<vmem>>) dst(%dma_wait3A_2469 : memref<128x128xf32, #tpu.memory_space<hbm>>)
      %add3A_2474 = arith.constant 4 : i32
      %add3A_2475 = arith.addi %add3A_2347, %add3A_2474 : i32
      %dma_start3A_2476 = arith.constant 4 : i32
      %dma_start3A_2477 = arith.constant 0 : i32
      %dma_start3A_2478 = arith.constant 0 : i32
      %dma_start3A_2479 = tpu.memref_slice %arg10[%dma_start3A_2476, %dma_start3A_2477, %dma_start3A_2478] : memref<7x128x128xf32, #tpu.memory_space<vmem>> -> memref<1x128x128xf32, #tpu.memory_space<vmem>>
      %dma_start3A_2480 = tpu.memref_squeeze %dma_start3A_2479 : memref<1x128x128xf32, #tpu.memory_space<vmem>> -> memref<128x128xf32, #tpu.memory_space<vmem>>
      %dma_start3A_2481 = arith.constant 0 : i32
      %dma_start3A_2482 = tpu.memref_slice %arg9[%add3A_2475, %dma_start3A_2481] : memref<48x128xi32, #tpu.memory_space<vmem>> -> memref<1x128xi32, #tpu.memory_space<vmem>>
      %dma_start3A_2483 = tpu.memref_squeeze %dma_start3A_2482 : memref<1x128xi32, #tpu.memory_space<vmem>> -> memref<128xi32, #tpu.memory_space<vmem>>
      %dma_start3A_2484 = arith.constant 0 : i32
      %dma_start3A_2485 = arith.constant 0 : i32
      %dma_start3A_2486 = tpu.memref_slice %arg5[%dma_start3A_2484, %dma_start3A_2485] : memref<100000x128xf32, #tpu.memory_space<hbm>> -> memref<100000x128xf32, #tpu.memory_space<hbm>>
      tpu.enqueue_indirect_dma source(%dma_start3A_2486 : memref<100000x128xf32, #tpu.memory_space<hbm>>) target(%dma_start3A_2480 : memref<128x128xf32, #tpu.memory_space<vmem>>) offsets(%dma_start3A_2483 : memref<128xi32, #tpu.memory_space<vmem>>) semaphore(%arg15 : memref<!tpu.dma_semaphore, #tpu.memory_space<semaphore_mem>>)
    }
    %scan3A_697 = arith.constant 5 : i32
    %dma_wait3A_698 = arith.constant 43 : i32
    %dma_wait3A_699 = arith.constant 1 : i32
    %dma_wait3A_700 = arith.constant 0 : i32
    %dma_wait3A_701 = arith.constant 0 : i32
    %dma_wait3A_702 = tpu.memref_slice %arg10[%dma_wait3A_699, %dma_wait3A_700, %dma_wait3A_701] : memref<7x128x128xf32, #tpu.memory_space<vmem>> -> memref<1x128x128xf32, #tpu.memory_space<vmem>>
    %dma_wait3A_703 = tpu.memref_squeeze %dma_wait3A_702 : memref<1x128x128xf32, #tpu.memory_space<vmem>> -> memref<128x128xf32, #tpu.memory_space<vmem>>
    %dma_wait3A_704 = arith.constant 0 : i32
    %dma_wait3A_705 = tpu.memref_slice %arg9[%dma_wait3A_698, %dma_wait3A_704] : memref<48x128xi32, #tpu.memory_space<vmem>> -> memref<1x128xi32, #tpu.memory_space<vmem>>
    %dma_wait3A_706 = tpu.memref_squeeze %dma_wait3A_705 : memref<1x128xi32, #tpu.memory_space<vmem>> -> memref<128xi32, #tpu.memory_space<vmem>>
    %dma_wait3A_707 = arith.constant 0 : i32
    %dma_wait3A_708 = arith.constant 0 : i32
    %dma_wait3A_709 = tpu.memref_slice %arg5[%dma_wait3A_707, %dma_wait3A_708] : memref<100000x128xf32, #tpu.memory_space<hbm>> -> memref<100000x128xf32, #tpu.memory_space<hbm>>
    tpu.wait_indirect_dma semaphore(%arg12 : memref<!tpu.dma_semaphore, #tpu.memory_space<semaphore_mem>>) src(%dma_wait3A_709 : memref<100000x128xf32, #tpu.memory_space<hbm>>) dst(%dma_wait3A_703 : memref<128x128xf32, #tpu.memory_space<vmem>>)
    %add3A_710 = arith.constant 4480 : i32
    %add3A_711 = arith.addi %mul3A_68, %add3A_710 : i32
    %jit3A_712 = arith.constant 16384 : i32
    %div3A_713 = arith.divsi %add3A_711, %jit3A_712 : i32
    %sign3A_714 = arith.constant 0 : i32
    %sign3A_715 = arith.cmpi sgt, %add3A_711, %sign3A_714 : i32
    %sign3A_716 = arith.extui %sign3A_715 : i1 to i32
    %sign3A_717 = arith.constant 0 : i32
    %sign3A_718 = arith.cmpi slt, %add3A_711, %sign3A_717 : i32
    %sign3A_719 = arith.extui %sign3A_718 : i1 to i32
    %sign3A_720 = arith.subi %sign3A_716, %sign3A_719 : i32
    %sign3A_721 = arith.constant 0 : i32
    %sign3A_722 = arith.cmpi sgt, %jit3A_712, %sign3A_721 : i32
    %sign3A_723 = arith.extui %sign3A_722 : i1 to i32
    %sign3A_724 = arith.constant 0 : i32
    %sign3A_725 = arith.cmpi slt, %jit3A_712, %sign3A_724 : i32
    %sign3A_726 = arith.extui %sign3A_725 : i1 to i32
    %sign3A_727 = arith.subi %sign3A_723, %sign3A_726 : i32
    %ne3A_728 = arith.cmpi ne, %sign3A_720, %sign3A_727 : i32
    %rem3A_729 = arith.remsi %add3A_711, %jit3A_712 : i32
    %ne3A_730 = arith.constant 0 : i32
    %ne3A_731 = arith.cmpi ne, %rem3A_729, %ne3A_730 : i32
    %and3A_732 = arith.andi %ne3A_728, %ne3A_731 : i1
    %sub3A_733 = arith.constant 1 : i32
    %sub3A_734 = arith.subi %div3A_713, %sub3A_733 : i32
    %select_n3A_735 = arith.select %and3A_732, %sub3A_734, %div3A_713 : i32
    %jit3A_736 = arith.constant 16384 : i32
    %eq3A_737 = arith.constant 0 : i32
    %eq3A_738 = arith.cmpi eq, %jit3A_736, %eq3A_737 : i32
    %jit3A_739 = arith.constant 1 : i32
    %select_n3A_740 = arith.select %eq3A_738, %jit3A_739, %jit3A_736 : i32
    %rem3A_741 = arith.remsi %add3A_711, %select_n3A_740 : i32
    %ne3A_742 = arith.constant 0 : i32
    %ne3A_743 = arith.cmpi ne, %rem3A_741, %ne3A_742 : i32
    %lt3A_744 = arith.constant 0 : i32
    %lt3A_745 = arith.cmpi slt, %rem3A_741, %lt3A_744 : i32
    %lt3A_746 = arith.constant 0 : i32
    %lt3A_747 = arith.cmpi slt, %select_n3A_740, %lt3A_746 : i32
    %ne3A_748 = arith.xori %lt3A_745, %lt3A_747 : i1
    %and3A_749 = arith.andi %ne3A_748, %ne3A_743 : i1
    %add3A_750 = arith.addi %rem3A_741, %select_n3A_740 : i32
    %select_n3A_751 = arith.select %and3A_749, %add3A_750, %rem3A_741 : i32
    %dma_start3A_752 = arith.constant 1 : i32
    %dma_start3A_753 = arith.constant 0 : i32
    %dma_start3A_754 = arith.constant 0 : i32
    %dma_start3A_755 = tpu.memref_slice %arg10[%dma_start3A_752, %dma_start3A_753, %dma_start3A_754] : memref<7x128x128xf32, #tpu.memory_space<vmem>> -> memref<1x128x128xf32, #tpu.memory_space<vmem>>
    %dma_start3A_756 = tpu.memref_squeeze %dma_start3A_755 : memref<1x128x128xf32, #tpu.memory_space<vmem>> -> memref<128x128xf32, #tpu.memory_space<vmem>>
    %dma_start3A_757 = arith.constant 0 : i32
    %dma_start3A_758 = tpu.memref_slice %arg8[%select_n3A_735, %select_n3A_751, %dma_start3A_757] : memref<10x16384x128xf32, #tpu.memory_space<hbm>> -> memref<1x128x128xf32, #tpu.memory_space<hbm>>
    %dma_start3A_759 = tpu.memref_squeeze %dma_start3A_758 : memref<1x128x128xf32, #tpu.memory_space<hbm>> -> memref<128x128xf32, #tpu.memory_space<hbm>>
    %dma_start3A_760 = arith.constant 0 : i32
    %dma_start3A_761 = tpu.memref_slice %arg8[%select_n3A_735, %select_n3A_751, %dma_start3A_760] : memref<10x16384x128xf32, #tpu.memory_space<hbm>> -> memref<1x128x128xf32, #tpu.memory_space<hbm>>
    %dma_start3A_762 = tpu.memref_squeeze %dma_start3A_761 : memref<1x128x128xf32, #tpu.memory_space<hbm>> -> memref<128x128xf32, #tpu.memory_space<hbm>>
    %dma_start3A_763 = arith.constant 0 : i32
    %dma_start3A_764 = arith.constant 0 : i32
    %dma_start3A_765 = tpu.memref_slice %arg10[%dma_start3A_752, %dma_start3A_763, %dma_start3A_764] : memref<7x128x128xf32, #tpu.memory_space<vmem>> -> memref<1x128x128xf32, #tpu.memory_space<vmem>>
    %dma_start3A_766 = tpu.memref_squeeze %dma_start3A_765 : memref<1x128x128xf32, #tpu.memory_space<vmem>> -> memref<128x128xf32, #tpu.memory_space<vmem>>
    tpu.enqueue_dma source(%dma_start3A_766 : memref<128x128xf32, #tpu.memory_space<vmem>>) target(%dma_start3A_762 : memref<128x128xf32, #tpu.memory_space<hbm>>) target_semaphore(%arg19 : memref<!tpu.dma_semaphore, #tpu.memory_space<semaphore_mem>>)
    %jit3A_767 = arith.constant 16384 : i32
    %div3A_768 = arith.divsi %mul3A_68, %jit3A_767 : i32
    %sign3A_769 = arith.constant 0 : i32
    %sign3A_770 = arith.cmpi sgt, %mul3A_68, %sign3A_769 : i32
    %sign3A_771 = arith.extui %sign3A_770 : i1 to i32
    %sign3A_772 = arith.constant 0 : i32
    %sign3A_773 = arith.cmpi slt, %mul3A_68, %sign3A_772 : i32
    %sign3A_774 = arith.extui %sign3A_773 : i1 to i32
    %sign3A_775 = arith.subi %sign3A_771, %sign3A_774 : i32
    %sign3A_776 = arith.constant 0 : i32
    %sign3A_777 = arith.cmpi sgt, %jit3A_767, %sign3A_776 : i32
    %sign3A_778 = arith.extui %sign3A_777 : i1 to i32
    %sign3A_779 = arith.constant 0 : i32
    %sign3A_780 = arith.cmpi slt, %jit3A_767, %sign3A_779 : i32
    %sign3A_781 = arith.extui %sign3A_780 : i1 to i32
    %sign3A_782 = arith.subi %sign3A_778, %sign3A_781 : i32
    %ne3A_783 = arith.cmpi ne, %sign3A_775, %sign3A_782 : i32
    %rem3A_784 = arith.remsi %mul3A_68, %jit3A_767 : i32
    %ne3A_785 = arith.constant 0 : i32
    %ne3A_786 = arith.cmpi ne, %rem3A_784, %ne3A_785 : i32
    %and3A_787 = arith.andi %ne3A_783, %ne3A_786 : i1
    %sub3A_788 = arith.constant 1 : i32
    %sub3A_789 = arith.subi %div3A_768, %sub3A_788 : i32
    %select_n3A_790 = arith.select %and3A_787, %sub3A_789, %div3A_768 : i32
    %jit3A_791 = arith.constant 16384 : i32
    %eq3A_792 = arith.constant 0 : i32
    %eq3A_793 = arith.cmpi eq, %jit3A_791, %eq3A_792 : i32
    %jit3A_794 = arith.constant 1 : i32
    %select_n3A_795 = arith.select %eq3A_793, %jit3A_794, %jit3A_791 : i32
    %rem3A_796 = arith.remsi %mul3A_68, %select_n3A_795 : i32
    %ne3A_797 = arith.constant 0 : i32
    %ne3A_798 = arith.cmpi ne, %rem3A_796, %ne3A_797 : i32
    %lt3A_799 = arith.constant 0 : i32
    %lt3A_800 = arith.cmpi slt, %rem3A_796, %lt3A_799 : i32
    %lt3A_801 = arith.constant 0 : i32
    %lt3A_802 = arith.cmpi slt, %select_n3A_795, %lt3A_801 : i32
    %ne3A_803 = arith.xori %lt3A_800, %lt3A_802 : i1
    %and3A_804 = arith.andi %ne3A_803, %ne3A_798 : i1
    %add3A_805 = arith.addi %rem3A_796, %select_n3A_795 : i32
    %select_n3A_806 = arith.select %and3A_804, %add3A_805, %rem3A_796 : i32
    %dma_wait3A_807 = arith.constant 5 : i32
    %dma_wait3A_808 = arith.constant 0 : i32
    %dma_wait3A_809 = arith.constant 0 : i32
    %dma_wait3A_810 = tpu.memref_slice %arg10[%dma_wait3A_807, %dma_wait3A_808, %dma_wait3A_809] : memref<7x128x128xf32, #tpu.memory_space<vmem>> -> memref<1x128x128xf32, #tpu.memory_space<vmem>>
    %dma_wait3A_811 = tpu.memref_squeeze %dma_wait3A_810 : memref<1x128x128xf32, #tpu.memory_space<vmem>> -> memref<128x128xf32, #tpu.memory_space<vmem>>
    %dma_wait3A_812 = arith.constant 0 : i32
    %dma_wait3A_813 = tpu.memref_slice %arg8[%select_n3A_790, %select_n3A_806, %dma_wait3A_812] : memref<10x16384x128xf32, #tpu.memory_space<hbm>> -> memref<1x128x128xf32, #tpu.memory_space<hbm>>
    %dma_wait3A_814 = tpu.memref_squeeze %dma_wait3A_813 : memref<1x128x128xf32, #tpu.memory_space<hbm>> -> memref<128x128xf32, #tpu.memory_space<hbm>>
    %dma_wait3A_815 = arith.constant 0 : i32
    %dma_wait3A_816 = tpu.memref_slice %arg8[%select_n3A_790, %select_n3A_806, %dma_wait3A_815] : memref<10x16384x128xf32, #tpu.memory_space<hbm>> -> memref<1x128x128xf32, #tpu.memory_space<hbm>>
    %dma_wait3A_817 = tpu.memref_squeeze %dma_wait3A_816 : memref<1x128x128xf32, #tpu.memory_space<hbm>> -> memref<128x128xf32, #tpu.memory_space<hbm>>
    %dma_wait3A_818 = arith.constant 0 : i32
    %dma_wait3A_819 = arith.constant 0 : i32
    %dma_wait3A_820 = tpu.memref_slice %arg10[%dma_wait3A_807, %dma_wait3A_818, %dma_wait3A_819] : memref<7x128x128xf32, #tpu.memory_space<vmem>> -> memref<1x128x128xf32, #tpu.memory_space<vmem>>
    %dma_wait3A_821 = tpu.memref_squeeze %dma_wait3A_820 : memref<1x128x128xf32, #tpu.memory_space<vmem>> -> memref<128x128xf32, #tpu.memory_space<vmem>>
    tpu.wait_dma2 semaphore(%arg23 : memref<!tpu.dma_semaphore, #tpu.memory_space<semaphore_mem>>) src(%dma_wait3A_821 : memref<128x128xf32, #tpu.memory_space<vmem>>) dst(%dma_wait3A_817 : memref<128x128xf32, #tpu.memory_space<hbm>>)
    %dma_start3A_822 = arith.constant 47 : i32
    %dma_start3A_823 = arith.constant 5 : i32
    %dma_start3A_824 = arith.constant 0 : i32
    %dma_start3A_825 = arith.constant 0 : i32
    %dma_start3A_826 = tpu.memref_slice %arg10[%dma_start3A_823, %dma_start3A_824, %dma_start3A_825] : memref<7x128x128xf32, #tpu.memory_space<vmem>> -> memref<1x128x128xf32, #tpu.memory_space<vmem>>
    %dma_start3A_827 = tpu.memref_squeeze %dma_start3A_826 : memref<1x128x128xf32, #tpu.memory_space<vmem>> -> memref<128x128xf32, #tpu.memory_space<vmem>>
    %dma_start3A_828 = arith.constant 0 : i32
    %dma_start3A_829 = tpu.memref_slice %arg9[%dma_start3A_822, %dma_start3A_828] : memref<48x128xi32, #tpu.memory_space<vmem>> -> memref<1x128xi32, #tpu.memory_space<vmem>>
    %dma_start3A_830 = tpu.memref_squeeze %dma_start3A_829 : memref<1x128xi32, #tpu.memory_space<vmem>> -> memref<128xi32, #tpu.memory_space<vmem>>
    %dma_start3A_831 = arith.constant 0 : i32
    %dma_start3A_832 = arith.constant 0 : i32
    %dma_start3A_833 = tpu.memref_slice %arg5[%dma_start3A_831, %dma_start3A_832] : memref<100000x128xf32, #tpu.memory_space<hbm>> -> memref<100000x128xf32, #tpu.memory_space<hbm>>
    tpu.enqueue_indirect_dma source(%dma_start3A_833 : memref<100000x128xf32, #tpu.memory_space<hbm>>) target(%dma_start3A_827 : memref<128x128xf32, #tpu.memory_space<vmem>>) offsets(%dma_start3A_830 : memref<128xi32, #tpu.memory_space<vmem>>) semaphore(%arg16 : memref<!tpu.dma_semaphore, #tpu.memory_space<semaphore_mem>>)
    %dma_wait3A_834 = arith.constant 44 : i32
    %dma_wait3A_835 = arith.constant 2 : i32
    %dma_wait3A_836 = arith.constant 0 : i32
    %dma_wait3A_837 = arith.constant 0 : i32
    %dma_wait3A_838 = tpu.memref_slice %arg10[%dma_wait3A_835, %dma_wait3A_836, %dma_wait3A_837] : memref<7x128x128xf32, #tpu.memory_space<vmem>> -> memref<1x128x128xf32, #tpu.memory_space<vmem>>
    %dma_wait3A_839 = tpu.memref_squeeze %dma_wait3A_838 : memref<1x128x128xf32, #tpu.memory_space<vmem>> -> memref<128x128xf32, #tpu.memory_space<vmem>>
    %dma_wait3A_840 = arith.constant 0 : i32
    %dma_wait3A_841 = tpu.memref_slice %arg9[%dma_wait3A_834, %dma_wait3A_840] : memref<48x128xi32, #tpu.memory_space<vmem>> -> memref<1x128xi32, #tpu.memory_space<vmem>>
    %dma_wait3A_842 = tpu.memref_squeeze %dma_wait3A_841 : memref<1x128xi32, #tpu.memory_space<vmem>> -> memref<128xi32, #tpu.memory_space<vmem>>
    %dma_wait3A_843 = arith.constant 0 : i32
    %dma_wait3A_844 = arith.constant 0 : i32
    %dma_wait3A_845 = tpu.memref_slice %arg5[%dma_wait3A_843, %dma_wait3A_844] : memref<100000x128xf32, #tpu.memory_space<hbm>> -> memref<100000x128xf32, #tpu.memory_space<hbm>>
    tpu.wait_indirect_dma semaphore(%arg13 : memref<!tpu.dma_semaphore, #tpu.memory_space<semaphore_mem>>) src(%dma_wait3A_845 : memref<100000x128xf32, #tpu.memory_space<hbm>>) dst(%dma_wait3A_839 : memref<128x128xf32, #tpu.memory_space<vmem>>)
    %add3A_846 = arith.constant 4608 : i32
    %add3A_847 = arith.addi %mul3A_68, %add3A_846 : i32
    %jit3A_848 = arith.constant 16384 : i32
    %div3A_849 = arith.divsi %add3A_847, %jit3A_848 : i32
    %sign3A_850 = arith.constant 0 : i32
    %sign3A_851 = arith.cmpi sgt, %add3A_847, %sign3A_850 : i32
    %sign3A_852 = arith.extui %sign3A_851 : i1 to i32
    %sign3A_853 = arith.constant 0 : i32
    %sign3A_854 = arith.cmpi slt, %add3A_847, %sign3A_853 : i32
    %sign3A_855 = arith.extui %sign3A_854 : i1 to i32
    %sign3A_856 = arith.subi %sign3A_852, %sign3A_855 : i32
    %sign3A_857 = arith.constant 0 : i32
    %sign3A_858 = arith.cmpi sgt, %jit3A_848, %sign3A_857 : i32
    %sign3A_859 = arith.extui %sign3A_858 : i1 to i32
    %sign3A_860 = arith.constant 0 : i32
    %sign3A_861 = arith.cmpi slt, %jit3A_848, %sign3A_860 : i32
    %sign3A_862 = arith.extui %sign3A_861 : i1 to i32
    %sign3A_863 = arith.subi %sign3A_859, %sign3A_862 : i32
    %ne3A_864 = arith.cmpi ne, %sign3A_856, %sign3A_863 : i32
    %rem3A_865 = arith.remsi %add3A_847, %jit3A_848 : i32
    %ne3A_866 = arith.constant 0 : i32
    %ne3A_867 = arith.cmpi ne, %rem3A_865, %ne3A_866 : i32
    %and3A_868 = arith.andi %ne3A_864, %ne3A_867 : i1
    %sub3A_869 = arith.constant 1 : i32
    %sub3A_870 = arith.subi %div3A_849, %sub3A_869 : i32
    %select_n3A_871 = arith.select %and3A_868, %sub3A_870, %div3A_849 : i32
    %jit3A_872 = arith.constant 16384 : i32
    %eq3A_873 = arith.constant 0 : i32
    %eq3A_874 = arith.cmpi eq, %jit3A_872, %eq3A_873 : i32
    %jit3A_875 = arith.constant 1 : i32
    %select_n3A_876 = arith.select %eq3A_874, %jit3A_875, %jit3A_872 : i32
    %rem3A_877 = arith.remsi %add3A_847, %select_n3A_876 : i32
    %ne3A_878 = arith.constant 0 : i32
    %ne3A_879 = arith.cmpi ne, %rem3A_877, %ne3A_878 : i32
    %lt3A_880 = arith.constant 0 : i32
    %lt3A_881 = arith.cmpi slt, %rem3A_877, %lt3A_880 : i32
    %lt3A_882 = arith.constant 0 : i32
    %lt3A_883 = arith.cmpi slt, %select_n3A_876, %lt3A_882 : i32
    %ne3A_884 = arith.xori %lt3A_881, %lt3A_883 : i1
    %and3A_885 = arith.andi %ne3A_884, %ne3A_879 : i1
    %add3A_886 = arith.addi %rem3A_877, %select_n3A_876 : i32
    %select_n3A_887 = arith.select %and3A_885, %add3A_886, %rem3A_877 : i32
    %dma_start3A_888 = arith.constant 2 : i32
    %dma_start3A_889 = arith.constant 0 : i32
    %dma_start3A_890 = arith.constant 0 : i32
    %dma_start3A_891 = tpu.memref_slice %arg10[%dma_start3A_888, %dma_start3A_889, %dma_start3A_890] : memref<7x128x128xf32, #tpu.memory_space<vmem>> -> memref<1x128x128xf32, #tpu.memory_space<vmem>>
    %dma_start3A_892 = tpu.memref_squeeze %dma_start3A_891 : memref<1x128x128xf32, #tpu.memory_space<vmem>> -> memref<128x128xf32, #tpu.memory_space<vmem>>
    %dma_start3A_893 = arith.constant 0 : i32
    %dma_start3A_894 = tpu.memref_slice %arg8[%select_n3A_871, %select_n3A_887, %dma_start3A_893] : memref<10x16384x128xf32, #tpu.memory_space<hbm>> -> memref<1x128x128xf32, #tpu.memory_space<hbm>>
    %dma_start3A_895 = tpu.memref_squeeze %dma_start3A_894 : memref<1x128x128xf32, #tpu.memory_space<hbm>> -> memref<128x128xf32, #tpu.memory_space<hbm>>
    %dma_start3A_896 = arith.constant 0 : i32
    %dma_start3A_897 = tpu.memref_slice %arg8[%select_n3A_871, %select_n3A_887, %dma_start3A_896] : memref<10x16384x128xf32, #tpu.memory_space<hbm>> -> memref<1x128x128xf32, #tpu.memory_space<hbm>>
    %dma_start3A_898 = tpu.memref_squeeze %dma_start3A_897 : memref<1x128x128xf32, #tpu.memory_space<hbm>> -> memref<128x128xf32, #tpu.memory_space<hbm>>
    %dma_start3A_899 = arith.constant 0 : i32
    %dma_start3A_900 = arith.constant 0 : i32
    %dma_start3A_901 = tpu.memref_slice %arg10[%dma_start3A_888, %dma_start3A_899, %dma_start3A_900] : memref<7x128x128xf32, #tpu.memory_space<vmem>> -> memref<1x128x128xf32, #tpu.memory_space<vmem>>
    %dma_start3A_902 = tpu.memref_squeeze %dma_start3A_901 : memref<1x128x128xf32, #tpu.memory_space<vmem>> -> memref<128x128xf32, #tpu.memory_space<vmem>>
    tpu.enqueue_dma source(%dma_start3A_902 : memref<128x128xf32, #tpu.memory_space<vmem>>) target(%dma_start3A_898 : memref<128x128xf32, #tpu.memory_space<hbm>>) target_semaphore(%arg20 : memref<!tpu.dma_semaphore, #tpu.memory_space<semaphore_mem>>)
    %dma_wait3A_903 = arith.constant 45 : i32
    %dma_wait3A_904 = arith.constant 3 : i32
    %dma_wait3A_905 = arith.constant 0 : i32
    %dma_wait3A_906 = arith.constant 0 : i32
    %dma_wait3A_907 = tpu.memref_slice %arg10[%dma_wait3A_904, %dma_wait3A_905, %dma_wait3A_906] : memref<7x128x128xf32, #tpu.memory_space<vmem>> -> memref<1x128x128xf32, #tpu.memory_space<vmem>>
    %dma_wait3A_908 = tpu.memref_squeeze %dma_wait3A_907 : memref<1x128x128xf32, #tpu.memory_space<vmem>> -> memref<128x128xf32, #tpu.memory_space<vmem>>
    %dma_wait3A_909 = arith.constant 0 : i32
    %dma_wait3A_910 = tpu.memref_slice %arg9[%dma_wait3A_903, %dma_wait3A_909] : memref<48x128xi32, #tpu.memory_space<vmem>> -> memref<1x128xi32, #tpu.memory_space<vmem>>
    %dma_wait3A_911 = tpu.memref_squeeze %dma_wait3A_910 : memref<1x128xi32, #tpu.memory_space<vmem>> -> memref<128xi32, #tpu.memory_space<vmem>>
    %dma_wait3A_912 = arith.constant 0 : i32
    %dma_wait3A_913 = arith.constant 0 : i32
    %dma_wait3A_914 = tpu.memref_slice %arg5[%dma_wait3A_912, %dma_wait3A_913] : memref<100000x128xf32, #tpu.memory_space<hbm>> -> memref<100000x128xf32, #tpu.memory_space<hbm>>
    tpu.wait_indirect_dma semaphore(%arg14 : memref<!tpu.dma_semaphore, #tpu.memory_space<semaphore_mem>>) src(%dma_wait3A_914 : memref<100000x128xf32, #tpu.memory_space<hbm>>) dst(%dma_wait3A_908 : memref<128x128xf32, #tpu.memory_space<vmem>>)
    %add3A_915 = arith.constant 4736 : i32
    %add3A_916 = arith.addi %mul3A_68, %add3A_915 : i32
    %jit3A_917 = arith.constant 16384 : i32
    %div3A_918 = arith.divsi %add3A_916, %jit3A_917 : i32
    %sign3A_919 = arith.constant 0 : i32
    %sign3A_920 = arith.cmpi sgt, %add3A_916, %sign3A_919 : i32
    %sign3A_921 = arith.extui %sign3A_920 : i1 to i32
    %sign3A_922 = arith.constant 0 : i32
    %sign3A_923 = arith.cmpi slt, %add3A_916, %sign3A_922 : i32
    %sign3A_924 = arith.extui %sign3A_923 : i1 to i32
    %sign3A_925 = arith.subi %sign3A_921, %sign3A_924 : i32
    %sign3A_926 = arith.constant 0 : i32
    %sign3A_927 = arith.cmpi sgt, %jit3A_917, %sign3A_926 : i32
    %sign3A_928 = arith.extui %sign3A_927 : i1 to i32
    %sign3A_929 = arith.constant 0 : i32
    %sign3A_930 = arith.cmpi slt, %jit3A_917, %sign3A_929 : i32
    %sign3A_931 = arith.extui %sign3A_930 : i1 to i32
    %sign3A_932 = arith.subi %sign3A_928, %sign3A_931 : i32
    %ne3A_933 = arith.cmpi ne, %sign3A_925, %sign3A_932 : i32
    %rem3A_934 = arith.remsi %add3A_916, %jit3A_917 : i32
    %ne3A_935 = arith.constant 0 : i32
    %ne3A_936 = arith.cmpi ne, %rem3A_934, %ne3A_935 : i32
    %and3A_937 = arith.andi %ne3A_933, %ne3A_936 : i1
    %sub3A_938 = arith.constant 1 : i32
    %sub3A_939 = arith.subi %div3A_918, %sub3A_938 : i32
    %select_n3A_940 = arith.select %and3A_937, %sub3A_939, %div3A_918 : i32
    %jit3A_941 = arith.constant 16384 : i32
    %eq3A_942 = arith.constant 0 : i32
    %eq3A_943 = arith.cmpi eq, %jit3A_941, %eq3A_942 : i32
    %jit3A_944 = arith.constant 1 : i32
    %select_n3A_945 = arith.select %eq3A_943, %jit3A_944, %jit3A_941 : i32
    %rem3A_946 = arith.remsi %add3A_916, %select_n3A_945 : i32
    %ne3A_947 = arith.constant 0 : i32
    %ne3A_948 = arith.cmpi ne, %rem3A_946, %ne3A_947 : i32
    %lt3A_949 = arith.constant 0 : i32
    %lt3A_950 = arith.cmpi slt, %rem3A_946, %lt3A_949 : i32
    %lt3A_951 = arith.constant 0 : i32
    %lt3A_952 = arith.cmpi slt, %select_n3A_945, %lt3A_951 : i32
    %ne3A_953 = arith.xori %lt3A_950, %lt3A_952 : i1
    %and3A_954 = arith.andi %ne3A_953, %ne3A_948 : i1
    %add3A_955 = arith.addi %rem3A_946, %select_n3A_945 : i32
    %select_n3A_956 = arith.select %and3A_954, %add3A_955, %rem3A_946 : i32
    %dma_start3A_957 = arith.constant 3 : i32
    %dma_start3A_958 = arith.constant 0 : i32
    %dma_start3A_959 = arith.constant 0 : i32
    %dma_start3A_960 = tpu.memref_slice %arg10[%dma_start3A_957, %dma_start3A_958, %dma_start3A_959] : memref<7x128x128xf32, #tpu.memory_space<vmem>> -> memref<1x128x128xf32, #tpu.memory_space<vmem>>
    %dma_start3A_961 = tpu.memref_squeeze %dma_start3A_960 : memref<1x128x128xf32, #tpu.memory_space<vmem>> -> memref<128x128xf32, #tpu.memory_space<vmem>>
    %dma_start3A_962 = arith.constant 0 : i32
    %dma_start3A_963 = tpu.memref_slice %arg8[%select_n3A_940, %select_n3A_956, %dma_start3A_962] : memref<10x16384x128xf32, #tpu.memory_space<hbm>> -> memref<1x128x128xf32, #tpu.memory_space<hbm>>
    %dma_start3A_964 = tpu.memref_squeeze %dma_start3A_963 : memref<1x128x128xf32, #tpu.memory_space<hbm>> -> memref<128x128xf32, #tpu.memory_space<hbm>>
    %dma_start3A_965 = arith.constant 0 : i32
    %dma_start3A_966 = tpu.memref_slice %arg8[%select_n3A_940, %select_n3A_956, %dma_start3A_965] : memref<10x16384x128xf32, #tpu.memory_space<hbm>> -> memref<1x128x128xf32, #tpu.memory_space<hbm>>
    %dma_start3A_967 = tpu.memref_squeeze %dma_start3A_966 : memref<1x128x128xf32, #tpu.memory_space<hbm>> -> memref<128x128xf32, #tpu.memory_space<hbm>>
    %dma_start3A_968 = arith.constant 0 : i32
    %dma_start3A_969 = arith.constant 0 : i32
    %dma_start3A_970 = tpu.memref_slice %arg10[%dma_start3A_957, %dma_start3A_968, %dma_start3A_969] : memref<7x128x128xf32, #tpu.memory_space<vmem>> -> memref<1x128x128xf32, #tpu.memory_space<vmem>>
    %dma_start3A_971 = tpu.memref_squeeze %dma_start3A_970 : memref<1x128x128xf32, #tpu.memory_space<vmem>> -> memref<128x128xf32, #tpu.memory_space<vmem>>
    tpu.enqueue_dma source(%dma_start3A_971 : memref<128x128xf32, #tpu.memory_space<vmem>>) target(%dma_start3A_967 : memref<128x128xf32, #tpu.memory_space<hbm>>) target_semaphore(%arg21 : memref<!tpu.dma_semaphore, #tpu.memory_space<semaphore_mem>>)
    %dma_wait3A_972 = arith.constant 46 : i32
    %dma_wait3A_973 = arith.constant 4 : i32
    %dma_wait3A_974 = arith.constant 0 : i32
    %dma_wait3A_975 = arith.constant 0 : i32
    %dma_wait3A_976 = tpu.memref_slice %arg10[%dma_wait3A_973, %dma_wait3A_974, %dma_wait3A_975] : memref<7x128x128xf32, #tpu.memory_space<vmem>> -> memref<1x128x128xf32, #tpu.memory_space<vmem>>
    %dma_wait3A_977 = tpu.memref_squeeze %dma_wait3A_976 : memref<1x128x128xf32, #tpu.memory_space<vmem>> -> memref<128x128xf32, #tpu.memory_space<vmem>>
    %dma_wait3A_978 = arith.constant 0 : i32
    %dma_wait3A_979 = tpu.memref_slice %arg9[%dma_wait3A_972, %dma_wait3A_978] : memref<48x128xi32, #tpu.memory_space<vmem>> -> memref<1x128xi32, #tpu.memory_space<vmem>>
    %dma_wait3A_980 = tpu.memref_squeeze %dma_wait3A_979 : memref<1x128xi32, #tpu.memory_space<vmem>> -> memref<128xi32, #tpu.memory_space<vmem>>
    %dma_wait3A_981 = arith.constant 0 : i32
    %dma_wait3A_982 = arith.constant 0 : i32
    %dma_wait3A_983 = tpu.memref_slice %arg5[%dma_wait3A_981, %dma_wait3A_982] : memref<100000x128xf32, #tpu.memory_space<hbm>> -> memref<100000x128xf32, #tpu.memory_space<hbm>>
    tpu.wait_indirect_dma semaphore(%arg15 : memref<!tpu.dma_semaphore, #tpu.memory_space<semaphore_mem>>) src(%dma_wait3A_983 : memref<100000x128xf32, #tpu.memory_space<hbm>>) dst(%dma_wait3A_977 : memref<128x128xf32, #tpu.memory_space<vmem>>)
    %add3A_984 = arith.constant 4864 : i32
    %add3A_985 = arith.addi %mul3A_68, %add3A_984 : i32
    %jit3A_986 = arith.constant 16384 : i32
    %div3A_987 = arith.divsi %add3A_985, %jit3A_986 : i32
    %sign3A_988 = arith.constant 0 : i32
    %sign3A_989 = arith.cmpi sgt, %add3A_985, %sign3A_988 : i32
    %sign3A_990 = arith.extui %sign3A_989 : i1 to i32
    %sign3A_991 = arith.constant 0 : i32
    %sign3A_992 = arith.cmpi slt, %add3A_985, %sign3A_991 : i32
    %sign3A_993 = arith.extui %sign3A_992 : i1 to i32
    %sign3A_994 = arith.subi %sign3A_990, %sign3A_993 : i32
    %sign3A_995 = arith.constant 0 : i32
    %sign3A_996 = arith.cmpi sgt, %jit3A_986, %sign3A_995 : i32
    %sign3A_997 = arith.extui %sign3A_996 : i1 to i32
    %sign3A_998 = arith.constant 0 : i32
    %sign3A_999 = arith.cmpi slt, %jit3A_986, %sign3A_998 : i32
    %sign3A_1000 = arith.extui %sign3A_999 : i1 to i32
    %sign3A_1001 = arith.subi %sign3A_997, %sign3A_1000 : i32
    %ne3A_1002 = arith.cmpi ne, %sign3A_994, %sign3A_1001 : i32
    %rem3A_1003 = arith.remsi %add3A_985, %jit3A_986 : i32
    %ne3A_1004 = arith.constant 0 : i32
    %ne3A_1005 = arith.cmpi ne, %rem3A_1003, %ne3A_1004 : i32
    %and3A_1006 = arith.andi %ne3A_1002, %ne3A_1005 : i1
    %sub3A_1007 = arith.constant 1 : i32
    %sub3A_1008 = arith.subi %div3A_987, %sub3A_1007 : i32
    %select_n3A_1009 = arith.select %and3A_1006, %sub3A_1008, %div3A_987 : i32
    %jit3A_1010 = arith.constant 16384 : i32
    %eq3A_1011 = arith.constant 0 : i32
    %eq3A_1012 = arith.cmpi eq, %jit3A_1010, %eq3A_1011 : i32
    %jit3A_1013 = arith.constant 1 : i32
    %select_n3A_1014 = arith.select %eq3A_1012, %jit3A_1013, %jit3A_1010 : i32
    %rem3A_1015 = arith.remsi %add3A_985, %select_n3A_1014 : i32
    %ne3A_1016 = arith.constant 0 : i32
    %ne3A_1017 = arith.cmpi ne, %rem3A_1015, %ne3A_1016 : i32
    %lt3A_1018 = arith.constant 0 : i32
    %lt3A_1019 = arith.cmpi slt, %rem3A_1015, %lt3A_1018 : i32
    %lt3A_1020 = arith.constant 0 : i32
    %lt3A_1021 = arith.cmpi slt, %select_n3A_1014, %lt3A_1020 : i32
    %ne3A_1022 = arith.xori %lt3A_1019, %lt3A_1021 : i1
    %and3A_1023 = arith.andi %ne3A_1022, %ne3A_1017 : i1
    %add3A_1024 = arith.addi %rem3A_1015, %select_n3A_1014 : i32
    %select_n3A_1025 = arith.select %and3A_1023, %add3A_1024, %rem3A_1015 : i32
    %dma_start3A_1026 = arith.constant 4 : i32
    %dma_start3A_1027 = arith.constant 0 : i32
    %dma_start3A_1028 = arith.constant 0 : i32
    %dma_start3A_1029 = tpu.memref_slice %arg10[%dma_start3A_1026, %dma_start3A_1027, %dma_start3A_1028] : memref<7x128x128xf32, #tpu.memory_space<vmem>> -> memref<1x128x128xf32, #tpu.memory_space<vmem>>
    %dma_start3A_1030 = tpu.memref_squeeze %dma_start3A_1029 : memref<1x128x128xf32, #tpu.memory_space<vmem>> -> memref<128x128xf32, #tpu.memory_space<vmem>>
    %dma_start3A_1031 = arith.constant 0 : i32
    %dma_start3A_1032 = tpu.memref_slice %arg8[%select_n3A_1009, %select_n3A_1025, %dma_start3A_1031] : memref<10x16384x128xf32, #tpu.memory_space<hbm>> -> memref<1x128x128xf32, #tpu.memory_space<hbm>>
    %dma_start3A_1033 = tpu.memref_squeeze %dma_start3A_1032 : memref<1x128x128xf32, #tpu.memory_space<hbm>> -> memref<128x128xf32, #tpu.memory_space<hbm>>
    %dma_start3A_1034 = arith.constant 0 : i32
    %dma_start3A_1035 = tpu.memref_slice %arg8[%select_n3A_1009, %select_n3A_1025, %dma_start3A_1034] : memref<10x16384x128xf32, #tpu.memory_space<hbm>> -> memref<1x128x128xf32, #tpu.memory_space<hbm>>
    %dma_start3A_1036 = tpu.memref_squeeze %dma_start3A_1035 : memref<1x128x128xf32, #tpu.memory_space<hbm>> -> memref<128x128xf32, #tpu.memory_space<hbm>>
    %dma_start3A_1037 = arith.constant 0 : i32
    %dma_start3A_1038 = arith.constant 0 : i32
    %dma_start3A_1039 = tpu.memref_slice %arg10[%dma_start3A_1026, %dma_start3A_1037, %dma_start3A_1038] : memref<7x128x128xf32, #tpu.memory_space<vmem>> -> memref<1x128x128xf32, #tpu.memory_space<vmem>>
    %dma_start3A_1040 = tpu.memref_squeeze %dma_start3A_1039 : memref<1x128x128xf32, #tpu.memory_space<vmem>> -> memref<128x128xf32, #tpu.memory_space<vmem>>
    tpu.enqueue_dma source(%dma_start3A_1040 : memref<128x128xf32, #tpu.memory_space<vmem>>) target(%dma_start3A_1036 : memref<128x128xf32, #tpu.memory_space<hbm>>) target_semaphore(%arg22 : memref<!tpu.dma_semaphore, #tpu.memory_space<semaphore_mem>>)
    %dma_wait3A_1041 = arith.constant 47 : i32
    %dma_wait3A_1042 = arith.constant 5 : i32
    %dma_wait3A_1043 = arith.constant 0 : i32
    %dma_wait3A_1044 = arith.constant 0 : i32
    %dma_wait3A_1045 = tpu.memref_slice %arg10[%dma_wait3A_1042, %dma_wait3A_1043, %dma_wait3A_1044] : memref<7x128x128xf32, #tpu.memory_space<vmem>> -> memref<1x128x128xf32, #tpu.memory_space<vmem>>
    %dma_wait3A_1046 = tpu.memref_squeeze %dma_wait3A_1045 : memref<1x128x128xf32, #tpu.memory_space<vmem>> -> memref<128x128xf32, #tpu.memory_space<vmem>>
    %dma_wait3A_1047 = arith.constant 0 : i32
    %dma_wait3A_1048 = tpu.memref_slice %arg9[%dma_wait3A_1041, %dma_wait3A_1047] : memref<48x128xi32, #tpu.memory_space<vmem>> -> memref<1x128xi32, #tpu.memory_space<vmem>>
    %dma_wait3A_1049 = tpu.memref_squeeze %dma_wait3A_1048 : memref<1x128xi32, #tpu.memory_space<vmem>> -> memref<128xi32, #tpu.memory_space<vmem>>
    %dma_wait3A_1050 = arith.constant 0 : i32
    %dma_wait3A_1051 = arith.constant 0 : i32
    %dma_wait3A_1052 = tpu.memref_slice %arg5[%dma_wait3A_1050, %dma_wait3A_1051] : memref<100000x128xf32, #tpu.memory_space<hbm>> -> memref<100000x128xf32, #tpu.memory_space<hbm>>
    tpu.wait_indirect_dma semaphore(%arg16 : memref<!tpu.dma_semaphore, #tpu.memory_space<semaphore_mem>>) src(%dma_wait3A_1052 : memref<100000x128xf32, #tpu.memory_space<hbm>>) dst(%dma_wait3A_1046 : memref<128x128xf32, #tpu.memory_space<vmem>>)
    %add3A_1053 = arith.constant 4992 : i32
    %add3A_1054 = arith.addi %mul3A_68, %add3A_1053 : i32
    %jit3A_1055 = arith.constant 16384 : i32
    %div3A_1056 = arith.divsi %add3A_1054, %jit3A_1055 : i32
    %sign3A_1057 = arith.constant 0 : i32
    %sign3A_1058 = arith.cmpi sgt, %add3A_1054, %sign3A_1057 : i32
    %sign3A_1059 = arith.extui %sign3A_1058 : i1 to i32
    %sign3A_1060 = arith.constant 0 : i32
    %sign3A_1061 = arith.cmpi slt, %add3A_1054, %sign3A_1060 : i32
    %sign3A_1062 = arith.extui %sign3A_1061 : i1 to i32
    %sign3A_1063 = arith.subi %sign3A_1059, %sign3A_1062 : i32
    %sign3A_1064 = arith.constant 0 : i32
    %sign3A_1065 = arith.cmpi sgt, %jit3A_1055, %sign3A_1064 : i32
    %sign3A_1066 = arith.extui %sign3A_1065 : i1 to i32
    %sign3A_1067 = arith.constant 0 : i32
    %sign3A_1068 = arith.cmpi slt, %jit3A_1055, %sign3A_1067 : i32
    %sign3A_1069 = arith.extui %sign3A_1068 : i1 to i32
    %sign3A_1070 = arith.subi %sign3A_1066, %sign3A_1069 : i32
    %ne3A_1071 = arith.cmpi ne, %sign3A_1063, %sign3A_1070 : i32
    %rem3A_1072 = arith.remsi %add3A_1054, %jit3A_1055 : i32
    %ne3A_1073 = arith.constant 0 : i32
    %ne3A_1074 = arith.cmpi ne, %rem3A_1072, %ne3A_1073 : i32
    %and3A_1075 = arith.andi %ne3A_1071, %ne3A_1074 : i1
    %sub3A_1076 = arith.constant 1 : i32
    %sub3A_1077 = arith.subi %div3A_1056, %sub3A_1076 : i32
    %select_n3A_1078 = arith.select %and3A_1075, %sub3A_1077, %div3A_1056 : i32
    %jit3A_1079 = arith.constant 16384 : i32
    %eq3A_1080 = arith.constant 0 : i32
    %eq3A_1081 = arith.cmpi eq, %jit3A_1079, %eq3A_1080 : i32
    %jit3A_1082 = arith.constant 1 : i32
    %select_n3A_1083 = arith.select %eq3A_1081, %jit3A_1082, %jit3A_1079 : i32
    %rem3A_1084 = arith.remsi %add3A_1054, %select_n3A_1083 : i32
    %ne3A_1085 = arith.constant 0 : i32
    %ne3A_1086 = arith.cmpi ne, %rem3A_1084, %ne3A_1085 : i32
    %lt3A_1087 = arith.constant 0 : i32
    %lt3A_1088 = arith.cmpi slt, %rem3A_1084, %lt3A_1087 : i32
    %lt3A_1089 = arith.constant 0 : i32
    %lt3A_1090 = arith.cmpi slt, %select_n3A_1083, %lt3A_1089 : i32
    %ne3A_1091 = arith.xori %lt3A_1088, %lt3A_1090 : i1
    %and3A_1092 = arith.andi %ne3A_1091, %ne3A_1086 : i1
    %add3A_1093 = arith.addi %rem3A_1084, %select_n3A_1083 : i32
    %select_n3A_1094 = arith.select %and3A_1092, %add3A_1093, %rem3A_1084 : i32
    %dma_start3A_1095 = arith.constant 5 : i32
    %dma_start3A_1096 = arith.constant 0 : i32
    %dma_start3A_1097 = arith.constant 0 : i32
    %dma_start3A_1098 = tpu.memref_slice %arg10[%dma_start3A_1095, %dma_start3A_1096, %dma_start3A_1097] : memref<7x128x128xf32, #tpu.memory_space<vmem>> -> memref<1x128x128xf32, #tpu.memory_space<vmem>>
    %dma_start3A_1099 = tpu.memref_squeeze %dma_start3A_1098 : memref<1x128x128xf32, #tpu.memory_space<vmem>> -> memref<128x128xf32, #tpu.memory_space<vmem>>
    %dma_start3A_1100 = arith.constant 0 : i32
    %dma_start3A_1101 = tpu.memref_slice %arg8[%select_n3A_1078, %select_n3A_1094, %dma_start3A_1100] : memref<10x16384x128xf32, #tpu.memory_space<hbm>> -> memref<1x128x128xf32, #tpu.memory_space<hbm>>
    %dma_start3A_1102 = tpu.memref_squeeze %dma_start3A_1101 : memref<1x128x128xf32, #tpu.memory_space<hbm>> -> memref<128x128xf32, #tpu.memory_space<hbm>>
    %dma_start3A_1103 = arith.constant 0 : i32
    %dma_start3A_1104 = tpu.memref_slice %arg8[%select_n3A_1078, %select_n3A_1094, %dma_start3A_1103] : memref<10x16384x128xf32, #tpu.memory_space<hbm>> -> memref<1x128x128xf32, #tpu.memory_space<hbm>>
    %dma_start3A_1105 = tpu.memref_squeeze %dma_start3A_1104 : memref<1x128x128xf32, #tpu.memory_space<hbm>> -> memref<128x128xf32, #tpu.memory_space<hbm>>
    %dma_start3A_1106 = arith.constant 0 : i32
    %dma_start3A_1107 = arith.constant 0 : i32
    %dma_start3A_1108 = tpu.memref_slice %arg10[%dma_start3A_1095, %dma_start3A_1106, %dma_start3A_1107] : memref<7x128x128xf32, #tpu.memory_space<vmem>> -> memref<1x128x128xf32, #tpu.memory_space<vmem>>
    %dma_start3A_1109 = tpu.memref_squeeze %dma_start3A_1108 : memref<1x128x128xf32, #tpu.memory_space<vmem>> -> memref<128x128xf32, #tpu.memory_space<vmem>>
    tpu.enqueue_dma source(%dma_start3A_1109 : memref<128x128xf32, #tpu.memory_space<vmem>>) target(%dma_start3A_1105 : memref<128x128xf32, #tpu.memory_space<hbm>>) target_semaphore(%arg23 : memref<!tpu.dma_semaphore, #tpu.memory_space<semaphore_mem>>)
    %jit3A_1110 = arith.constant 16384 : i32
    %div3A_1111 = arith.divsi %mul3A_68, %jit3A_1110 : i32
    %sign3A_1112 = arith.constant 0 : i32
    %sign3A_1113 = arith.cmpi sgt, %mul3A_68, %sign3A_1112 : i32
    %sign3A_1114 = arith.extui %sign3A_1113 : i1 to i32
    %sign3A_1115 = arith.constant 0 : i32
    %sign3A_1116 = arith.cmpi slt, %mul3A_68, %sign3A_1115 : i32
    %sign3A_1117 = arith.extui %sign3A_1116 : i1 to i32
    %sign3A_1118 = arith.subi %sign3A_1114, %sign3A_1117 : i32
    %sign3A_1119 = arith.constant 0 : i32
    %sign3A_1120 = arith.cmpi sgt, %jit3A_1110, %sign3A_1119 : i32
    %sign3A_1121 = arith.extui %sign3A_1120 : i1 to i32
    %sign3A_1122 = arith.constant 0 : i32
    %sign3A_1123 = arith.cmpi slt, %jit3A_1110, %sign3A_1122 : i32
    %sign3A_1124 = arith.extui %sign3A_1123 : i1 to i32
    %sign3A_1125 = arith.subi %sign3A_1121, %sign3A_1124 : i32
    %ne3A_1126 = arith.cmpi ne, %sign3A_1118, %sign3A_1125 : i32
    %rem3A_1127 = arith.remsi %mul3A_68, %jit3A_1110 : i32
    %ne3A_1128 = arith.constant 0 : i32
    %ne3A_1129 = arith.cmpi ne, %rem3A_1127, %ne3A_1128 : i32
    %and3A_1130 = arith.andi %ne3A_1126, %ne3A_1129 : i1
    %sub3A_1131 = arith.constant 1 : i32
    %sub3A_1132 = arith.subi %div3A_1111, %sub3A_1131 : i32
    %select_n3A_1133 = arith.select %and3A_1130, %sub3A_1132, %div3A_1111 : i32
    %jit3A_1134 = arith.constant 16384 : i32
    %eq3A_1135 = arith.constant 0 : i32
    %eq3A_1136 = arith.cmpi eq, %jit3A_1134, %eq3A_1135 : i32
    %jit3A_1137 = arith.constant 1 : i32
    %select_n3A_1138 = arith.select %eq3A_1136, %jit3A_1137, %jit3A_1134 : i32
    %rem3A_1139 = arith.remsi %mul3A_68, %select_n3A_1138 : i32
    %ne3A_1140 = arith.constant 0 : i32
    %ne3A_1141 = arith.cmpi ne, %rem3A_1139, %ne3A_1140 : i32
    %lt3A_1142 = arith.constant 0 : i32
    %lt3A_1143 = arith.cmpi slt, %rem3A_1139, %lt3A_1142 : i32
    %lt3A_1144 = arith.constant 0 : i32
    %lt3A_1145 = arith.cmpi slt, %select_n3A_1138, %lt3A_1144 : i32
    %ne3A_1146 = arith.xori %lt3A_1143, %lt3A_1145 : i1
    %and3A_1147 = arith.andi %ne3A_1146, %ne3A_1141 : i1
    %add3A_1148 = arith.addi %rem3A_1139, %select_n3A_1138 : i32
    %select_n3A_1149 = arith.select %and3A_1147, %add3A_1148, %rem3A_1139 : i32
    %dma_wait3A_1150 = arith.constant 6 : i32
    %dma_wait3A_1151 = arith.constant 0 : i32
    %dma_wait3A_1152 = arith.constant 0 : i32
    %dma_wait3A_1153 = tpu.memref_slice %arg10[%dma_wait3A_1150, %dma_wait3A_1151, %dma_wait3A_1152] : memref<7x128x128xf32, #tpu.memory_space<vmem>> -> memref<1x128x128xf32, #tpu.memory_space<vmem>>
    %dma_wait3A_1154 = tpu.memref_squeeze %dma_wait3A_1153 : memref<1x128x128xf32, #tpu.memory_space<vmem>> -> memref<128x128xf32, #tpu.memory_space<vmem>>
    %dma_wait3A_1155 = arith.constant 0 : i32
    %dma_wait3A_1156 = tpu.memref_slice %arg8[%select_n3A_1133, %select_n3A_1149, %dma_wait3A_1155] : memref<10x16384x128xf32, #tpu.memory_space<hbm>> -> memref<1x128x128xf32, #tpu.memory_space<hbm>>
    %dma_wait3A_1157 = tpu.memref_squeeze %dma_wait3A_1156 : memref<1x128x128xf32, #tpu.memory_space<hbm>> -> memref<128x128xf32, #tpu.memory_space<hbm>>
    %dma_wait3A_1158 = arith.constant 0 : i32
    %dma_wait3A_1159 = tpu.memref_slice %arg8[%select_n3A_1133, %select_n3A_1149, %dma_wait3A_1158] : memref<10x16384x128xf32, #tpu.memory_space<hbm>> -> memref<1x128x128xf32, #tpu.memory_space<hbm>>
    %dma_wait3A_1160 = tpu.memref_squeeze %dma_wait3A_1159 : memref<1x128x128xf32, #tpu.memory_space<hbm>> -> memref<128x128xf32, #tpu.memory_space<hbm>>
    %dma_wait3A_1161 = arith.constant 0 : i32
    %dma_wait3A_1162 = arith.constant 0 : i32
    %dma_wait3A_1163 = tpu.memref_slice %arg10[%dma_wait3A_1150, %dma_wait3A_1161, %dma_wait3A_1162] : memref<7x128x128xf32, #tpu.memory_space<vmem>> -> memref<1x128x128xf32, #tpu.memory_space<vmem>>
    %dma_wait3A_1164 = tpu.memref_squeeze %dma_wait3A_1163 : memref<1x128x128xf32, #tpu.memory_space<vmem>> -> memref<128x128xf32, #tpu.memory_space<vmem>>
    tpu.wait_dma2 semaphore(%arg24 : memref<!tpu.dma_semaphore, #tpu.memory_space<semaphore_mem>>) src(%dma_wait3A_1164 : memref<128x128xf32, #tpu.memory_space<vmem>>) dst(%dma_wait3A_1160 : memref<128x128xf32, #tpu.memory_space<hbm>>)
    %jit3A_1165 = arith.constant 16384 : i32
    %div3A_1166 = arith.divsi %mul3A_68, %jit3A_1165 : i32
    %sign3A_1167 = arith.constant 0 : i32
    %sign3A_1168 = arith.cmpi sgt, %mul3A_68, %sign3A_1167 : i32
    %sign3A_1169 = arith.extui %sign3A_1168 : i1 to i32
    %sign3A_1170 = arith.constant 0 : i32
    %sign3A_1171 = arith.cmpi slt, %mul3A_68, %sign3A_1170 : i32
    %sign3A_1172 = arith.extui %sign3A_1171 : i1 to i32
    %sign3A_1173 = arith.subi %sign3A_1169, %sign3A_1172 : i32
    %sign3A_1174 = arith.constant 0 : i32
    %sign3A_1175 = arith.cmpi sgt, %jit3A_1165, %sign3A_1174 : i32
    %sign3A_1176 = arith.extui %sign3A_1175 : i1 to i32
    %sign3A_1177 = arith.constant 0 : i32
    %sign3A_1178 = arith.cmpi slt, %jit3A_1165, %sign3A_1177 : i32
    %sign3A_1179 = arith.extui %sign3A_1178 : i1 to i32
    %sign3A_1180 = arith.subi %sign3A_1176, %sign3A_1179 : i32
    %ne3A_1181 = arith.cmpi ne, %sign3A_1173, %sign3A_1180 : i32
    %rem3A_1182 = arith.remsi %mul3A_68, %jit3A_1165 : i32
    %ne3A_1183 = arith.constant 0 : i32
    %ne3A_1184 = arith.cmpi ne, %rem3A_1182, %ne3A_1183 : i32
    %and3A_1185 = arith.andi %ne3A_1181, %ne3A_1184 : i1
    %sub3A_1186 = arith.constant 1 : i32
    %sub3A_1187 = arith.subi %div3A_1166, %sub3A_1186 : i32
    %select_n3A_1188 = arith.select %and3A_1185, %sub3A_1187, %div3A_1166 : i32
    %jit3A_1189 = arith.constant 16384 : i32
    %eq3A_1190 = arith.constant 0 : i32
    %eq3A_1191 = arith.cmpi eq, %jit3A_1189, %eq3A_1190 : i32
    %jit3A_1192 = arith.constant 1 : i32
    %select_n3A_1193 = arith.select %eq3A_1191, %jit3A_1192, %jit3A_1189 : i32
    %rem3A_1194 = arith.remsi %mul3A_68, %select_n3A_1193 : i32
    %ne3A_1195 = arith.constant 0 : i32
    %ne3A_1196 = arith.cmpi ne, %rem3A_1194, %ne3A_1195 : i32
    %lt3A_1197 = arith.constant 0 : i32
    %lt3A_1198 = arith.cmpi slt, %rem3A_1194, %lt3A_1197 : i32
    %lt3A_1199 = arith.constant 0 : i32
    %lt3A_1200 = arith.cmpi slt, %select_n3A_1193, %lt3A_1199 : i32
    %ne3A_1201 = arith.xori %lt3A_1198, %lt3A_1200 : i1
    %and3A_1202 = arith.andi %ne3A_1201, %ne3A_1196 : i1
    %add3A_1203 = arith.addi %rem3A_1194, %select_n3A_1193 : i32
    %select_n3A_1204 = arith.select %and3A_1202, %add3A_1203, %rem3A_1194 : i32
    %dma_wait3A_1205 = arith.constant 0 : i32
    %dma_wait3A_1206 = arith.constant 0 : i32
    %dma_wait3A_1207 = arith.constant 0 : i32
    %dma_wait3A_1208 = tpu.memref_slice %arg10[%dma_wait3A_1205, %dma_wait3A_1206, %dma_wait3A_1207] : memref<7x128x128xf32, #tpu.memory_space<vmem>> -> memref<1x128x128xf32, #tpu.memory_space<vmem>>
    %dma_wait3A_1209 = tpu.memref_squeeze %dma_wait3A_1208 : memref<1x128x128xf32, #tpu.memory_space<vmem>> -> memref<128x128xf32, #tpu.memory_space<vmem>>
    %dma_wait3A_1210 = arith.constant 0 : i32
    %dma_wait3A_1211 = tpu.memref_slice %arg8[%select_n3A_1188, %select_n3A_1204, %dma_wait3A_1210] : memref<10x16384x128xf32, #tpu.memory_space<hbm>> -> memref<1x128x128xf32, #tpu.memory_space<hbm>>
    %dma_wait3A_1212 = tpu.memref_squeeze %dma_wait3A_1211 : memref<1x128x128xf32, #tpu.memory_space<hbm>> -> memref<128x128xf32, #tpu.memory_space<hbm>>
    %dma_wait3A_1213 = arith.constant 0 : i32
    %dma_wait3A_1214 = tpu.memref_slice %arg8[%select_n3A_1188, %select_n3A_1204, %dma_wait3A_1213] : memref<10x16384x128xf32, #tpu.memory_space<hbm>> -> memref<1x128x128xf32, #tpu.memory_space<hbm>>
    %dma_wait3A_1215 = tpu.memref_squeeze %dma_wait3A_1214 : memref<1x128x128xf32, #tpu.memory_space<hbm>> -> memref<128x128xf32, #tpu.memory_space<hbm>>
    %dma_wait3A_1216 = arith.constant 0 : i32
    %dma_wait3A_1217 = arith.constant 0 : i32
    %dma_wait3A_1218 = tpu.memref_slice %arg10[%dma_wait3A_1205, %dma_wait3A_1216, %dma_wait3A_1217] : memref<7x128x128xf32, #tpu.memory_space<vmem>> -> memref<1x128x128xf32, #tpu.memory_space<vmem>>
    %dma_wait3A_1219 = tpu.memref_squeeze %dma_wait3A_1218 : memref<1x128x128xf32, #tpu.memory_space<vmem>> -> memref<128x128xf32, #tpu.memory_space<vmem>>
    tpu.wait_dma2 semaphore(%arg18 : memref<!tpu.dma_semaphore, #tpu.memory_space<semaphore_mem>>) src(%dma_wait3A_1219 : memref<128x128xf32, #tpu.memory_space<vmem>>) dst(%dma_wait3A_1215 : memref<128x128xf32, #tpu.memory_space<hbm>>)
    %jit3A_1220 = arith.constant 16384 : i32
    %div3A_1221 = arith.divsi %mul3A_68, %jit3A_1220 : i32
    %sign3A_1222 = arith.constant 0 : i32
    %sign3A_1223 = arith.cmpi sgt, %mul3A_68, %sign3A_1222 : i32
    %sign3A_1224 = arith.extui %sign3A_1223 : i1 to i32
    %sign3A_1225 = arith.constant 0 : i32
    %sign3A_1226 = arith.cmpi slt, %mul3A_68, %sign3A_1225 : i32
    %sign3A_1227 = arith.extui %sign3A_1226 : i1 to i32
    %sign3A_1228 = arith.subi %sign3A_1224, %sign3A_1227 : i32
    %sign3A_1229 = arith.constant 0 : i32
    %sign3A_1230 = arith.cmpi sgt, %jit3A_1220, %sign3A_1229 : i32
    %sign3A_1231 = arith.extui %sign3A_1230 : i1 to i32
    %sign3A_1232 = arith.constant 0 : i32
    %sign3A_1233 = arith.cmpi slt, %jit3A_1220, %sign3A_1232 : i32
    %sign3A_1234 = arith.extui %sign3A_1233 : i1 to i32
    %sign3A_1235 = arith.subi %sign3A_1231, %sign3A_1234 : i32
    %ne3A_1236 = arith.cmpi ne, %sign3A_1228, %sign3A_1235 : i32
    %rem3A_1237 = arith.remsi %mul3A_68, %jit3A_1220 : i32
    %ne3A_1238 = arith.constant 0 : i32
    %ne3A_1239 = arith.cmpi ne, %rem3A_1237, %ne3A_1238 : i32
    %and3A_1240 = arith.andi %ne3A_1236, %ne3A_1239 : i1
    %sub3A_1241 = arith.constant 1 : i32
    %sub3A_1242 = arith.subi %div3A_1221, %sub3A_1241 : i32
    %select_n3A_1243 = arith.select %and3A_1240, %sub3A_1242, %div3A_1221 : i32
    %jit3A_1244 = arith.constant 16384 : i32
    %eq3A_1245 = arith.constant 0 : i32
    %eq3A_1246 = arith.cmpi eq, %jit3A_1244, %eq3A_1245 : i32
    %jit3A_1247 = arith.constant 1 : i32
    %select_n3A_1248 = arith.select %eq3A_1246, %jit3A_1247, %jit3A_1244 : i32
    %rem3A_1249 = arith.remsi %mul3A_68, %select_n3A_1248 : i32
    %ne3A_1250 = arith.constant 0 : i32
    %ne3A_1251 = arith.cmpi ne, %rem3A_1249, %ne3A_1250 : i32
    %lt3A_1252 = arith.constant 0 : i32
    %lt3A_1253 = arith.cmpi slt, %rem3A_1249, %lt3A_1252 : i32
    %lt3A_1254 = arith.constant 0 : i32
    %lt3A_1255 = arith.cmpi slt, %select_n3A_1248, %lt3A_1254 : i32
    %ne3A_1256 = arith.xori %lt3A_1253, %lt3A_1255 : i1
    %and3A_1257 = arith.andi %ne3A_1256, %ne3A_1251 : i1
    %add3A_1258 = arith.addi %rem3A_1249, %select_n3A_1248 : i32
    %select_n3A_1259 = arith.select %and3A_1257, %add3A_1258, %rem3A_1249 : i32
    %dma_wait3A_1260 = arith.constant 1 : i32
    %dma_wait3A_1261 = arith.constant 0 : i32
    %dma_wait3A_1262 = arith.constant 0 : i32
    %dma_wait3A_1263 = tpu.memref_slice %arg10[%dma_wait3A_1260, %dma_wait3A_1261, %dma_wait3A_1262] : memref<7x128x128xf32, #tpu.memory_space<vmem>> -> memref<1x128x128xf32, #tpu.memory_space<vmem>>
    %dma_wait3A_1264 = tpu.memref_squeeze %dma_wait3A_1263 : memref<1x128x128xf32, #tpu.memory_space<vmem>> -> memref<128x128xf32, #tpu.memory_space<vmem>>
    %dma_wait3A_1265 = arith.constant 0 : i32
    %dma_wait3A_1266 = tpu.memref_slice %arg8[%select_n3A_1243, %select_n3A_1259, %dma_wait3A_1265] : memref<10x16384x128xf32, #tpu.memory_space<hbm>> -> memref<1x128x128xf32, #tpu.memory_space<hbm>>
    %dma_wait3A_1267 = tpu.memref_squeeze %dma_wait3A_1266 : memref<1x128x128xf32, #tpu.memory_space<hbm>> -> memref<128x128xf32, #tpu.memory_space<hbm>>
    %dma_wait3A_1268 = arith.constant 0 : i32
    %dma_wait3A_1269 = tpu.memref_slice %arg8[%select_n3A_1243, %select_n3A_1259, %dma_wait3A_1268] : memref<10x16384x128xf32, #tpu.memory_space<hbm>> -> memref<1x128x128xf32, #tpu.memory_space<hbm>>
    %dma_wait3A_1270 = tpu.memref_squeeze %dma_wait3A_1269 : memref<1x128x128xf32, #tpu.memory_space<hbm>> -> memref<128x128xf32, #tpu.memory_space<hbm>>
    %dma_wait3A_1271 = arith.constant 0 : i32
    %dma_wait3A_1272 = arith.constant 0 : i32
    %dma_wait3A_1273 = tpu.memref_slice %arg10[%dma_wait3A_1260, %dma_wait3A_1271, %dma_wait3A_1272] : memref<7x128x128xf32, #tpu.memory_space<vmem>> -> memref<1x128x128xf32, #tpu.memory_space<vmem>>
    %dma_wait3A_1274 = tpu.memref_squeeze %dma_wait3A_1273 : memref<1x128x128xf32, #tpu.memory_space<vmem>> -> memref<128x128xf32, #tpu.memory_space<vmem>>
    tpu.wait_dma2 semaphore(%arg19 : memref<!tpu.dma_semaphore, #tpu.memory_space<semaphore_mem>>) src(%dma_wait3A_1274 : memref<128x128xf32, #tpu.memory_space<vmem>>) dst(%dma_wait3A_1270 : memref<128x128xf32, #tpu.memory_space<hbm>>)
    %jit3A_1275 = arith.constant 16384 : i32
    %div3A_1276 = arith.divsi %mul3A_68, %jit3A_1275 : i32
    %sign3A_1277 = arith.constant 0 : i32
    %sign3A_1278 = arith.cmpi sgt, %mul3A_68, %sign3A_1277 : i32
    %sign3A_1279 = arith.extui %sign3A_1278 : i1 to i32
    %sign3A_1280 = arith.constant 0 : i32
    %sign3A_1281 = arith.cmpi slt, %mul3A_68, %sign3A_1280 : i32
    %sign3A_1282 = arith.extui %sign3A_1281 : i1 to i32
    %sign3A_1283 = arith.subi %sign3A_1279, %sign3A_1282 : i32
    %sign3A_1284 = arith.constant 0 : i32
    %sign3A_1285 = arith.cmpi sgt, %jit3A_1275, %sign3A_1284 : i32
    %sign3A_1286 = arith.extui %sign3A_1285 : i1 to i32
    %sign3A_1287 = arith.constant 0 : i32
    %sign3A_1288 = arith.cmpi slt, %jit3A_1275, %sign3A_1287 : i32
    %sign3A_1289 = arith.extui %sign3A_1288 : i1 to i32
    %sign3A_1290 = arith.subi %sign3A_1286, %sign3A_1289 : i32
    %ne3A_1291 = arith.cmpi ne, %sign3A_1283, %sign3A_1290 : i32
    %rem3A_1292 = arith.remsi %mul3A_68, %jit3A_1275 : i32
    %ne3A_1293 = arith.constant 0 : i32
    %ne3A_1294 = arith.cmpi ne, %rem3A_1292, %ne3A_1293 : i32
    %and3A_1295 = arith.andi %ne3A_1291, %ne3A_1294 : i1
    %sub3A_1296 = arith.constant 1 : i32
    %sub3A_1297 = arith.subi %div3A_1276, %sub3A_1296 : i32
    %select_n3A_1298 = arith.select %and3A_1295, %sub3A_1297, %div3A_1276 : i32
    %jit3A_1299 = arith.constant 16384 : i32
    %eq3A_1300 = arith.constant 0 : i32
    %eq3A_1301 = arith.cmpi eq, %jit3A_1299, %eq3A_1300 : i32
    %jit3A_1302 = arith.constant 1 : i32
    %select_n3A_1303 = arith.select %eq3A_1301, %jit3A_1302, %jit3A_1299 : i32
    %rem3A_1304 = arith.remsi %mul3A_68, %select_n3A_1303 : i32
    %ne3A_1305 = arith.constant 0 : i32
    %ne3A_1306 = arith.cmpi ne, %rem3A_1304, %ne3A_1305 : i32
    %lt3A_1307 = arith.constant 0 : i32
    %lt3A_1308 = arith.cmpi slt, %rem3A_1304, %lt3A_1307 : i32
    %lt3A_1309 = arith.constant 0 : i32
    %lt3A_1310 = arith.cmpi slt, %select_n3A_1303, %lt3A_1309 : i32
    %ne3A_1311 = arith.xori %lt3A_1308, %lt3A_1310 : i1
    %and3A_1312 = arith.andi %ne3A_1311, %ne3A_1306 : i1
    %add3A_1313 = arith.addi %rem3A_1304, %select_n3A_1303 : i32
    %select_n3A_1314 = arith.select %and3A_1312, %add3A_1313, %rem3A_1304 : i32
    %dma_wait3A_1315 = arith.constant 2 : i32
    %dma_wait3A_1316 = arith.constant 0 : i32
    %dma_wait3A_1317 = arith.constant 0 : i32
    %dma_wait3A_1318 = tpu.memref_slice %arg10[%dma_wait3A_1315, %dma_wait3A_1316, %dma_wait3A_1317] : memref<7x128x128xf32, #tpu.memory_space<vmem>> -> memref<1x128x128xf32, #tpu.memory_space<vmem>>
    %dma_wait3A_1319 = tpu.memref_squeeze %dma_wait3A_1318 : memref<1x128x128xf32, #tpu.memory_space<vmem>> -> memref<128x128xf32, #tpu.memory_space<vmem>>
    %dma_wait3A_1320 = arith.constant 0 : i32
    %dma_wait3A_1321 = tpu.memref_slice %arg8[%select_n3A_1298, %select_n3A_1314, %dma_wait3A_1320] : memref<10x16384x128xf32, #tpu.memory_space<hbm>> -> memref<1x128x128xf32, #tpu.memory_space<hbm>>
    %dma_wait3A_1322 = tpu.memref_squeeze %dma_wait3A_1321 : memref<1x128x128xf32, #tpu.memory_space<hbm>> -> memref<128x128xf32, #tpu.memory_space<hbm>>
    %dma_wait3A_1323 = arith.constant 0 : i32
    %dma_wait3A_1324 = tpu.memref_slice %arg8[%select_n3A_1298, %select_n3A_1314, %dma_wait3A_1323] : memref<10x16384x128xf32, #tpu.memory_space<hbm>> -> memref<1x128x128xf32, #tpu.memory_space<hbm>>
    %dma_wait3A_1325 = tpu.memref_squeeze %dma_wait3A_1324 : memref<1x128x128xf32, #tpu.memory_space<hbm>> -> memref<128x128xf32, #tpu.memory_space<hbm>>
    %dma_wait3A_1326 = arith.constant 0 : i32
    %dma_wait3A_1327 = arith.constant 0 : i32
    %dma_wait3A_1328 = tpu.memref_slice %arg10[%dma_wait3A_1315, %dma_wait3A_1326, %dma_wait3A_1327] : memref<7x128x128xf32, #tpu.memory_space<vmem>> -> memref<1x128x128xf32, #tpu.memory_space<vmem>>
    %dma_wait3A_1329 = tpu.memref_squeeze %dma_wait3A_1328 : memref<1x128x128xf32, #tpu.memory_space<vmem>> -> memref<128x128xf32, #tpu.memory_space<vmem>>
    tpu.wait_dma2 semaphore(%arg20 : memref<!tpu.dma_semaphore, #tpu.memory_space<semaphore_mem>>) src(%dma_wait3A_1329 : memref<128x128xf32, #tpu.memory_space<vmem>>) dst(%dma_wait3A_1325 : memref<128x128xf32, #tpu.memory_space<hbm>>)
    %jit3A_1330 = arith.constant 16384 : i32
    %div3A_1331 = arith.divsi %mul3A_68, %jit3A_1330 : i32
    %sign3A_1332 = arith.constant 0 : i32
    %sign3A_1333 = arith.cmpi sgt, %mul3A_68, %sign3A_1332 : i32
    %sign3A_1334 = arith.extui %sign3A_1333 : i1 to i32
    %sign3A_1335 = arith.constant 0 : i32
    %sign3A_1336 = arith.cmpi slt, %mul3A_68, %sign3A_1335 : i32
    %sign3A_1337 = arith.extui %sign3A_1336 : i1 to i32
    %sign3A_1338 = arith.subi %sign3A_1334, %sign3A_1337 : i32
    %sign3A_1339 = arith.constant 0 : i32
    %sign3A_1340 = arith.cmpi sgt, %jit3A_1330, %sign3A_1339 : i32
    %sign3A_1341 = arith.extui %sign3A_1340 : i1 to i32
    %sign3A_1342 = arith.constant 0 : i32
    %sign3A_1343 = arith.cmpi slt, %jit3A_1330, %sign3A_1342 : i32
    %sign3A_1344 = arith.extui %sign3A_1343 : i1 to i32
    %sign3A_1345 = arith.subi %sign3A_1341, %sign3A_1344 : i32
    %ne3A_1346 = arith.cmpi ne, %sign3A_1338, %sign3A_1345 : i32
    %rem3A_1347 = arith.remsi %mul3A_68, %jit3A_1330 : i32
    %ne3A_1348 = arith.constant 0 : i32
    %ne3A_1349 = arith.cmpi ne, %rem3A_1347, %ne3A_1348 : i32
    %and3A_1350 = arith.andi %ne3A_1346, %ne3A_1349 : i1
    %sub3A_1351 = arith.constant 1 : i32
    %sub3A_1352 = arith.subi %div3A_1331, %sub3A_1351 : i32
    %select_n3A_1353 = arith.select %and3A_1350, %sub3A_1352, %div3A_1331 : i32
    %jit3A_1354 = arith.constant 16384 : i32
    %eq3A_1355 = arith.constant 0 : i32
    %eq3A_1356 = arith.cmpi eq, %jit3A_1354, %eq3A_1355 : i32
    %jit3A_1357 = arith.constant 1 : i32
    %select_n3A_1358 = arith.select %eq3A_1356, %jit3A_1357, %jit3A_1354 : i32
    %rem3A_1359 = arith.remsi %mul3A_68, %select_n3A_1358 : i32
    %ne3A_1360 = arith.constant 0 : i32
    %ne3A_1361 = arith.cmpi ne, %rem3A_1359, %ne3A_1360 : i32
    %lt3A_1362 = arith.constant 0 : i32
    %lt3A_1363 = arith.cmpi slt, %rem3A_1359, %lt3A_1362 : i32
    %lt3A_1364 = arith.constant 0 : i32
    %lt3A_1365 = arith.cmpi slt, %select_n3A_1358, %lt3A_1364 : i32
    %ne3A_1366 = arith.xori %lt3A_1363, %lt3A_1365 : i1
    %and3A_1367 = arith.andi %ne3A_1366, %ne3A_1361 : i1
    %add3A_1368 = arith.addi %rem3A_1359, %select_n3A_1358 : i32
    %select_n3A_1369 = arith.select %and3A_1367, %add3A_1368, %rem3A_1359 : i32
    %dma_wait3A_1370 = arith.constant 3 : i32
    %dma_wait3A_1371 = arith.constant 0 : i32
    %dma_wait3A_1372 = arith.constant 0 : i32
    %dma_wait3A_1373 = tpu.memref_slice %arg10[%dma_wait3A_1370, %dma_wait3A_1371, %dma_wait3A_1372] : memref<7x128x128xf32, #tpu.memory_space<vmem>> -> memref<1x128x128xf32, #tpu.memory_space<vmem>>
    %dma_wait3A_1374 = tpu.memref_squeeze %dma_wait3A_1373 : memref<1x128x128xf32, #tpu.memory_space<vmem>> -> memref<128x128xf32, #tpu.memory_space<vmem>>
    %dma_wait3A_1375 = arith.constant 0 : i32
    %dma_wait3A_1376 = tpu.memref_slice %arg8[%select_n3A_1353, %select_n3A_1369, %dma_wait3A_1375] : memref<10x16384x128xf32, #tpu.memory_space<hbm>> -> memref<1x128x128xf32, #tpu.memory_space<hbm>>
    %dma_wait3A_1377 = tpu.memref_squeeze %dma_wait3A_1376 : memref<1x128x128xf32, #tpu.memory_space<hbm>> -> memref<128x128xf32, #tpu.memory_space<hbm>>
    %dma_wait3A_1378 = arith.constant 0 : i32
    %dma_wait3A_1379 = tpu.memref_slice %arg8[%select_n3A_1353, %select_n3A_1369, %dma_wait3A_1378] : memref<10x16384x128xf32, #tpu.memory_space<hbm>> -> memref<1x128x128xf32, #tpu.memory_space<hbm>>
    %dma_wait3A_1380 = tpu.memref_squeeze %dma_wait3A_1379 : memref<1x128x128xf32, #tpu.memory_space<hbm>> -> memref<128x128xf32, #tpu.memory_space<hbm>>
    %dma_wait3A_1381 = arith.constant 0 : i32
    %dma_wait3A_1382 = arith.constant 0 : i32
    %dma_wait3A_1383 = tpu.memref_slice %arg10[%dma_wait3A_1370, %dma_wait3A_1381, %dma_wait3A_1382] : memref<7x128x128xf32, #tpu.memory_space<vmem>> -> memref<1x128x128xf32, #tpu.memory_space<vmem>>
    %dma_wait3A_1384 = tpu.memref_squeeze %dma_wait3A_1383 : memref<1x128x128xf32, #tpu.memory_space<vmem>> -> memref<128x128xf32, #tpu.memory_space<vmem>>
    tpu.wait_dma2 semaphore(%arg21 : memref<!tpu.dma_semaphore, #tpu.memory_space<semaphore_mem>>) src(%dma_wait3A_1384 : memref<128x128xf32, #tpu.memory_space<vmem>>) dst(%dma_wait3A_1380 : memref<128x128xf32, #tpu.memory_space<hbm>>)
    %jit3A_1385 = arith.constant 16384 : i32
    %div3A_1386 = arith.divsi %mul3A_68, %jit3A_1385 : i32
    %sign3A_1387 = arith.constant 0 : i32
    %sign3A_1388 = arith.cmpi sgt, %mul3A_68, %sign3A_1387 : i32
    %sign3A_1389 = arith.extui %sign3A_1388 : i1 to i32
    %sign3A_1390 = arith.constant 0 : i32
    %sign3A_1391 = arith.cmpi slt, %mul3A_68, %sign3A_1390 : i32
    %sign3A_1392 = arith.extui %sign3A_1391 : i1 to i32
    %sign3A_1393 = arith.subi %sign3A_1389, %sign3A_1392 : i32
    %sign3A_1394 = arith.constant 0 : i32
    %sign3A_1395 = arith.cmpi sgt, %jit3A_1385, %sign3A_1394 : i32
    %sign3A_1396 = arith.extui %sign3A_1395 : i1 to i32
    %sign3A_1397 = arith.constant 0 : i32
    %sign3A_1398 = arith.cmpi slt, %jit3A_1385, %sign3A_1397 : i32
    %sign3A_1399 = arith.extui %sign3A_1398 : i1 to i32
    %sign3A_1400 = arith.subi %sign3A_1396, %sign3A_1399 : i32
    %ne3A_1401 = arith.cmpi ne, %sign3A_1393, %sign3A_1400 : i32
    %rem3A_1402 = arith.remsi %mul3A_68, %jit3A_1385 : i32
    %ne3A_1403 = arith.constant 0 : i32
    %ne3A_1404 = arith.cmpi ne, %rem3A_1402, %ne3A_1403 : i32
    %and3A_1405 = arith.andi %ne3A_1401, %ne3A_1404 : i1
    %sub3A_1406 = arith.constant 1 : i32
    %sub3A_1407 = arith.subi %div3A_1386, %sub3A_1406 : i32
    %select_n3A_1408 = arith.select %and3A_1405, %sub3A_1407, %div3A_1386 : i32
    %jit3A_1409 = arith.constant 16384 : i32
    %eq3A_1410 = arith.constant 0 : i32
    %eq3A_1411 = arith.cmpi eq, %jit3A_1409, %eq3A_1410 : i32
    %jit3A_1412 = arith.constant 1 : i32
    %select_n3A_1413 = arith.select %eq3A_1411, %jit3A_1412, %jit3A_1409 : i32
    %rem3A_1414 = arith.remsi %mul3A_68, %select_n3A_1413 : i32
    %ne3A_1415 = arith.constant 0 : i32
    %ne3A_1416 = arith.cmpi ne, %rem3A_1414, %ne3A_1415 : i32
    %lt3A_1417 = arith.constant 0 : i32
    %lt3A_1418 = arith.cmpi slt, %rem3A_1414, %lt3A_1417 : i32
    %lt3A_1419 = arith.constant 0 : i32
    %lt3A_1420 = arith.cmpi slt, %select_n3A_1413, %lt3A_1419 : i32
    %ne3A_1421 = arith.xori %lt3A_1418, %lt3A_1420 : i1
    %and3A_1422 = arith.andi %ne3A_1421, %ne3A_1416 : i1
    %add3A_1423 = arith.addi %rem3A_1414, %select_n3A_1413 : i32
    %select_n3A_1424 = arith.select %and3A_1422, %add3A_1423, %rem3A_1414 : i32
    %dma_wait3A_1425 = arith.constant 4 : i32
    %dma_wait3A_1426 = arith.constant 0 : i32
    %dma_wait3A_1427 = arith.constant 0 : i32
    %dma_wait3A_1428 = tpu.memref_slice %arg10[%dma_wait3A_1425, %dma_wait3A_1426, %dma_wait3A_1427] : memref<7x128x128xf32, #tpu.memory_space<vmem>> -> memref<1x128x128xf32, #tpu.memory_space<vmem>>
    %dma_wait3A_1429 = tpu.memref_squeeze %dma_wait3A_1428 : memref<1x128x128xf32, #tpu.memory_space<vmem>> -> memref<128x128xf32, #tpu.memory_space<vmem>>
    %dma_wait3A_1430 = arith.constant 0 : i32
    %dma_wait3A_1431 = tpu.memref_slice %arg8[%select_n3A_1408, %select_n3A_1424, %dma_wait3A_1430] : memref<10x16384x128xf32, #tpu.memory_space<hbm>> -> memref<1x128x128xf32, #tpu.memory_space<hbm>>
    %dma_wait3A_1432 = tpu.memref_squeeze %dma_wait3A_1431 : memref<1x128x128xf32, #tpu.memory_space<hbm>> -> memref<128x128xf32, #tpu.memory_space<hbm>>
    %dma_wait3A_1433 = arith.constant 0 : i32
    %dma_wait3A_1434 = tpu.memref_slice %arg8[%select_n3A_1408, %select_n3A_1424, %dma_wait3A_1433] : memref<10x16384x128xf32, #tpu.memory_space<hbm>> -> memref<1x128x128xf32, #tpu.memory_space<hbm>>
    %dma_wait3A_1435 = tpu.memref_squeeze %dma_wait3A_1434 : memref<1x128x128xf32, #tpu.memory_space<hbm>> -> memref<128x128xf32, #tpu.memory_space<hbm>>
    %dma_wait3A_1436 = arith.constant 0 : i32
    %dma_wait3A_1437 = arith.constant 0 : i32
    %dma_wait3A_1438 = tpu.memref_slice %arg10[%dma_wait3A_1425, %dma_wait3A_1436, %dma_wait3A_1437] : memref<7x128x128xf32, #tpu.memory_space<vmem>> -> memref<1x128x128xf32, #tpu.memory_space<vmem>>
    %dma_wait3A_1439 = tpu.memref_squeeze %dma_wait3A_1438 : memref<1x128x128xf32, #tpu.memory_space<vmem>> -> memref<128x128xf32, #tpu.memory_space<vmem>>
    tpu.wait_dma2 semaphore(%arg22 : memref<!tpu.dma_semaphore, #tpu.memory_space<semaphore_mem>>) src(%dma_wait3A_1439 : memref<128x128xf32, #tpu.memory_space<vmem>>) dst(%dma_wait3A_1435 : memref<128x128xf32, #tpu.memory_space<hbm>>)
    %jit3A_1440 = arith.constant 16384 : i32
    %div3A_1441 = arith.divsi %mul3A_68, %jit3A_1440 : i32
    %sign3A_1442 = arith.constant 0 : i32
    %sign3A_1443 = arith.cmpi sgt, %mul3A_68, %sign3A_1442 : i32
    %sign3A_1444 = arith.extui %sign3A_1443 : i1 to i32
    %sign3A_1445 = arith.constant 0 : i32
    %sign3A_1446 = arith.cmpi slt, %mul3A_68, %sign3A_1445 : i32
    %sign3A_1447 = arith.extui %sign3A_1446 : i1 to i32
    %sign3A_1448 = arith.subi %sign3A_1444, %sign3A_1447 : i32
    %sign3A_1449 = arith.constant 0 : i32
    %sign3A_1450 = arith.cmpi sgt, %jit3A_1440, %sign3A_1449 : i32
    %sign3A_1451 = arith.extui %sign3A_1450 : i1 to i32
    %sign3A_1452 = arith.constant 0 : i32
    %sign3A_1453 = arith.cmpi slt, %jit3A_1440, %sign3A_1452 : i32
    %sign3A_1454 = arith.extui %sign3A_1453 : i1 to i32
    %sign3A_1455 = arith.subi %sign3A_1451, %sign3A_1454 : i32
    %ne3A_1456 = arith.cmpi ne, %sign3A_1448, %sign3A_1455 : i32
    %rem3A_1457 = arith.remsi %mul3A_68, %jit3A_1440 : i32
    %ne3A_1458 = arith.constant 0 : i32
    %ne3A_1459 = arith.cmpi ne, %rem3A_1457, %ne3A_1458 : i32
    %and3A_1460 = arith.andi %ne3A_1456, %ne3A_1459 : i1
    %sub3A_1461 = arith.constant 1 : i32
    %sub3A_1462 = arith.subi %div3A_1441, %sub3A_1461 : i32
    %select_n3A_1463 = arith.select %and3A_1460, %sub3A_1462, %div3A_1441 : i32
    %jit3A_1464 = arith.constant 16384 : i32
    %eq3A_1465 = arith.constant 0 : i32
    %eq3A_1466 = arith.cmpi eq, %jit3A_1464, %eq3A_1465 : i32
    %jit3A_1467 = arith.constant 1 : i32
    %select_n3A_1468 = arith.select %eq3A_1466, %jit3A_1467, %jit3A_1464 : i32
    %rem3A_1469 = arith.remsi %mul3A_68, %select_n3A_1468 : i32
    %ne3A_1470 = arith.constant 0 : i32
    %ne3A_1471 = arith.cmpi ne, %rem3A_1469, %ne3A_1470 : i32
    %lt3A_1472 = arith.constant 0 : i32
    %lt3A_1473 = arith.cmpi slt, %rem3A_1469, %lt3A_1472 : i32
    %lt3A_1474 = arith.constant 0 : i32
    %lt3A_1475 = arith.cmpi slt, %select_n3A_1468, %lt3A_1474 : i32
    %ne3A_1476 = arith.xori %lt3A_1473, %lt3A_1475 : i1
    %and3A_1477 = arith.andi %ne3A_1476, %ne3A_1471 : i1
    %add3A_1478 = arith.addi %rem3A_1469, %select_n3A_1468 : i32
    %select_n3A_1479 = arith.select %and3A_1477, %add3A_1478, %rem3A_1469 : i32
    %dma_wait3A_1480 = arith.constant 5 : i32
    %dma_wait3A_1481 = arith.constant 0 : i32
    %dma_wait3A_1482 = arith.constant 0 : i32
    %dma_wait3A_1483 = tpu.memref_slice %arg10[%dma_wait3A_1480, %dma_wait3A_1481, %dma_wait3A_1482] : memref<7x128x128xf32, #tpu.memory_space<vmem>> -> memref<1x128x128xf32, #tpu.memory_space<vmem>>
    %dma_wait3A_1484 = tpu.memref_squeeze %dma_wait3A_1483 : memref<1x128x128xf32, #tpu.memory_space<vmem>> -> memref<128x128xf32, #tpu.memory_space<vmem>>
    %dma_wait3A_1485 = arith.constant 0 : i32
    %dma_wait3A_1486 = tpu.memref_slice %arg8[%select_n3A_1463, %select_n3A_1479, %dma_wait3A_1485] : memref<10x16384x128xf32, #tpu.memory_space<hbm>> -> memref<1x128x128xf32, #tpu.memory_space<hbm>>
    %dma_wait3A_1487 = tpu.memref_squeeze %dma_wait3A_1486 : memref<1x128x128xf32, #tpu.memory_space<hbm>> -> memref<128x128xf32, #tpu.memory_space<hbm>>
    %dma_wait3A_1488 = arith.constant 0 : i32
    %dma_wait3A_1489 = tpu.memref_slice %arg8[%select_n3A_1463, %select_n3A_1479, %dma_wait3A_1488] : memref<10x16384x128xf32, #tpu.memory_space<hbm>> -> memref<1x128x128xf32, #tpu.memory_space<hbm>>
    %dma_wait3A_1490 = tpu.memref_squeeze %dma_wait3A_1489 : memref<1x128x128xf32, #tpu.memory_space<hbm>> -> memref<128x128xf32, #tpu.memory_space<hbm>>
    %dma_wait3A_1491 = arith.constant 0 : i32
    %dma_wait3A_1492 = arith.constant 0 : i32
    %dma_wait3A_1493 = tpu.memref_slice %arg10[%dma_wait3A_1480, %dma_wait3A_1491, %dma_wait3A_1492] : memref<7x128x128xf32, #tpu.memory_space<vmem>> -> memref<1x128x128xf32, #tpu.memory_space<vmem>>
    %dma_wait3A_1494 = tpu.memref_squeeze %dma_wait3A_1493 : memref<1x128x128xf32, #tpu.memory_space<vmem>> -> memref<128x128xf32, #tpu.memory_space<vmem>>
    tpu.wait_dma2 semaphore(%arg23 : memref<!tpu.dma_semaphore, #tpu.memory_space<semaphore_mem>>) src(%dma_wait3A_1494 : memref<128x128xf32, #tpu.memory_space<vmem>>) dst(%dma_wait3A_1490 : memref<128x128xf32, #tpu.memory_space<hbm>>)
    return
  }
}

</mosaic_0001>

<sc_bundles>
// kernel: kernel.3.cloned.1.call-start
scs
__scs_entry_jumppad:
0x0: {  	(pc) =	sbr.rel $0x88, $3  }
0x1: {  	(tag) =	ssettag $0x0;
	lr =	simm.s32 $0x1  }
0x2: {  	[smem:$0x3F9D] =	sst lr;
	_ =	strace $0xD0000000  }
0x3: {  	_ = 	snop  }
0x4: {  	_ = 	snop  }
0x5: {  	_ = 	snop  }
0x6: {  	_ = 	snop  }
0x7: {  	_ = 	snop  }
__scs_overlays_trampoline_lowered:
0x8: {  	[smem:$0x3FAC] =	sst s0  }
0x9: {  	[smem:$0x3FAD] =	sst s1  }
0xa: {  	[smem:$0x3FAE] =	sst s2  }
0xb: {  	[smem:$0x3FAF] =	sst s3  }
0xc: {  	[smem:$0x3FB0] =	sst s4  }
0xd: {  	[smem:$0x3FB1] =	sst s5  }
0xe: {  	[smem:$0x3FB2] =	sst s6  }
0xf: {  	[smem:$0x3FB3] =	sst s7  }
0x10: {  	[smem:$0x3FB4] =	sst s8  }
0x11: {  	[smem:$0x3FB5] =	sst s9;
	s0 =	simm.s32 @!p0 $0x0  }
0x12: {  	s1 =	sld [smem:$0x3F9B];
	s0 =	simm.s32 @p0 $0x1  }
0x13: {  	[smem:$0x3FB6] =	sst s0;
	s0 =	simm.s32 @!p1 $0x0  }
0x14: {  	s2 =	sld [smem:$0x3F9A];
	s0 =	simm.s32 @p1 $0x1  }
0x15: {  	[smem:$0x3FB7] =	sst s0;
	s0 =	simm.s32 @!p2 $0x0  }
0x16: {  	s3 =	sld [smem:$0x3FDB];
	s0 =	simm.s32 @p2 $0x1  }
0x17: {  	s4 =	simm.s32 $0x1BF5;
	[smem:$0x3FB9] =	sst s0  }
0x18: {  	s0 =	sld [smem:$0x3F9C];
	_ =	swait.ge [sflag:s4], $0x0  }
0x19: {  	s7 =	sld [smem:$0x3F9D]  }
0x1a: {  	s8 =	sadd.s32 $0xFFFFE003, lr  }
0x1b: {  	s9 =	sadd.s32 $0xFFFFFEF7, lr;
	s5 =	simm.s32 $0xFFFFFFFF;
	p2 =	slt.u32 s8, $0xFFFFF086  }
0x1c: {  	p1 =	slt.u32 s9, $0xF7A;
	s5 =	simm.s32 @!p2 $0x0  }
0x1d: {  	s5 =	simm.s32 @p1 $0x1;
	p0 =	seq.s32 s7, s2  }
0x1e: {  	s7 =	smul.u32 @!p0 $0xF7A, s2;
	p2 =	seq.s32 @!p0 s5, $0x0  }
0x1f: {  	s9 =	smul.u32 $0xF7A, s1;
	s8 =	simm.s32 @!p0 $0x1BF5;
	p2 =	por !p2, p0  }
0x20: {  	[sflag:s8] =	ssyncset.s32 @!p0 $0xFFFFF086;
	s6 =	sadd.s32 @!p0 s3, s7;
	s7 =	simm.s32 @!p0 $0x108  }
0x21: {  	s3 =	sadd.s32 s3, s9;
	s6 =	sadd.s32 @!p0 $0x88, s6;
	s7 =	simm.s32 @p2 $0x1082  }
0x22: {  	[simem:s7], [sflag:s8] =	dma.local @!p0 [hbm:s6], $0xF7A  }
0x23: {  	s9 =	sor.u32 $0xD0000000, s2;
	s6 =	simm.s32 $0x108;
	_ =	swait.ge @!p0 [sflag:s8], $0x0  }
0x24: {  	s3 =	sadd.s32 $0x88, s3;
	s6 =	simm.s32 @!p1 $0x1082;
	[sflag:s4] =	ssyncset.s32 $0xFFFFF086  }
0x25: {  	[simem:s6], [sflag:s4] =	dma.local [hbm:s3], $0xF7A  }
0x26: {  	[smem:$0x3F9D] =	sst s1;
	(tag) =	ssettag s2;
	_ =	strace s9  }
0x27: {  	s1 =	sld [smem:$0x3FAD]  }
0x28: {  	s2 =	sld [smem:$0x3FAE]  }
0x29: {  	s4 =	sld [smem:$0x3FB0]  }
0x2a: {  	p0 =	seq.s32 s5, $0x0;
	s5 =	sld [smem:$0x3FB1]  }
0x2b: {  	s6 =	sld [smem:$0x3FB2]  }
0x2c: {  	s7 =	sld [smem:$0x3FB3]  }
0x2d: {  	s3 =	simm.s32 $0x108;
	s8 =	sld [smem:$0x3FB4]  }
0x2e: {  	s3 =	simm.s32 @!p0 $0x1082;
	s9 =	sld [smem:$0x3FB5]  }
0x2f: {  	lr =	sadd.s32 s0, s3;
	s0 =	sld [smem:$0x3FAC]  }
0x30: {  	s3 =	sld [smem:$0x3FAF]  }
0x31: {  	[smem:$0x3FB8] =	sst s10  }
0x32: {  	s10 =	sld [smem:$0x3FB6];
	_ =	sdelay $0x3  }
0x33: {  	p0 =	seq.s32 s10, $0x1;
	s10 =	sld [smem:$0x3FB8];
	_ =	sdelay $0x3  }
0x34: {  	[smem:$0x3FB8] =	sst s10  }
0x35: {  	s10 =	sld [smem:$0x3FB7];
	_ =	sdelay $0x3  }
0x36: {  	p1 =	seq.s32 s10, $0x1;
	s10 =	sld [smem:$0x3FB8];
	_ =	sdelay $0x3  }
0x37: {  	[smem:$0x3FB8] =	sst s10  }
0x38: {  	s10 =	sld [smem:$0x3FB9]  }
0x39: {  	_ = 	snop;
	(pc) =	sbr.ind lr, $3  }
0x3a: {  	_ = 	snop  }
0x3b: {  	_ = 	snop  }
0x3c: {  	p2 =	seq.s32 s10, $0x1;
	s10 =	sld [smem:$0x3FB8]  }
0x3d: {  	_ =	shalt  }
0x3e: {  	_ =	shalt  }
0x3f: {  	_ =	shalt  }
0x40: {  	_ =	shalt  }
0x41: {  	_ =	shalt  }
0x42: {  	_ =	shalt  }
0x43: {  	_ =	shalt  }
0x44: {  	_ =	shalt  }
0x45: {  	_ =	shalt  }
0x46: {  	_ =	shalt  }
0x47: {  	_ =	shalt  }
0x48: {  	_ =	shalt  }
0x49: {  	_ =	shalt  }
0x4a: {  	_ =	shalt  }
0x4b: {  	_ =	shalt  }
0x4c: {  	_ =	shalt  }
0x4d: {  	_ =	shalt  }
0x4e: {  	_ =	shalt  }
0x4f: {  	_ =	shalt  }
0x50: {  	_ =	shalt  }
0x51: {  	_ =	shalt  }
0x52: {  	_ =	shalt  }
0x53: {  	_ =	shalt  }
0x54: {  	_ =	shalt  }
0x55: {  	_ =	shalt  }
0x56: {  	_ =	shalt  }
0x57: {  	_ =	shalt  }
0x58: {  	_ =	shalt  }
0x59: {  	_ =	shalt  }
0x5a: {  	_ =	shalt  }
0x5b: {  	_ =	shalt  }
0x5c: {  	_ =	shalt  }
0x5d: {  	_ =	shalt  }
0x5e: {  	_ =	shalt  }
0x5f: {  	_ =	shalt  }
0x60: {  	_ =	shalt  }
0x61: {  	_ =	shalt  }
0x62: {  	_ =	shalt  }
0x63: {  	_ =	shalt  }
0x64: {  	_ =	shalt  }
0x65: {  	_ =	shalt  }
0x66: {  	_ =	shalt  }
0x67: {  	_ =	shalt  }
0x68: {  	_ =	shalt  }
0x69: {  	_ =	shalt  }
0x6a: {  	_ =	shalt  }
0x6b: {  	_ =	shalt  }
0x6c: {  	_ =	shalt  }
0x6d: {  	_ =	shalt  }
0x6e: {  	_ =	shalt  }
0x6f: {  	_ =	shalt  }
0x70: {  	_ =	shalt  }
0x71: {  	_ =	shalt  }
0x72: {  	_ =	shalt  }
0x73: {  	_ =	shalt  }
0x74: {  	_ =	shalt  }
0x75: {  	_ =	shalt  }
0x76: {  	_ =	shalt  }
0x77: {  	_ =	shalt  }
0x78: {  	_ =	shalt  }
0x79: {  	_ =	shalt  }
0x7a: {  	_ =	shalt  }
0x7b: {  	_ =	shalt  }
0x7c: {  	_ =	shalt  }
0x7d: {  	_ =	shalt  }
0x7e: {  	_ =	shalt  }
0x7f: {  	_ =	shalt  }
0x80: {  	_ =	shalt  }
0x81: {  	_ =	shalt  }
0x82: {  	_ =	shalt  }
0x83: {  	_ =	shalt  }
0x84: {  	_ =	shalt  }
0x85: {  	_ =	shalt  }
0x86: {  	_ =	shalt  }
0x87: {  	_ =	shalt  }
.Lfunc_end0:
.L_simem_size_0:
called_computation_lowered:
.L_overlay_start_0:
0x88: {  	s2 =	sld [smem:$0x3FD9]  }
0x89: {  	s3 =	sld [smem:$0x3FFE];
	_ =	sdelay $0x1  }
0x8a: {  	s1 =	srdreg.scid  }
0x8b: {  	s0 =	sand.u32 $0x1, s1  }
0x8c: {  	s14 =	sshll.u32 s0, $0xA;
	s2 =	sadd.s32 s3, s2  }
0x8d: {  	s2 =	sadd.s32 s2, s14  }
0x8e: {  	[smem:$0x3FC4] =	sst s2  }
0x8f: {  	_ = 	snop  }
0x90: {  	s2 =	sld [smem:$0x3FD0]  }
0x91: {  	s15 =	sld [smem:$0x3FC9]  }
0x92: {  	s4 =	sld [smem:$0x3FC8]  }
0x93: {  	s6 =	simm.s32 $0xA;
	s7 =	simm.s32 $0x10;
	s5 =	sld [smem:$0x3FC6]  }
0x94: {  	[smem:s7], [sflag:s6] =	dma.local [hbm:s2], $0x1  }
0x95: {  	_ =	swait.eq [sflag:s6], $0x1  }
0x96: {  	s16 =	sld [smem:$0x10];
	[sflag:s6] =	ssyncset.done $0x0  }
0x97: {  	s17 =	sld [smem:$0x11];
	[sflag:s6] =	ssyncadd.s32 $0xFFFFFFFF  }
0x98: {  	s18 =	sld [smem:$0x12];
	(tm) =	ssettm $0x1  }
0x99: {  	s8 =	sld [smem:$0x3FFB];
	_ =	sdelay $0x3  }
0x9a: {  	_ =	strace s8  }
0x9b: {  	s8 =	sld [smem:$0x3FFC];
	_ =	sdelay $0x3  }
0x9c: {  	_ =	strace s8  }
0x9d: {  	s8 =	sld [smem:$0x3FFD];
	_ =	sdelay $0x3  }
0x9e: {  	_ =	strace s8  }
0x9f: {  	_ =	strace $0x8FFFFFFF  }
0xa0: {  	s19 =	sld [smem:$0x3FDB];
	_ =	sdelay $0x1  }
0xa1: {  	s9 =	simm.s32 $_scs_section_size  }
0xa2: {  	s10 =	simm.s32 $_size__tile_overlayer_lowered;
	s11 =	simm.s32 $_tile_overlayer_lowered  }
0xa3: {  	s22 =	simm.s32 $0x1BFF;
	s21 =	sshll.u32 s11, $0x1;
	s8 =	sadd.s32 s9, s19  }
0xa4: {  	s12 =	simm.s32 $0x0;
	s20 =	sshll.u32 s10, $0x1;
	s10 =	sadd.s32 s21, s8  }
0xa5: {  	[timem:s12], [sflag:s22] =	dma.local [hbm:s10], s20  }
0xa6: {  	_ =	swait.ge [sflag:s22], s20  }
0xa7: {  	s9 =	ssub.s32 $0x0, s20;
	[sflag:s22] =	ssyncset.done $0x0  }
0xa8: {  	[sflag:s22] =	ssyncadd.s32 s9;
	_ =	sdelay $0x1  }
0xa9: {  	s23 =	simm.s32 $0x1B8B  }
0xaa: {  	_ =	swait.ge [sflag:s23], $0x1  }
0xab: {  	[sflag:s23] =	ssyncset.done $0x0  }
0xac: {  	s25 =	simm.s32 $0x1B8E;
	s24 =	sld [smem:$0x3FFE];
	[sflag:s23] =	ssyncadd.s32 $0xFFFFFFFF  }
0xad: {  	s26 =	simm.s32 $execute0_lowered;
	[smem:$0x3FD2] =	sst s25  }
0xae: {  	s10 =	sshll.u32 s26, $0x1;
	_ =	strace $0x80000046;
	[dreg:$0x1] =	wrdreg $0xFFFFFFFF  }
0xaf: {  	s28 =	simm.s32 $_size_execute0_lowered;
	s8 =	sadd.s32 s8, s10;
	[dreg:$0x0] =	wrdreg $0x0  }
0xb0: {  	s10 =	sshll.u32 s28, $0x1;
	[dreg:$0x2] =	wrdreg s8  }
0xb1: {  	[dreg:$0x3] =	wrdreg s10  }
0xb2: {  	[dreg:$0x4] =	wrdreg $0xC0  }
0xb3: {  	_ =	task [dreg:s12], $0x5FFFF  }
0xb4: {  	[dreg:$0x1] =	wrdreg $0xFFFFFFFF  }
0xb5: {  	[dreg:$0x0] =	wrdreg $0x60  }
0xb6: {  	[dreg:$0x2] =	wrdreg s15  }
0xb7: {  	[dreg:$0x3] =	wrdreg s4  }
0xb8: {  	[dreg:$0x4] =	wrdreg s24  }
0xb9: {  	[dreg:$0x5] =	wrdreg s5  }
0xba: {  	[dreg:$0x6] =	wrdreg s16  }
0xbb: {  	[dreg:$0x7] =	wrdreg s17  }
0xbc: {  	[dreg:$0x8] =	wrdreg s18  }
0xbd: {  	[dreg:$0x9] =	wrdreg $0x9  }
0xbe: {  	_ =	task.clear_ibuf [dreg:s12], $0xAFFFF;
	_ =	strace $0x90000046  }
0xbf: {  	s29 =	simm.s32 $0x9;
	_ =	strace $0x80000048  }
0xc0: {  	_ =	swait.ge [sflag:s29], $0x1  }
0xc1: {  	[sflag:s29] =	ssyncadd.s32 $0xFFFFFFFF  }
0xc2: {  	_ =	strace $0x90000048  }
0xc3: {  	_ =	sfence  }
0xc4: {  	s30 =	sld [smem:$0x0];
	_ =	sdelay $0x2  }
0xc5: {  	s31 =	sshll.u32 s1, $0xD;
	s1 =	sshrl.u32 s1, $0x2  }
0xc6: {  	s3 =	sand.u32 $0x4000, s31;
	s1 =	sadd.s32 s1, s30  }
0xc7: {  	s0 =	sor.u32 s3, s0;
	s1 =	sshll.u32 s1, $0x11  }
0xc8: {  	s0 =	sor.u32 s1, s0  }
0xc9: {  	s0 =	sadd.s32 $0x8F2B, s0  }
0xca: {  	[sflag:s0] =	ssyncadd.remote.s32 $0x1  }
0xcb: {  	_ =	sfence.sel $0xFFFF  }
0xcc: {  	[dreg:$0x0] =	wrdreg $0xFFFFFFFF;
	(pc) =	sbr.abs _section_cstart, $3  }
0xcd: {  	[dreg:$0x1] =	wrdreg $0xFFFFFFFF  }
0xce: {  	_ =	task.clear_ibuf [dreg:s12], $0x2FFFF;
	_ =	strace $0x9FFFFFFF  }
0xcf: {  	(tm) =	ssettm $0x7FFFFFFF  }
tec
execute0_lowered:
.L_overlay_start_1:
0x0: {  	(tag) =	ssettag $0x1  }
0x1: {  	s0 =	rddreg [dreg:$0x0]  }
0x2: {  	s2 =	rddreg [dreg:$0x1]  }
0x3: {  	s5 =	rddreg [dreg:$0x2]  }
0x4: {  	s1 =	rddreg [dreg:$0x3]  }
0x5: {  	s6 =	rddreg [dreg:$0x4]  }
0x6: {  	s7 =	rddreg [dreg:$0x5]  }
0x7: {  	s3 =	rddreg [dreg:$0x6]  }
0x8: {  	s8 =	srdreg.scid;
	s15 =	stileid.u32;
	s4 =	simm.s32 $0x0  }
0x9: {  	s28 =	simm.s32 $0x5800;
	s30 =	simm.s32 $0x9800;
	s29 =	simm.s32 $0x11800  }
0xa: {  	s31 =	simm.s32 $0x2;
	s8 =	sand.u32 $0x1, s8;
	s9 =	sshll.u32 s15, $0x1  }
0xb: {  	[smem:$0x7FF] =	sst s4;
	s13 =	sshll.u32 s15, $0x7;
	s22 =	smul.u32 $0x2800, s15  }
0xc: {  	s9 =	sor.u32 s8, s9;
	_ =	strace $0x80000047;
	s25 =	smul.u32 $0x1400, s8  }
0xd: {  	s11 =	ssub.s32 $0x2, s8;
	s14 =	sshll.u32 s8, $0x6;
	s10 =	smul.u32 $0x280, s9  }
0xe: {  	s12 =	sshrl.u32 s11, $0x1;
	s13 =	sor.u32 s14, s13;
	s16 =	sshll.u32 s9, $0xD  }
0xf: {  	s19 =	smul.u32 $0xA0000, s9;
	s0 =	sadd.s32 s0, s13;
	s14 =	sadd.s32 s2, s13  }
0x10: {  	s18 =	sor.u32 $0x800, s16;
	s20 =	sadd.s32 s6, s16;
	s23 =	sor.u32 $0x1000, s16  }
0x11: {  	s24 =	sor.u32 $0x1800, s16;
	s9 =	sadd.s32 s25, s22;
	[dreg:$0xf] =	wrdreg s0  }
0x12: {  	s22 =	smul.u32 $0x28000, s15;
	s15 =	simm.s32 $0xC;
	[dreg:$0x10] =	wrdreg s14  }
0x13: {  	s5 =	sadd.s32 s10, s5;
	[dreg:$0x12] =	wrdreg s20;
	s21 =	sadd.s32 s6, s18  }
0x14: {  	s10 =	ssub.s32 s11, s12;
	s26 =	sadd.s32 s6, s23;
	[dreg:$0x13] =	wrdreg s21  }
0x15: {  	s6 =	sadd.s32 s6, s24;
	s0 =	sadd.s32 s7, s16;
	[dreg:$0x14] =	wrdreg s26  }
0x16: {  	s2 =	sadd.s32 s7, s18;
	s11 =	sadd.s32 s7, s23;
	[dreg:$0x15] =	wrdreg s6  }
0x17: {  	s13 =	sadd.s32 s7, s24;
	s24 =	smul.u32 $0x14000, s8;
	[dreg:$0x16] =	wrdreg s0  }
0x18: {  	s7 =	simm.s32 $0x19800;
	s8 =	simm.s32 $0x4;
	[dreg:$0x17] =	wrdreg s2  }
0x19: {  	s12 =	simm.s32 $0xA;
	s17 =	sadd.s32 $0x800, s5;
	[dreg:$0x18] =	wrdreg s11  }
0x1a: {  	s6 =	sshrl.u32 s19, $0x3;
	s2 =	sshll.u32 s9, $0x4;
	[dreg:$0x19] =	wrdreg s13  }
0x1b: {  	s5 =	simm.s32 $0x15800;
	[dreg:$0x11] =	wrdreg s17;
	s16 =	sor.u32 $0x3000, s2  }
0x1c: {  	s9 =	simm.s32 $0x5;
	s18 =	sor.u32 $0x2800, s2;
	[dreg:$0x8] =	wrdreg s16  }
0x1d: {  	s11 =	simm.s32 $0x6;
	s20 =	sor.u32 $0x2000, s2;
	[dreg:$0x9] =	wrdreg s18  }
0x1e: {  	s13 =	simm.s32 $0x7;
	s21 =	sor.u32 $0x1800, s2;
	[dreg:$0xa] =	wrdreg s20  }
0x1f: {  	s0 =	sadd.s32 s3, s6;
	s23 =	sor.u32 $0x1000, s2;
	[dreg:$0xb] =	wrdreg s21  }
0x20: {  	s2 =	sor.u32 $0x800, s2;
	s26 =	sadd.s32 s24, s22;
	[dreg:$0xc] =	wrdreg s23  }
0x21: {  	s24 =	simm.s32 $0x8;
	s6 =	simm.s32 $0x3;
	[dreg:$0xd] =	wrdreg s2  }
0x22: {  	s14 =	sadd.s32 $0x11800, s0;
	s17 =	sadd.s32 $0x12000, s0;
	[dreg:$0xe] =	wrdreg s26  }
0x23: {  	s19 =	sadd.s32 $0x12800, s0;
	s25 =	sadd.s32 $0x13000, s0;
	[dreg:$0x1a] =	wrdreg s14  }
0x24: {  	s0 =	sadd.s32 $0x13800, s0;
	s21 =	smax.u32 s10, $0x1;
	[dreg:$0x1b] =	wrdreg s17  }
0x25: {  	s26 =	simm.s32 $0x1800;
	s2 =	simm.s32 $0x1;
	[dreg:$0x1c] =	wrdreg s19  }
0x26: {  	s10 =	simm.s32 $0x9;
	s16 =	simm.s32 $0xD;
	[dreg:$0x1d] =	wrdreg s25  }
0x27: {  	s18 =	simm.s32 $0x0;
	[dreg:$0x1e] =	wrdreg s0;
	s25 =	simm.s32 $0x80  }
0x28: {  	s0 =	simm.s32 $0xD800;
	s14 =	simm.s32 $0xB;
	s17 =	simm.s32 $0xE  }
.LBB2_1:
0x29: {  	s19 =	rddreg [dreg:$0xf]  }
0x2a: {  	[tilespmem:s4], [sflag:$0x8] =	stream.linear.gather [hbm4b:s19+s4], $0x200, $0x38;
	[tilespmem:$0x1D800] =	vst v63  }
0x2b: {  	s22 =	rddreg [dreg:$0x10];
	s20 =	simm.s32 $0x200  }
0x2c: {  	[tilespmem:s20], [sflag:$0x8] =	stream.linear.gather [hbm4b:s22+s4], $0x200, $0x38;
	[tilespmem:$0x1D800] =	vst v63  }
0x2d: {  	s23 =	rddreg [dreg:$0x11];
	s22 =	simm.s32 $0x400  }
0x2e: {  	[tilespmem:s22], [sflag:$0x8] =	stream.linear.gather [hbm4b:s23+s4], $0x1400, $0x38;
	[tilespmem:$0x1D800] =	vst v63  }
0x2f: {  	_ =	swait.ge [sflag:s24], $0x200  }
0x30: {  	[sflag:s24] =	ssyncset.done $0x0  }
0x31: {  	[sflag:s24] =	ssyncadd.s32 $0xFFFFFE00  }
0x32: {  	_ =	swait.ge [sflag:s24], $0x200  }
0x33: {  	[sflag:s24] =	ssyncset.done $0x0  }
0x34: {  	[sflag:s24] =	ssyncadd.s32 $0xFFFFFE00  }
0x35: {  	_ =	swait.ge [sflag:s24], $0x1400  }
0x36: {  	[sflag:s24] =	ssyncset.done $0x0  }
0x37: {  	[sflag:s24] =	ssyncadd.s32 $0xFFFFEC00  }
0x38: {  	[tilespmem:s26], [sflag:$0x1] =	stream.indirect.gather [hbm4b:s1+s25], $0x80, s4, s25, $0xb8;
	[tilespmem:$0x1D800] =	vst v63  }
0x39: {  	_ = 	snop  }
0x3a: {  	[tilespmem:s28], [sflag:$0x2] =	stream.indirect.gather [hbm4b:s1+s25], $0x80, s25, s25, $0xb8;
	[tilespmem:$0x1D800] =	vst v63  }
0x3b: {  	s23 =	simm.s32 $0x100  }
0x3c: {  	[tilespmem:s30], [sflag:$0x3] =	stream.indirect.gather [hbm4b:s1+s25], $0x80, s23, s25, $0xb8;
	[tilespmem:$0x1D800] =	vst v63  }
0x3d: {  	s23 =	simm.s32 $0x180  }
0x3e: {  	[tilespmem:s0], [sflag:$0x4] =	stream.indirect.gather [hbm4b:s1+s25], $0x80, s23, s25, $0xb8;
	[tilespmem:$0x1D800] =	vst v63  }
0x3f: {  	_ =	swait.ge [sflag:s2], $0x4000  }
0x40: {  	[sflag:s2] =	ssyncset.done $0x0  }
0x41: {  	s23 =	rddreg [dreg:$0x12];
	[sflag:s2] =	ssyncadd.s32 $0xFFFFC000  }
0x42: {  	[hbm4b:s23+s4] =	stream.linear.scatter [tilespmem:s26], [sflag:$0x8], $0x4000, $0x38;
	[tilespmem:$0x1D800] =	vst v63  }
0x43: {  	_ = 	snop  }
0x44: {  	[tilespmem:s29], [sflag:$0x5] =	stream.indirect.gather [hbm4b:s1+s25], $0x80, s20, s25, $0xb8;
	[tilespmem:$0x1D800] =	vst v63  }
0x45: {  	_ =	swait.ge [sflag:s31], $0x4000  }
0x46: {  	[sflag:s31] =	ssyncset.done $0x0  }
0x47: {  	s20 =	rddreg [dreg:$0x13];
	[sflag:s31] =	ssyncadd.s32 $0xFFFFC000  }
0x48: {  	[hbm4b:s20+s4] =	stream.linear.scatter [tilespmem:s28], [sflag:$0x9], $0x4000, $0x38;
	[tilespmem:$0x1D800] =	vst v63  }
0x49: {  	s23 =	simm.s32 $0x280  }
0x4a: {  	[tilespmem:s5], [sflag:$0x6] =	stream.indirect.gather [hbm4b:s1+s25], $0x80, s23, s25, $0xb8;
	[tilespmem:$0x1D800] =	vst v63  }
0x4b: {  	_ =	swait.ge [sflag:s6], $0x4000  }
0x4c: {  	[sflag:s6] =	ssyncset.done $0x0  }
0x4d: {  	s20 =	rddreg [dreg:$0x14];
	[sflag:s6] =	ssyncadd.s32 $0xFFFFC000  }
0x4e: {  	[hbm4b:s20+s4] =	stream.linear.scatter [tilespmem:s30], [sflag:$0xA], $0x4000, $0x38;
	[tilespmem:$0x1D800] =	vst v63  }
0x4f: {  	s23 =	simm.s32 $0x300  }
0x50: {  	[tilespmem:s7], [sflag:$0x7] =	stream.indirect.gather [hbm4b:s1+s25], $0x80, s23, s25, $0xb8;
	[tilespmem:$0x1D800] =	vst v63  }
0x51: {  	_ =	swait.ge [sflag:s8], $0x4000  }
0x52: {  	[sflag:s8] =	ssyncset.done $0x0  }
0x53: {  	s20 =	rddreg [dreg:$0x15];
	[sflag:s8] =	ssyncadd.s32 $0xFFFFC000  }
0x54: {  	[hbm4b:s20+s4] =	stream.linear.scatter [tilespmem:s0], [sflag:$0xB], $0x4000, $0x38;
	[tilespmem:$0x1D800] =	vst v63  }
0x55: {  	_ =	swait.ge [sflag:s24], $0x4000  }
0x56: {  	[sflag:s24] =	ssyncset.done $0x0  }
0x57: {  	s23 =	simm.s32 $0x380;
	[sflag:s24] =	ssyncadd.s32 $0xFFFFC000  }
0x58: {  	[tilespmem:s26], [sflag:$0x1] =	stream.indirect.gather [hbm4b:s1+s25], $0x80, s23, s25, $0xb8;
	[tilespmem:$0x1D800] =	vst v63  }
0x59: {  	_ =	swait.ge [sflag:s9], $0x4000  }
0x5a: {  	[sflag:s9] =	ssyncset.done $0x0  }
0x5b: {  	s20 =	rddreg [dreg:$0x16];
	[sflag:s9] =	ssyncadd.s32 $0xFFFFC000  }
0x5c: {  	[hbm4b:s20+s4] =	stream.linear.scatter [tilespmem:s29], [sflag:$0xC], $0x4000, $0x38;
	[tilespmem:$0x1D800] =	vst v63  }
0x5d: {  	_ =	swait.ge [sflag:s10], $0x4000  }
0x5e: {  	[sflag:s10] =	ssyncset.done $0x0  }
0x5f: {  	[sflag:s10] =	ssyncadd.s32 $0xFFFFC000  }
0x60: {  	[tilespmem:s28], [sflag:$0x2] =	stream.indirect.gather [hbm4b:s1+s25], $0x80, s22, s25, $0xb8;
	[tilespmem:$0x1D800] =	vst v63  }
0x61: {  	_ =	swait.ge [sflag:s11], $0x4000  }
0x62: {  	[sflag:s11] =	ssyncset.done $0x0  }
0x63: {  	s23 =	rddreg [dreg:$0x17];
	[sflag:s11] =	ssyncadd.s32 $0xFFFFC000  }
0x64: {  	[hbm4b:s23+s4] =	stream.linear.scatter [tilespmem:s5], [sflag:$0xD], $0x4000, $0x38;
	[tilespmem:$0x1D800] =	vst v63  }
0x65: {  	_ =	swait.ge [sflag:s12], $0x4000  }
0x66: {  	[sflag:s12] =	ssyncset.done $0x0  }
0x67: {  	s20 =	simm.s32 $0x480;
	[sflag:s12] =	ssyncadd.s32 $0xFFFFC000  }
0x68: {  	[tilespmem:s30], [sflag:$0x3] =	stream.indirect.gather [hbm4b:s1+s25], $0x80, s20, s25, $0xb8;
	[tilespmem:$0x1D800] =	vst v63  }
0x69: {  	_ =	swait.ge [sflag:s13], $0x4000  }
0x6a: {  	[sflag:s13] =	ssyncset.done $0x0  }
0x6b: {  	s22 =	rddreg [dreg:$0x18];
	[sflag:s13] =	ssyncadd.s32 $0xFFFFC000  }
0x6c: {  	[hbm4b:s22+s4] =	stream.linear.scatter [tilespmem:s7], [sflag:$0xE], $0x4000, $0x38;
	[tilespmem:$0x1D800] =	vst v63  }
0x6d: {  	_ =	swait.ge [sflag:s14], $0x4000  }
0x6e: {  	[sflag:s14] =	ssyncset.done $0x0  }
0x6f: {  	s23 =	simm.s32 $0x500;
	[sflag:s14] =	ssyncadd.s32 $0xFFFFC000  }
0x70: {  	[tilespmem:s0], [sflag:$0x4] =	stream.indirect.gather [hbm4b:s1+s25], $0x80, s23, s25, $0xb8;
	[tilespmem:$0x1D800] =	vst v63  }
0x71: {  	_ =	swait.ge [sflag:s2], $0x4000  }
0x72: {  	[sflag:s2] =	ssyncset.done $0x0  }
0x73: {  	s20 =	rddreg [dreg:$0x19];
	[sflag:s2] =	ssyncadd.s32 $0xFFFFC000  }
0x74: {  	[hbm4b:s20+s4] =	stream.linear.scatter [tilespmem:s26], [sflag:$0x8], $0x4000, $0x38;
	[tilespmem:$0x1D800] =	vst v63  }
0x75: {  	_ =	swait.ge [sflag:s15], $0x4000  }
0x76: {  	[sflag:s15] =	ssyncset.done $0x0  }
0x77: {  	s22 =	simm.s32 $0x580;
	[sflag:s15] =	ssyncadd.s32 $0xFFFFC000  }
0x78: {  	[tilespmem:s29], [sflag:$0x5] =	stream.indirect.gather [hbm4b:s1+s25], $0x80, s22, s25, $0xb8;
	[tilespmem:$0x1D800] =	vst v63  }
0x79: {  	_ =	swait.ge [sflag:s31], $0x4000  }
0x7a: {  	s23 =	rddreg [dreg:$0xe];
	[sflag:s31] =	ssyncset.done $0x0  }
0x7b: {  	[sflag:s31] =	ssyncadd.s32 $0xFFFFC000;
	s19 =	sadd.s32 s3, s23  }
0x7c: {  	[hbm4b:s19+s4] =	stream.linear.scatter [tilespmem:s28], [sflag:$0x9], $0x4000, $0x38;
	[tilespmem:$0x1D800] =	vst v63  }
0x7d: {  	_ =	swait.ge [sflag:s16], $0x4000  }
0x7e: {  	[sflag:s16] =	ssyncset.done $0x0  }
0x7f: {  	s20 =	simm.s32 $0x600;
	[sflag:s16] =	ssyncadd.s32 $0xFFFFC000  }
0x80: {  	[tilespmem:s5], [sflag:$0x6] =	stream.indirect.gather [hbm4b:s1+s25], $0x80, s20, s25, $0xb8;
	[tilespmem:$0x1D800] =	vst v63  }
0x81: {  	_ =	swait.ge [sflag:s6], $0x4000  }
0x82: {  	s22 =	rddreg [dreg:$0xd];
	[sflag:s6] =	ssyncset.done $0x0  }
0x83: {  	[sflag:s6] =	ssyncadd.s32 $0xFFFFC000;
	s19 =	sadd.s32 s3, s22  }
0x84: {  	[hbm4b:s19+s4] =	stream.linear.scatter [tilespmem:s30], [sflag:$0xA], $0x4000, $0x38;
	[tilespmem:$0x1D800] =	vst v63  }
0x85: {  	_ =	swait.ge [sflag:s17], $0x4000  }
0x86: {  	[sflag:s17] =	ssyncset.done $0x0  }
0x87: {  	s23 =	simm.s32 $0x680;
	[sflag:s17] =	ssyncadd.s32 $0xFFFFC000  }
0x88: {  	[tilespmem:s7], [sflag:$0x7] =	stream.indirect.gather [hbm4b:s1+s25], $0x80, s23, s25, $0xb8;
	[tilespmem:$0x1D800] =	vst v63  }
0x89: {  	_ =	swait.ge [sflag:s8], $0x4000  }
0x8a: {  	s20 =	rddreg [dreg:$0xc];
	[sflag:s8] =	ssyncset.done $0x0  }
0x8b: {  	[sflag:s8] =	ssyncadd.s32 $0xFFFFC000;
	s19 =	sadd.s32 s3, s20  }
0x8c: {  	[hbm4b:s19+s4] =	stream.linear.scatter [tilespmem:s0], [sflag:$0xB], $0x4000, $0x38;
	[tilespmem:$0x1D800] =	vst v63  }
0x8d: {  	_ =	swait.ge [sflag:s24], $0x4000  }
0x8e: {  	[sflag:s24] =	ssyncset.done $0x0  }
0x8f: {  	s22 =	simm.s32 $0x700;
	[sflag:s24] =	ssyncadd.s32 $0xFFFFC000  }
0x90: {  	[tilespmem:s26], [sflag:$0x1] =	stream.indirect.gather [hbm4b:s1+s25], $0x80, s22, s25, $0xb8;
	[tilespmem:$0x1D800] =	vst v63  }
0x91: {  	_ =	swait.ge [sflag:s9], $0x4000  }
0x92: {  	s23 =	rddreg [dreg:$0xb];
	[sflag:s9] =	ssyncset.done $0x0  }
0x93: {  	[sflag:s9] =	ssyncadd.s32 $0xFFFFC000;
	s19 =	sadd.s32 s3, s23  }
0x94: {  	[hbm4b:s19+s4] =	stream.linear.scatter [tilespmem:s29], [sflag:$0xC], $0x4000, $0x38;
	[tilespmem:$0x1D800] =	vst v63  }
0x95: {  	_ =	swait.ge [sflag:s10], $0x4000  }
0x96: {  	[sflag:s10] =	ssyncset.done $0x0  }
0x97: {  	s20 =	simm.s32 $0x780;
	[sflag:s10] =	ssyncadd.s32 $0xFFFFC000  }
0x98: {  	[tilespmem:s28], [sflag:$0x2] =	stream.indirect.gather [hbm4b:s1+s25], $0x80, s20, s25, $0xb8;
	[tilespmem:$0x1D800] =	vst v63  }
0x99: {  	_ =	swait.ge [sflag:s11], $0x4000  }
0x9a: {  	s22 =	rddreg [dreg:$0xa];
	[sflag:s11] =	ssyncset.done $0x0  }
0x9b: {  	[sflag:s11] =	ssyncadd.s32 $0xFFFFC000;
	s19 =	sadd.s32 s3, s22  }
0x9c: {  	[hbm4b:s19+s4] =	stream.linear.scatter [tilespmem:s5], [sflag:$0xD], $0x4000, $0x38;
	[tilespmem:$0x1D800] =	vst v63  }
0x9d: {  	_ =	swait.ge [sflag:s12], $0x4000  }
0x9e: {  	[sflag:s12] =	ssyncset.done $0x0  }
0x9f: {  	s23 =	simm.s32 $0x800;
	[sflag:s12] =	ssyncadd.s32 $0xFFFFC000  }
0xa0: {  	[tilespmem:s30], [sflag:$0x3] =	stream.indirect.gather [hbm4b:s1+s25], $0x80, s23, s25, $0xb8;
	[tilespmem:$0x1D800] =	vst v63  }
0xa1: {  	_ =	swait.ge [sflag:s13], $0x4000  }
0xa2: {  	s20 =	rddreg [dreg:$0x9];
	[sflag:s13] =	ssyncset.done $0x0  }
0xa3: {  	[sflag:s13] =	ssyncadd.s32 $0xFFFFC000;
	s19 =	sadd.s32 s3, s20  }
0xa4: {  	[hbm4b:s19+s4] =	stream.linear.scatter [tilespmem:s7], [sflag:$0xE], $0x4000, $0x38;
	[tilespmem:$0x1D800] =	vst v63  }
0xa5: {  	_ =	swait.ge [sflag:s14], $0x4000  }
0xa6: {  	[sflag:s14] =	ssyncset.done $0x0  }
0xa7: {  	s22 =	simm.s32 $0x880;
	[sflag:s14] =	ssyncadd.s32 $0xFFFFC000  }
0xa8: {  	[tilespmem:s0], [sflag:$0x4] =	stream.indirect.gather [hbm4b:s1+s25], $0x80, s22, s25, $0xb8;
	[tilespmem:$0x1D800] =	vst v63  }
0xa9: {  	_ =	swait.ge [sflag:s2], $0x4000  }
0xaa: {  	s23 =	rddreg [dreg:$0x8];
	[sflag:s2] =	ssyncset.done $0x0  }
0xab: {  	[sflag:s2] =	ssyncadd.s32 $0xFFFFC000;
	s19 =	sadd.s32 s3, s23  }
0xac: {  	[hbm4b:s19+s4] =	stream.linear.scatter [tilespmem:s26], [sflag:$0x8], $0x4000, $0x38;
	[tilespmem:$0x1D800] =	vst v63  }
0xad: {  	_ =	swait.ge [sflag:s15], $0x4000  }
0xae: {  	s22 =	sadd.s32 $0x3800, s3;
	[sflag:s15] =	ssyncset.done $0x0  }
0xaf: {  	s23 =	simm.s32 $0x900;
	s19 =	simm.s32 $0xE00;
	[sflag:s15] =	ssyncadd.s32 $0xFFFFC000  }
.LBB2_2:
0xb0: {  	[tilespmem:s29], [sflag:$0x5] =	stream.indirect.gather [hbm4b:s1+s25], $0x80, s23, s25, $0xb8;
	[tilespmem:$0x1D800] =	vst v63  }
0xb1: {  	_ =	swait.ge [sflag:s31], $0x4000  }
0xb2: {  	s20 =	rddreg [dreg:$0xe];
	[sflag:s31] =	ssyncset.done $0x0  }
0xb3: {  	[sflag:s31] =	ssyncadd.s32 $0xFFFFC000;
	s20 =	sadd.s32 s22, s20  }
0xb4: {  	[hbm4b:s20+s4] =	stream.linear.scatter [tilespmem:s28], [sflag:$0x9], $0x4000, $0x38;
	[tilespmem:$0x1D800] =	vst v63  }
0xb5: {  	s23 =	smov.u32 s19;
	_ =	swait.ge [sflag:s16], $0x4000  }
0xb6: {  	s23 =	sshra.s32 s23, $0x2;
	[sflag:s16] =	ssyncset.done $0x0  }
0xb7: {  	s20 =	sadd.s32 $0x600, s23;
	[sflag:s16] =	ssyncadd.s32 $0xFFFFC000  }
0xb8: {  	[tilespmem:s5], [sflag:$0x6] =	stream.indirect.gather [hbm4b:s1+s25], $0x80, s20, s25, $0xb8;
	[tilespmem:$0x1D800] =	vst v63  }
0xb9: {  	_ =	swait.ge [sflag:s6], $0x4000  }
0xba: {  	s20 =	rddreg [dreg:$0xd];
	[sflag:s6] =	ssyncset.done $0x0  }
0xbb: {  	[sflag:s6] =	ssyncadd.s32 $0xFFFFC000;
	s20 =	sadd.s32 s22, s20  }
0xbc: {  	[hbm4b:s20+s4] =	stream.linear.scatter [tilespmem:s30], [sflag:$0xA], $0x4000, $0x38;
	[tilespmem:$0x1D800] =	vst v63  }
0xbd: {  	_ =	swait.ge [sflag:s17], $0x4000  }
0xbe: {  	[sflag:s17] =	ssyncset.done $0x0  }
0xbf: {  	s20 =	sadd.s32 $0x680, s23;
	[sflag:s17] =	ssyncadd.s32 $0xFFFFC000  }
0xc0: {  	[tilespmem:s7], [sflag:$0x7] =	stream.indirect.gather [hbm4b:s1+s25], $0x80, s20, s25, $0xb8;
	[tilespmem:$0x1D800] =	vst v63  }
0xc1: {  	_ =	swait.ge [sflag:s8], $0x4000  }
0xc2: {  	s20 =	rddreg [dreg:$0xc];
	[sflag:s8] =	ssyncset.done $0x0  }
0xc3: {  	[sflag:s8] =	ssyncadd.s32 $0xFFFFC000;
	s20 =	sadd.s32 s22, s20  }
0xc4: {  	[hbm4b:s20+s4] =	stream.linear.scatter [tilespmem:s0], [sflag:$0xB], $0x4000, $0x38;
	[tilespmem:$0x1D800] =	vst v63  }
0xc5: {  	_ =	swait.ge [sflag:s24], $0x4000  }
0xc6: {  	[sflag:s24] =	ssyncset.done $0x0  }
0xc7: {  	s20 =	sadd.s32 $0x700, s23;
	[sflag:s24] =	ssyncadd.s32 $0xFFFFC000  }
0xc8: {  	[tilespmem:s26], [sflag:$0x1] =	stream.indirect.gather [hbm4b:s1+s25], $0x80, s20, s25, $0xb8;
	[tilespmem:$0x1D800] =	vst v63  }
0xc9: {  	_ =	swait.ge [sflag:s9], $0x4000  }
0xca: {  	s20 =	rddreg [dreg:$0xb];
	[sflag:s9] =	ssyncset.done $0x0  }
0xcb: {  	[sflag:s9] =	ssyncadd.s32 $0xFFFFC000;
	s20 =	sadd.s32 s22, s20  }
0xcc: {  	[hbm4b:s20+s4] =	stream.linear.scatter [tilespmem:s29], [sflag:$0xC], $0x4000, $0x38;
	[tilespmem:$0x1D800] =	vst v63  }
0xcd: {  	_ =	swait.ge [sflag:s10], $0x4000  }
0xce: {  	[sflag:s10] =	ssyncset.done $0x0  }
0xcf: {  	s20 =	sadd.s32 $0x780, s23;
	[sflag:s10] =	ssyncadd.s32 $0xFFFFC000  }
0xd0: {  	[tilespmem:s28], [sflag:$0x2] =	stream.indirect.gather [hbm4b:s1+s25], $0x80, s20, s25, $0xb8;
	[tilespmem:$0x1D800] =	vst v63  }
0xd1: {  	_ =	swait.ge [sflag:s11], $0x4000  }
0xd2: {  	s20 =	rddreg [dreg:$0xa];
	[sflag:s11] =	ssyncset.done $0x0  }
0xd3: {  	[sflag:s11] =	ssyncadd.s32 $0xFFFFC000;
	s20 =	sadd.s32 s22, s20  }
0xd4: {  	[hbm4b:s20+s4] =	stream.linear.scatter [tilespmem:s5], [sflag:$0xD], $0x4000, $0x38;
	[tilespmem:$0x1D800] =	vst v63  }
0xd5: {  	_ =	swait.ge [sflag:s12], $0x4000  }
0xd6: {  	[sflag:s12] =	ssyncset.done $0x0  }
0xd7: {  	s20 =	sadd.s32 $0x800, s23;
	[sflag:s12] =	ssyncadd.s32 $0xFFFFC000  }
0xd8: {  	[tilespmem:s30], [sflag:$0x3] =	stream.indirect.gather [hbm4b:s1+s25], $0x80, s20, s25, $0xb8;
	[tilespmem:$0x1D800] =	vst v63  }
0xd9: {  	_ =	swait.ge [sflag:s13], $0x4000  }
0xda: {  	s20 =	rddreg [dreg:$0x9];
	[sflag:s13] =	ssyncset.done $0x0  }
0xdb: {  	[sflag:s13] =	ssyncadd.s32 $0xFFFFC000;
	s20 =	sadd.s32 s22, s20  }
0xdc: {  	[hbm4b:s20+s4] =	stream.linear.scatter [tilespmem:s7], [sflag:$0xE], $0x4000, $0x38;
	[tilespmem:$0x1D800] =	vst v63  }
0xdd: {  	_ =	swait.ge [sflag:s14], $0x4000  }
0xde: {  	[sflag:s14] =	ssyncset.done $0x0  }
0xdf: {  	s20 =	sadd.s32 $0x880, s23;
	[sflag:s14] =	ssyncadd.s32 $0xFFFFC000  }
0xe0: {  	[tilespmem:s0], [sflag:$0x4] =	stream.indirect.gather [hbm4b:s1+s25], $0x80, s20, s25, $0xb8;
	[tilespmem:$0x1D800] =	vst v63  }
0xe1: {  	_ =	swait.ge [sflag:s2], $0x4000  }
0xe2: {  	p0 =	sne.s32 s19, $0x3800;
	s20 =	rddreg [dreg:$0x8];
	[sflag:s2] =	ssyncset.done $0x0  }
.Ltmp0:
0xe3: {  	[sflag:s2] =	ssyncadd.s32 $0xFFFFC000;
	s20 =	sadd.s32 s22, s20;
	(pc) =	sbr.rel @p0 .LBB2_2-.Ltmp0, $4  }
0xe4: {  	[hbm4b:s20+s4] =	stream.linear.scatter [tilespmem:s26], [sflag:$0x8], $0x4000, $0x38;
	[tilespmem:$0x1D800] =	vst v63  }
0xe5: {  	_ =	swait.ge [sflag:s15], $0x4000  }
0xe6: {  	s19 =	sadd.s32 $0xE00, s19;
	[sflag:s15] =	ssyncset.done $0x0  }
0xe7: {  	s23 =	sadd.s32 $0x900, s23;
	s22 =	sadd.s32 $0x3800, s22;
	[sflag:s15] =	ssyncadd.s32 $0xFFFFC000  }
0xe8: {  	[tilespmem:s29], [sflag:$0x5] =	stream.indirect.gather [hbm4b:s1+s25], $0x80, s23, s25, $0xb8;
	[tilespmem:$0x1D800] =	vst v63  }
0xe9: {  	_ =	swait.ge [sflag:s31], $0x4000  }
0xea: {  	[sflag:s31] =	ssyncset.done $0x0  }
0xeb: {  	s19 =	rddreg [dreg:$0x1a];
	[sflag:s31] =	ssyncadd.s32 $0xFFFFC000  }
0xec: {  	[hbm4b:s19+s4] =	stream.linear.scatter [tilespmem:s28], [sflag:$0x9], $0x4000, $0x38;
	[tilespmem:$0x1D800] =	vst v63  }
0xed: {  	_ =	swait.ge [sflag:s16], $0x4000  }
0xee: {  	[sflag:s16] =	ssyncset.done $0x0  }
0xef: {  	s22 =	simm.s32 $0x1780;
	[sflag:s16] =	ssyncadd.s32 $0xFFFFC000  }
0xf0: {  	[tilespmem:s5], [sflag:$0x6] =	stream.indirect.gather [hbm4b:s1+s25], $0x80, s22, s25, $0xb8;
	[tilespmem:$0x1D800] =	vst v63  }
0xf1: {  	_ =	swait.ge [sflag:s6], $0x4000  }
0xf2: {  	[sflag:s6] =	ssyncset.done $0x0  }
0xf3: {  	s23 =	rddreg [dreg:$0x1b];
	[sflag:s6] =	ssyncadd.s32 $0xFFFFC000  }
0xf4: {  	[hbm4b:s23+s4] =	stream.linear.scatter [tilespmem:s30], [sflag:$0xA], $0x4000, $0x38;
	[tilespmem:$0x1D800] =	vst v63  }
0xf5: {  	_ =	swait.ge [sflag:s8], $0x4000  }
0xf6: {  	[sflag:s8] =	ssyncset.done $0x0  }
0xf7: {  	s20 =	rddreg [dreg:$0x1c];
	[sflag:s8] =	ssyncadd.s32 $0xFFFFC000  }
0xf8: {  	[hbm4b:s20+s4] =	stream.linear.scatter [tilespmem:s0], [sflag:$0xB], $0x4000, $0x38;
	[tilespmem:$0x1D800] =	vst v63  }
0xf9: {  	_ =	swait.ge [sflag:s9], $0x4000  }
0xfa: {  	[sflag:s9] =	ssyncset.done $0x0  }
0xfb: {  	s22 =	rddreg [dreg:$0x1d];
	[sflag:s9] =	ssyncadd.s32 $0xFFFFC000  }
0xfc: {  	[hbm4b:s22+s4] =	stream.linear.scatter [tilespmem:s29], [sflag:$0xC], $0x4000, $0x38;
	[tilespmem:$0x1D800] =	vst v63  }
0xfd: {  	_ =	swait.ge [sflag:s11], $0x4000  }
0xfe: {  	[sflag:s11] =	ssyncset.done $0x0  }
0xff: {  	s23 =	rddreg [dreg:$0x1e];
	[sflag:s11] =	ssyncadd.s32 $0xFFFFC000  }
0x100: {  	[hbm4b:s23+s4] =	stream.linear.scatter [tilespmem:s5], [sflag:$0xD], $0x4000, $0x38;
	[tilespmem:$0x1D800] =	vst v63  }
0x101: {  	_ =	swait.ge [sflag:s17], $0x4000  }
0x102: {  	[sflag:s17] =	ssyncset.done $0x0  }
0x103: {  	[sflag:s17] =	ssyncadd.s32 $0xFFFFC000  }
0x104: {  	_ =	swait.ge [sflag:s24], $0x4000  }
0x105: {  	[sflag:s24] =	ssyncset.done $0x0  }
0x106: {  	[sflag:s24] =	ssyncadd.s32 $0xFFFFC000  }
0x107: {  	_ =	swait.ge [sflag:s10], $0x4000  }
0x108: {  	[sflag:s10] =	ssyncset.done $0x0  }
0x109: {  	[sflag:s10] =	ssyncadd.s32 $0xFFFFC000  }
0x10a: {  	_ =	swait.ge [sflag:s12], $0x4000  }
0x10b: {  	[sflag:s12] =	ssyncset.done $0x0  }
0x10c: {  	[sflag:s12] =	ssyncadd.s32 $0xFFFFC000  }
0x10d: {  	_ =	swait.ge [sflag:s14], $0x4000  }
0x10e: {  	[sflag:s14] =	ssyncset.done $0x0  }
0x10f: {  	s18 =	sadd.s32 $0x1, s18;
	[sflag:s14] =	ssyncadd.s32 $0xFFFFC000  }
0x110: {  	p0 =	sne.s32 s18, s21;
	_ =	swait.ge [sflag:s15], $0x4000  }
.Ltmp1:
0x111: {  	[sflag:s15] =	ssyncset.done $0x0;
	(pc) =	sbr.rel @p0 .LBB2_1-.Ltmp1, $4  }
0x112: {  	[sflag:s15] =	ssyncadd.s32 $0xFFFFC000  }
0x113: {  	_ =	swait.ge [sflag:s16], $0x4000  }
0x114: {  	[sflag:s16] =	ssyncset.done $0x0  }
0x115: {  	[sflag:s16] =	ssyncadd.s32 $0xFFFFC000  }
0x116: {  	_ =	sfence.sel $0x180000  }
0x117: {  	[bflag:$0x0] =	sbarrier.arrive $0xFFFF  }
0x118: {  	_ =	strace $0x90000047  }
0x119: {  	s0 =	stileid.u32;
	[bflag:$0x2] =	sbarrier.arrive $0xFFFF  }
0x11a: {  	p0 =	sne.s32 s0, $0x0;
	s0 =	rddreg [dreg:$0x7]  }
0x11b: {  	s0 =	sadd.s32 @!p0 $0x100000, s0  }
0x11c: {  	[sflag:s0] =	ssyncadd.tile.s32 @!p0 $0x1;
	_ =	shalt  }
.Lfunc_end2:
_tile_overlayer_lowered:
.L_overlay_start_2:
0x11d: {  	(tag) =	ssettag $0x2  }
0x11e: {  	s0 =	rddreg [dreg:$0x0];
	s2 =	stileid.u32  }
0x11f: {  	s1 =	rddreg [dreg:$0x1];
	p0 =	sne.s32 s2, $0x0  }
0x120: {  	s3 =	rddreg [dreg:$0x2];
	[bflag:$0x3] =	sbarrier.arrive $0xFFFF;
	s2 =	simm.s32 @!p0 $0x1C0F  }
0x121: {  	[timem:s3], [sflag:s2] =	dma.local @!p0 [hbm:s0], s1  }
0x122: {  	s0 =	simm.s32 @!p0 $0xF  }
0x123: {  	_ =	swait.ge @!p0 [sflag:s0], s1  }
0x124: {  	s1 =	ssub.s32 @!p0 $0x0, s1;
	[sflag:s0] =	ssyncset.done @!p0 $0x0  }
0x125: {  	[sflag:s0] =	ssyncadd.s32 @!p0 s1  }
0x126: {  	[bflag:$0x3] =	sbarrier.arrive $0xFFFF  }
0x127: {  	_ =	shalt  }

</sc_bundles>
